<compile_context>
chip_gen: v7x
topology: tpu7x:2x2x1
jax: 0.10.2.dev20260603
libtpu: 0.0.44.dev20260713+nightly
codegen_flags: <defaults>
</compile_context>

<pallas_src>
import functools

import jax
import jax.numpy as jnp
from jax import lax
from jax.experimental import pallas as pl
from jax.experimental.pallas import tpu as pltpu
from jax.experimental.pallas import tpu_sc as plsc

_B = 16
_C = 64
_HW = 64 * 64
_K = 1024
_N = _B * _HW


def _vq_indices(z_hbm, emb_ref, idx_hbm, loss_ref,
                zbuf, ibuf, in_sem, outi_sem):
    emb = emb_ref[...]
    h = 0.5 * jnp.sum(emb * emb, axis=0)

    def in_copy(i):
        return pltpu.make_async_copy(
            z_hbm.at[i], zbuf.at[i % 2], in_sem.at[i % 2])

    def outi_copy(i):
        return pltpu.make_async_copy(
            ibuf.at[i % 2], idx_hbm.at[i], outi_sem.at[i % 2])

    in_copy(0).start()
    loss_acc = jnp.zeros((_HW,), jnp.float32)
    for i in range(_B):
        if i + 1 < _B:
            in_copy(i + 1).start()
        in_copy(i).wait()
        zb = zbuf[i % 2]
        scores = jax.lax.dot_general(
            emb, zb, (((0,), (0,)), ((), ())),
            preferred_element_type=jnp.float32)
        score = scores - h[:, None]
        idx = jnp.argmax(score, axis=0)
        m = jnp.max(score, axis=0)
        if i >= 2:
            outi_copy(i - 2).wait()
        ibuf[i % 2, 0] = idx
        outi_copy(i).start()
        z_sq = jnp.sum(zb * zb, axis=0)
        loss_acc = loss_acc + (z_sq - 2.0 * m)
    outi_copy(_B - 2).wait()
    outi_copy(_B - 1).wait()
    loss_ref[0] = loss_acc


_INFO = plsc.get_sparse_core_info()
_NW = _INFO.num_cores * _INFO.num_subcores
_PER_W = _N // _NW
_CHUNK = 256
_NCH = _PER_W // _CHUNK


def _sc_gather(table_hbm, idx_hbm, out_hbm, idx_v, rows_v, sem):
    wid = lax.axis_index("s") * _INFO.num_cores + lax.axis_index("c")
    base = wid * _PER_W
    for j in range(_NCH):
        off = base + j * _CHUNK
        pltpu.sync_copy(idx_hbm.at[pl.ds(off, _CHUNK)], idx_v)
        pltpu.async_copy(table_hbm.at[idx_v], rows_v, sem).wait()
        pltpu.sync_copy(rows_v, out_hbm.at[pl.ds(off, _CHUNK)])


@jax.jit
def kernel(z, embedding):
    commitment_cost = 0.25
    z3 = z.reshape(_B, _C, _HW)
    idx, loss_parts = pl.pallas_call(
        _vq_indices,
        in_specs=[
            pl.BlockSpec(memory_space=pl.ANY),
            pl.BlockSpec(memory_space=pltpu.VMEM),
        ],
        out_specs=[
            pl.BlockSpec(memory_space=pl.ANY),
            pl.BlockSpec(memory_space=pltpu.VMEM),
        ],
        out_shape=[
            jax.ShapeDtypeStruct((_B, 1, _HW), jnp.int32),
            jax.ShapeDtypeStruct((1, _HW), jnp.float32),
        ],
        scratch_shapes=[
            pltpu.VMEM((2, _C, _HW), jnp.float32),
            pltpu.VMEM((2, 1, _HW), jnp.int32),
            pltpu.SemaphoreType.DMA((2,)),
            pltpu.SemaphoreType.DMA((2,)),
        ],
    )(z3, embedding)

    mesh = plsc.VectorSubcoreMesh(core_axis_name="c", subcore_axis_name="s")
    gather = functools.partial(
        pl.kernel, mesh=mesh,
        compiler_params=pltpu.CompilerParams(use_tc_tiling_on_sc=False),
        out_type=jax.ShapeDtypeStruct((_N, _C), jnp.float32),
        scratch_types=[
            pltpu.VMEM((_CHUNK,), jnp.int32),
            pltpu.VMEM((_CHUNK, _C), jnp.float32),
            pltpu.SemaphoreType.DMA,
        ],
    )(_sc_gather)
    rows = gather(embedding.T, idx.reshape(_N))

    quantized_out = jnp.transpose(
        rows.reshape(_B, _HW, _C), (0, 2, 1)).reshape(z.shape)
    encoding_indices = idx.reshape(_B, 64, 64)
    loss = (1.0 + commitment_cost) * jnp.sum(loss_parts) / z.size
    return (quantized_out, loss, encoding_indices)

# --- scband reference (transcript-rebuilt; emitter-appended) ---
"""Pipeline reference for scband-vector-quantizer-ema-50491635532272 (READ-ONLY COPY).

The authoritative reference and input builder live on the scoring server;
editing this copy changes nothing except your own understanding.
"""

import jax, jax.numpy as jnp
import numpy as np


def setup_inputs(seed: int = 0) -> dict:
    key = jax.random.key(seed)
    k1, k2 = jax.random.split(key)
    z = jax.random.normal(k1, (16, 64, 64, 64), dtype=jnp.float32)
    # embedding buffer: shape (embedding_dim, num_embeddings) per the torch module
    embedding = jax.random.normal(k2, (64, 1024), dtype=jnp.float32)
    return {"z": z, "embedding": embedding}


def reference(z, embedding):
    commitment_cost = 0.25
    embedding_dim = embedding.shape[0]
    num_embeddings = embedding.shape[1]
    # z: (B, C, H, W) -> (B, H, W, C)
    z_perm = jnp.transpose(z, (0, 2, 3, 1))
    flat_z = z_perm.reshape(-1, embedding_dim)
    emb_t = embedding.T  # (K, d)
    distances = (jnp.sum(flat_z ** 2, axis=1, keepdims=True)
                 - 2.0 * flat_z @ emb_t.T
                 + jnp.sum(emb_t ** 2, axis=1)[None, :])
    encoding_indices = jnp.argmin(distances, axis=1)
    # one_hot @ embedding.T is an exact gather of codebook rows
    quantized = jnp.take(emb_t, encoding_indices, axis=0)
    quantized = quantized.reshape(z_perm.shape)
    quantized = jnp.transpose(quantized, (0, 3, 1, 2))
    e_latent_loss = jnp.mean((jax.lax.stop_gradient(quantized) - z) ** 2)
    q_latent_loss = jnp.mean((quantized - jax.lax.stop_gradient(z)) ** 2)
    loss = q_latent_loss + commitment_cost * e_latent_loss
    quantized_out = z + jax.lax.stop_gradient(quantized - z)
    encoding_indices = encoding_indices.reshape(z_perm.shape[0], z_perm.shape[1], z_perm.shape[2])
    return (quantized_out, loss, encoding_indices)

if __name__ == "__main__":
    import jax
    _d = setup_inputs()
    print(jax.jit(kernel)(*tuple(_d.values())))

</pallas_src>

<mosaic_0001>
#map = affine_map<(d0, d1) -> (0, 0)>
#map1 = affine_map<(d0, d1) -> (0)>
module attributes {stable_mosaic.version = 14 : i64} {
  func.func @_sc_gather(%arg0: i32, %arg1: i32, %arg2: memref<1024x64xf32, #tpu.memory_space<hbm>>, %arg3: memref<65536xi32, #tpu.memory_space<hbm>>, %arg4: memref<65536x64xf32, #tpu.memory_space<hbm>>, %arg5: memref<256xi32, #tpu.memory_space<vmem>>, %arg6: memref<256x64xf32, #tpu.memory_space<vmem>>, %arg7: memref<!tpu.dma_semaphore, #tpu.memory_space<semaphore_mem>>) attributes {dimension_semantics = [#tpu.dimension_semantics<core_parallel>, #tpu.dimension_semantics<subcore_parallel>], iteration_bounds = array<i64: 2, 16>, scalar_prefetch = 0 : i64, scratch_operands = 3 : i64, tpu.core_type = #tpu.core_type<sc_vector_subcore>, window_params = [{transform_indices = #map}, {transform_indices = #map1}, {transform_indices = #map}]} {
    %mul3A = arith.constant 2 : i32
    %mul3A_0 = arith.muli %arg1, %mul3A : i32
    %add3A = arith.addi %mul3A_0, %arg0 : i32
    %mul3A_1 = arith.constant 2048 : i32
    %mul3A_2 = arith.muli %add3A, %mul3A_1 : i32
    %add3A_3 = arith.constant 0 : i32
    %add3A_4 = arith.addi %mul3A_2, %add3A_3 : i32
    "tpu.region"() ({
      %run_scoped3A = tpu.sem_alloc : memref<!tpu.dma_semaphore, #tpu.memory_space<semaphore_mem>>
      %dma_start3A_65 = tpu.memref_slice %arg3[%add3A_4] : memref<65536xi32, #tpu.memory_space<hbm>> -> memref<256xi32, #tpu.memory_space<hbm>>
      %dma_start3A_66 = tpu.memref_slice %arg3[%add3A_4] : memref<65536xi32, #tpu.memory_space<hbm>> -> memref<256xi32, #tpu.memory_space<hbm>>
      tpu.enqueue_dma source(%dma_start3A_66 : memref<256xi32, #tpu.memory_space<hbm>>) target(%arg5 : memref<256xi32, #tpu.memory_space<vmem>>) target_semaphore(%run_scoped3A : memref<!tpu.dma_semaphore, #tpu.memory_space<semaphore_mem>>)
      %dma_wait3A_67 = tpu.memref_slice %arg3[%add3A_4] : memref<65536xi32, #tpu.memory_space<hbm>> -> memref<256xi32, #tpu.memory_space<hbm>>
      %dma_wait3A_68 = tpu.memref_slice %arg3[%add3A_4] : memref<65536xi32, #tpu.memory_space<hbm>> -> memref<256xi32, #tpu.memory_space<hbm>>
      tpu.wait_dma2 semaphore(%run_scoped3A : memref<!tpu.dma_semaphore, #tpu.memory_space<semaphore_mem>>) src(%dma_wait3A_68 : memref<256xi32, #tpu.memory_space<hbm>>) dst(%arg5 : memref<256xi32, #tpu.memory_space<vmem>>)
      tpu.yield
    }) : () -> ()
    %dma_start3A = arith.constant 0 : i32
    %dma_start3A_5 = arith.constant 0 : i32
    %dma_start3A_6 = tpu.memref_slice %arg2[%dma_start3A, %dma_start3A_5] : memref<1024x64xf32, #tpu.memory_space<hbm>> -> memref<1024x64xf32, #tpu.memory_space<hbm>>
    tpu.enqueue_indirect_dma source(%dma_start3A_6 : memref<1024x64xf32, #tpu.memory_space<hbm>>) target(%arg6 : memref<256x64xf32, #tpu.memory_space<vmem>>) offsets(%arg5 : memref<256xi32, #tpu.memory_space<vmem>>) semaphore(%arg7 : memref<!tpu.dma_semaphore, #tpu.memory_space<semaphore_mem>>)
    %dma_wait3A = arith.constant 0 : i32
    %dma_wait3A_7 = arith.constant 0 : i32
    %dma_wait3A_8 = tpu.memref_slice %arg2[%dma_wait3A, %dma_wait3A_7] : memref<1024x64xf32, #tpu.memory_space<hbm>> -> memref<1024x64xf32, #tpu.memory_space<hbm>>
    tpu.wait_indirect_dma semaphore(%arg7 : memref<!tpu.dma_semaphore, #tpu.memory_space<semaphore_mem>>) src(%dma_wait3A_8 : memref<1024x64xf32, #tpu.memory_space<hbm>>) dst(%arg6 : memref<256x64xf32, #tpu.memory_space<vmem>>)
    "tpu.region"() ({
      %run_scoped3A = tpu.sem_alloc : memref<!tpu.dma_semaphore, #tpu.memory_space<semaphore_mem>>
      %dma_start3A_65 = arith.constant 0 : i32
      %dma_start3A_66 = tpu.memref_slice %arg4[%add3A_4, %dma_start3A_65] : memref<65536x64xf32, #tpu.memory_space<hbm>> -> memref<256x64xf32, #tpu.memory_space<hbm>>
      %dma_start3A_67 = arith.constant 0 : i32
      %dma_start3A_68 = tpu.memref_slice %arg4[%add3A_4, %dma_start3A_67] : memref<65536x64xf32, #tpu.memory_space<hbm>> -> memref<256x64xf32, #tpu.memory_space<hbm>>
      tpu.enqueue_dma source(%arg6 : memref<256x64xf32, #tpu.memory_space<vmem>>) target(%dma_start3A_68 : memref<256x64xf32, #tpu.memory_space<hbm>>) target_semaphore(%run_scoped3A : memref<!tpu.dma_semaphore, #tpu.memory_space<semaphore_mem>>)
      %dma_wait3A_69 = arith.constant 0 : i32
      %dma_wait3A_70 = tpu.memref_slice %arg4[%add3A_4, %dma_wait3A_69] : memref<65536x64xf32, #tpu.memory_space<hbm>> -> memref<256x64xf32, #tpu.memory_space<hbm>>
      %dma_wait3A_71 = arith.constant 0 : i32
      %dma_wait3A_72 = tpu.memref_slice %arg4[%add3A_4, %dma_wait3A_71] : memref<65536x64xf32, #tpu.memory_space<hbm>> -> memref<256x64xf32, #tpu.memory_space<hbm>>
      tpu.wait_dma2 semaphore(%run_scoped3A : memref<!tpu.dma_semaphore, #tpu.memory_space<semaphore_mem>>) src(%arg6 : memref<256x64xf32, #tpu.memory_space<vmem>>) dst(%dma_wait3A_72 : memref<256x64xf32, #tpu.memory_space<hbm>>)
      tpu.yield
    }) : () -> ()
    %add3A_9 = arith.constant 256 : i32
    %add3A_10 = arith.addi %mul3A_2, %add3A_9 : i32
    "tpu.region"() ({
      %run_scoped3A = tpu.sem_alloc : memref<!tpu.dma_semaphore, #tpu.memory_space<semaphore_mem>>
      %dma_start3A_65 = tpu.memref_slice %arg3[%add3A_10] : memref<65536xi32, #tpu.memory_space<hbm>> -> memref<256xi32, #tpu.memory_space<hbm>>
      %dma_start3A_66 = tpu.memref_slice %arg3[%add3A_10] : memref<65536xi32, #tpu.memory_space<hbm>> -> memref<256xi32, #tpu.memory_space<hbm>>
      tpu.enqueue_dma source(%dma_start3A_66 : memref<256xi32, #tpu.memory_space<hbm>>) target(%arg5 : memref<256xi32, #tpu.memory_space<vmem>>) target_semaphore(%run_scoped3A : memref<!tpu.dma_semaphore, #tpu.memory_space<semaphore_mem>>)
      %dma_wait3A_67 = tpu.memref_slice %arg3[%add3A_10] : memref<65536xi32, #tpu.memory_space<hbm>> -> memref<256xi32, #tpu.memory_space<hbm>>
      %dma_wait3A_68 = tpu.memref_slice %arg3[%add3A_10] : memref<65536xi32, #tpu.memory_space<hbm>> -> memref<256xi32, #tpu.memory_space<hbm>>
      tpu.wait_dma2 semaphore(%run_scoped3A : memref<!tpu.dma_semaphore, #tpu.memory_space<semaphore_mem>>) src(%dma_wait3A_68 : memref<256xi32, #tpu.memory_space<hbm>>) dst(%arg5 : memref<256xi32, #tpu.memory_space<vmem>>)
      tpu.yield
    }) : () -> ()
    %dma_start3A_11 = arith.constant 0 : i32
    %dma_start3A_12 = arith.constant 0 : i32
    %dma_start3A_13 = tpu.memref_slice %arg2[%dma_start3A_11, %dma_start3A_12] : memref<1024x64xf32, #tpu.memory_space<hbm>> -> memref<1024x64xf32, #tpu.memory_space<hbm>>
    tpu.enqueue_indirect_dma source(%dma_start3A_13 : memref<1024x64xf32, #tpu.memory_space<hbm>>) target(%arg6 : memref<256x64xf32, #tpu.memory_space<vmem>>) offsets(%arg5 : memref<256xi32, #tpu.memory_space<vmem>>) semaphore(%arg7 : memref<!tpu.dma_semaphore, #tpu.memory_space<semaphore_mem>>)
    %dma_wait3A_14 = arith.constant 0 : i32
    %dma_wait3A_15 = arith.constant 0 : i32
    %dma_wait3A_16 = tpu.memref_slice %arg2[%dma_wait3A_14, %dma_wait3A_15] : memref<1024x64xf32, #tpu.memory_space<hbm>> -> memref<1024x64xf32, #tpu.memory_space<hbm>>
    tpu.wait_indirect_dma semaphore(%arg7 : memref<!tpu.dma_semaphore, #tpu.memory_space<semaphore_mem>>) src(%dma_wait3A_16 : memref<1024x64xf32, #tpu.memory_space<hbm>>) dst(%arg6 : memref<256x64xf32, #tpu.memory_space<vmem>>)
    "tpu.region"() ({
      %run_scoped3A = tpu.sem_alloc : memref<!tpu.dma_semaphore, #tpu.memory_space<semaphore_mem>>
      %dma_start3A_65 = arith.constant 0 : i32
      %dma_start3A_66 = tpu.memref_slice %arg4[%add3A_10, %dma_start3A_65] : memref<65536x64xf32, #tpu.memory_space<hbm>> -> memref<256x64xf32, #tpu.memory_space<hbm>>
      %dma_start3A_67 = arith.constant 0 : i32
      %dma_start3A_68 = tpu.memref_slice %arg4[%add3A_10, %dma_start3A_67] : memref<65536x64xf32, #tpu.memory_space<hbm>> -> memref<256x64xf32, #tpu.memory_space<hbm>>
      tpu.enqueue_dma source(%arg6 : memref<256x64xf32, #tpu.memory_space<vmem>>) target(%dma_start3A_68 : memref<256x64xf32, #tpu.memory_space<hbm>>) target_semaphore(%run_scoped3A : memref<!tpu.dma_semaphore, #tpu.memory_space<semaphore_mem>>)
      %dma_wait3A_69 = arith.constant 0 : i32
      %dma_wait3A_70 = tpu.memref_slice %arg4[%add3A_10, %dma_wait3A_69] : memref<65536x64xf32, #tpu.memory_space<hbm>> -> memref<256x64xf32, #tpu.memory_space<hbm>>
      %dma_wait3A_71 = arith.constant 0 : i32
      %dma_wait3A_72 = tpu.memref_slice %arg4[%add3A_10, %dma_wait3A_71] : memref<65536x64xf32, #tpu.memory_space<hbm>> -> memref<256x64xf32, #tpu.memory_space<hbm>>
      tpu.wait_dma2 semaphore(%run_scoped3A : memref<!tpu.dma_semaphore, #tpu.memory_space<semaphore_mem>>) src(%arg6 : memref<256x64xf32, #tpu.memory_space<vmem>>) dst(%dma_wait3A_72 : memref<256x64xf32, #tpu.memory_space<hbm>>)
      tpu.yield
    }) : () -> ()
    %add3A_17 = arith.constant 512 : i32
    %add3A_18 = arith.addi %mul3A_2, %add3A_17 : i32
    "tpu.region"() ({
      %run_scoped3A = tpu.sem_alloc : memref<!tpu.dma_semaphore, #tpu.memory_space<semaphore_mem>>
      %dma_start3A_65 = tpu.memref_slice %arg3[%add3A_18] : memref<65536xi32, #tpu.memory_space<hbm>> -> memref<256xi32, #tpu.memory_space<hbm>>
      %dma_start3A_66 = tpu.memref_slice %arg3[%add3A_18] : memref<65536xi32, #tpu.memory_space<hbm>> -> memref<256xi32, #tpu.memory_space<hbm>>
      tpu.enqueue_dma source(%dma_start3A_66 : memref<256xi32, #tpu.memory_space<hbm>>) target(%arg5 : memref<256xi32, #tpu.memory_space<vmem>>) target_semaphore(%run_scoped3A : memref<!tpu.dma_semaphore, #tpu.memory_space<semaphore_mem>>)
      %dma_wait3A_67 = tpu.memref_slice %arg3[%add3A_18] : memref<65536xi32, #tpu.memory_space<hbm>> -> memref<256xi32, #tpu.memory_space<hbm>>
      %dma_wait3A_68 = tpu.memref_slice %arg3[%add3A_18] : memref<65536xi32, #tpu.memory_space<hbm>> -> memref<256xi32, #tpu.memory_space<hbm>>
      tpu.wait_dma2 semaphore(%run_scoped3A : memref<!tpu.dma_semaphore, #tpu.memory_space<semaphore_mem>>) src(%dma_wait3A_68 : memref<256xi32, #tpu.memory_space<hbm>>) dst(%arg5 : memref<256xi32, #tpu.memory_space<vmem>>)
      tpu.yield
    }) : () -> ()
    %dma_start3A_19 = arith.constant 0 : i32
    %dma_start3A_20 = arith.constant 0 : i32
    %dma_start3A_21 = tpu.memref_slice %arg2[%dma_start3A_19, %dma_start3A_20] : memref<1024x64xf32, #tpu.memory_space<hbm>> -> memref<1024x64xf32, #tpu.memory_space<hbm>>
    tpu.enqueue_indirect_dma source(%dma_start3A_21 : memref<1024x64xf32, #tpu.memory_space<hbm>>) target(%arg6 : memref<256x64xf32, #tpu.memory_space<vmem>>) offsets(%arg5 : memref<256xi32, #tpu.memory_space<vmem>>) semaphore(%arg7 : memref<!tpu.dma_semaphore, #tpu.memory_space<semaphore_mem>>)
    %dma_wait3A_22 = arith.constant 0 : i32
    %dma_wait3A_23 = arith.constant 0 : i32
    %dma_wait3A_24 = tpu.memref_slice %arg2[%dma_wait3A_22, %dma_wait3A_23] : memref<1024x64xf32, #tpu.memory_space<hbm>> -> memref<1024x64xf32, #tpu.memory_space<hbm>>
    tpu.wait_indirect_dma semaphore(%arg7 : memref<!tpu.dma_semaphore, #tpu.memory_space<semaphore_mem>>) src(%dma_wait3A_24 : memref<1024x64xf32, #tpu.memory_space<hbm>>) dst(%arg6 : memref<256x64xf32, #tpu.memory_space<vmem>>)
    "tpu.region"() ({
      %run_scoped3A = tpu.sem_alloc : memref<!tpu.dma_semaphore, #tpu.memory_space<semaphore_mem>>
      %dma_start3A_65 = arith.constant 0 : i32
      %dma_start3A_66 = tpu.memref_slice %arg4[%add3A_18, %dma_start3A_65] : memref<65536x64xf32, #tpu.memory_space<hbm>> -> memref<256x64xf32, #tpu.memory_space<hbm>>
      %dma_start3A_67 = arith.constant 0 : i32
      %dma_start3A_68 = tpu.memref_slice %arg4[%add3A_18, %dma_start3A_67] : memref<65536x64xf32, #tpu.memory_space<hbm>> -> memref<256x64xf32, #tpu.memory_space<hbm>>
      tpu.enqueue_dma source(%arg6 : memref<256x64xf32, #tpu.memory_space<vmem>>) target(%dma_start3A_68 : memref<256x64xf32, #tpu.memory_space<hbm>>) target_semaphore(%run_scoped3A : memref<!tpu.dma_semaphore, #tpu.memory_space<semaphore_mem>>)
      %dma_wait3A_69 = arith.constant 0 : i32
      %dma_wait3A_70 = tpu.memref_slice %arg4[%add3A_18, %dma_wait3A_69] : memref<65536x64xf32, #tpu.memory_space<hbm>> -> memref<256x64xf32, #tpu.memory_space<hbm>>
      %dma_wait3A_71 = arith.constant 0 : i32
      %dma_wait3A_72 = tpu.memref_slice %arg4[%add3A_18, %dma_wait3A_71] : memref<65536x64xf32, #tpu.memory_space<hbm>> -> memref<256x64xf32, #tpu.memory_space<hbm>>
      tpu.wait_dma2 semaphore(%run_scoped3A : memref<!tpu.dma_semaphore, #tpu.memory_space<semaphore_mem>>) src(%arg6 : memref<256x64xf32, #tpu.memory_space<vmem>>) dst(%dma_wait3A_72 : memref<256x64xf32, #tpu.memory_space<hbm>>)
      tpu.yield
    }) : () -> ()
    %add3A_25 = arith.constant 768 : i32
    %add3A_26 = arith.addi %mul3A_2, %add3A_25 : i32
    "tpu.region"() ({
      %run_scoped3A = tpu.sem_alloc : memref<!tpu.dma_semaphore, #tpu.memory_space<semaphore_mem>>
      %dma_start3A_65 = tpu.memref_slice %arg3[%add3A_26] : memref<65536xi32, #tpu.memory_space<hbm>> -> memref<256xi32, #tpu.memory_space<hbm>>
      %dma_start3A_66 = tpu.memref_slice %arg3[%add3A_26] : memref<65536xi32, #tpu.memory_space<hbm>> -> memref<256xi32, #tpu.memory_space<hbm>>
      tpu.enqueue_dma source(%dma_start3A_66 : memref<256xi32, #tpu.memory_space<hbm>>) target(%arg5 : memref<256xi32, #tpu.memory_space<vmem>>) target_semaphore(%run_scoped3A : memref<!tpu.dma_semaphore, #tpu.memory_space<semaphore_mem>>)
      %dma_wait3A_67 = tpu.memref_slice %arg3[%add3A_26] : memref<65536xi32, #tpu.memory_space<hbm>> -> memref<256xi32, #tpu.memory_space<hbm>>
      %dma_wait3A_68 = tpu.memref_slice %arg3[%add3A_26] : memref<65536xi32, #tpu.memory_space<hbm>> -> memref<256xi32, #tpu.memory_space<hbm>>
      tpu.wait_dma2 semaphore(%run_scoped3A : memref<!tpu.dma_semaphore, #tpu.memory_space<semaphore_mem>>) src(%dma_wait3A_68 : memref<256xi32, #tpu.memory_space<hbm>>) dst(%arg5 : memref<256xi32, #tpu.memory_space<vmem>>)
      tpu.yield
    }) : () -> ()
    %dma_start3A_27 = arith.constant 0 : i32
    %dma_start3A_28 = arith.constant 0 : i32
    %dma_start3A_29 = tpu.memref_slice %arg2[%dma_start3A_27, %dma_start3A_28] : memref<1024x64xf32, #tpu.memory_space<hbm>> -> memref<1024x64xf32, #tpu.memory_space<hbm>>
    tpu.enqueue_indirect_dma source(%dma_start3A_29 : memref<1024x64xf32, #tpu.memory_space<hbm>>) target(%arg6 : memref<256x64xf32, #tpu.memory_space<vmem>>) offsets(%arg5 : memref<256xi32, #tpu.memory_space<vmem>>) semaphore(%arg7 : memref<!tpu.dma_semaphore, #tpu.memory_space<semaphore_mem>>)
    %dma_wait3A_30 = arith.constant 0 : i32
    %dma_wait3A_31 = arith.constant 0 : i32
    %dma_wait3A_32 = tpu.memref_slice %arg2[%dma_wait3A_30, %dma_wait3A_31] : memref<1024x64xf32, #tpu.memory_space<hbm>> -> memref<1024x64xf32, #tpu.memory_space<hbm>>
    tpu.wait_indirect_dma semaphore(%arg7 : memref<!tpu.dma_semaphore, #tpu.memory_space<semaphore_mem>>) src(%dma_wait3A_32 : memref<1024x64xf32, #tpu.memory_space<hbm>>) dst(%arg6 : memref<256x64xf32, #tpu.memory_space<vmem>>)
    "tpu.region"() ({
      %run_scoped3A = tpu.sem_alloc : memref<!tpu.dma_semaphore, #tpu.memory_space<semaphore_mem>>
      %dma_start3A_65 = arith.constant 0 : i32
      %dma_start3A_66 = tpu.memref_slice %arg4[%add3A_26, %dma_start3A_65] : memref<65536x64xf32, #tpu.memory_space<hbm>> -> memref<256x64xf32, #tpu.memory_space<hbm>>
      %dma_start3A_67 = arith.constant 0 : i32
      %dma_start3A_68 = tpu.memref_slice %arg4[%add3A_26, %dma_start3A_67] : memref<65536x64xf32, #tpu.memory_space<hbm>> -> memref<256x64xf32, #tpu.memory_space<hbm>>
      tpu.enqueue_dma source(%arg6 : memref<256x64xf32, #tpu.memory_space<vmem>>) target(%dma_start3A_68 : memref<256x64xf32, #tpu.memory_space<hbm>>) target_semaphore(%run_scoped3A : memref<!tpu.dma_semaphore, #tpu.memory_space<semaphore_mem>>)
      %dma_wait3A_69 = arith.constant 0 : i32
      %dma_wait3A_70 = tpu.memref_slice %arg4[%add3A_26, %dma_wait3A_69] : memref<65536x64xf32, #tpu.memory_space<hbm>> -> memref<256x64xf32, #tpu.memory_space<hbm>>
      %dma_wait3A_71 = arith.constant 0 : i32
      %dma_wait3A_72 = tpu.memref_slice %arg4[%add3A_26, %dma_wait3A_71] : memref<65536x64xf32, #tpu.memory_space<hbm>> -> memref<256x64xf32, #tpu.memory_space<hbm>>
      tpu.wait_dma2 semaphore(%run_scoped3A : memref<!tpu.dma_semaphore, #tpu.memory_space<semaphore_mem>>) src(%arg6 : memref<256x64xf32, #tpu.memory_space<vmem>>) dst(%dma_wait3A_72 : memref<256x64xf32, #tpu.memory_space<hbm>>)
      tpu.yield
    }) : () -> ()
    %add3A_33 = arith.constant 1024 : i32
    %add3A_34 = arith.addi %mul3A_2, %add3A_33 : i32
    "tpu.region"() ({
      %run_scoped3A = tpu.sem_alloc : memref<!tpu.dma_semaphore, #tpu.memory_space<semaphore_mem>>
      %dma_start3A_65 = tpu.memref_slice %arg3[%add3A_34] : memref<65536xi32, #tpu.memory_space<hbm>> -> memref<256xi32, #tpu.memory_space<hbm>>
      %dma_start3A_66 = tpu.memref_slice %arg3[%add3A_34] : memref<65536xi32, #tpu.memory_space<hbm>> -> memref<256xi32, #tpu.memory_space<hbm>>
      tpu.enqueue_dma source(%dma_start3A_66 : memref<256xi32, #tpu.memory_space<hbm>>) target(%arg5 : memref<256xi32, #tpu.memory_space<vmem>>) target_semaphore(%run_scoped3A : memref<!tpu.dma_semaphore, #tpu.memory_space<semaphore_mem>>)
      %dma_wait3A_67 = tpu.memref_slice %arg3[%add3A_34] : memref<65536xi32, #tpu.memory_space<hbm>> -> memref<256xi32, #tpu.memory_space<hbm>>
      %dma_wait3A_68 = tpu.memref_slice %arg3[%add3A_34] : memref<65536xi32, #tpu.memory_space<hbm>> -> memref<256xi32, #tpu.memory_space<hbm>>
      tpu.wait_dma2 semaphore(%run_scoped3A : memref<!tpu.dma_semaphore, #tpu.memory_space<semaphore_mem>>) src(%dma_wait3A_68 : memref<256xi32, #tpu.memory_space<hbm>>) dst(%arg5 : memref<256xi32, #tpu.memory_space<vmem>>)
      tpu.yield
    }) : () -> ()
    %dma_start3A_35 = arith.constant 0 : i32
    %dma_start3A_36 = arith.constant 0 : i32
    %dma_start3A_37 = tpu.memref_slice %arg2[%dma_start3A_35, %dma_start3A_36] : memref<1024x64xf32, #tpu.memory_space<hbm>> -> memref<1024x64xf32, #tpu.memory_space<hbm>>
    tpu.enqueue_indirect_dma source(%dma_start3A_37 : memref<1024x64xf32, #tpu.memory_space<hbm>>) target(%arg6 : memref<256x64xf32, #tpu.memory_space<vmem>>) offsets(%arg5 : memref<256xi32, #tpu.memory_space<vmem>>) semaphore(%arg7 : memref<!tpu.dma_semaphore, #tpu.memory_space<semaphore_mem>>)
    %dma_wait3A_38 = arith.constant 0 : i32
    %dma_wait3A_39 = arith.constant 0 : i32
    %dma_wait3A_40 = tpu.memref_slice %arg2[%dma_wait3A_38, %dma_wait3A_39] : memref<1024x64xf32, #tpu.memory_space<hbm>> -> memref<1024x64xf32, #tpu.memory_space<hbm>>
    tpu.wait_indirect_dma semaphore(%arg7 : memref<!tpu.dma_semaphore, #tpu.memory_space<semaphore_mem>>) src(%dma_wait3A_40 : memref<1024x64xf32, #tpu.memory_space<hbm>>) dst(%arg6 : memref<256x64xf32, #tpu.memory_space<vmem>>)
    "tpu.region"() ({
      %run_scoped3A = tpu.sem_alloc : memref<!tpu.dma_semaphore, #tpu.memory_space<semaphore_mem>>
      %dma_start3A_65 = arith.constant 0 : i32
      %dma_start3A_66 = tpu.memref_slice %arg4[%add3A_34, %dma_start3A_65] : memref<65536x64xf32, #tpu.memory_space<hbm>> -> memref<256x64xf32, #tpu.memory_space<hbm>>
      %dma_start3A_67 = arith.constant 0 : i32
      %dma_start3A_68 = tpu.memref_slice %arg4[%add3A_34, %dma_start3A_67] : memref<65536x64xf32, #tpu.memory_space<hbm>> -> memref<256x64xf32, #tpu.memory_space<hbm>>
      tpu.enqueue_dma source(%arg6 : memref<256x64xf32, #tpu.memory_space<vmem>>) target(%dma_start3A_68 : memref<256x64xf32, #tpu.memory_space<hbm>>) target_semaphore(%run_scoped3A : memref<!tpu.dma_semaphore, #tpu.memory_space<semaphore_mem>>)
      %dma_wait3A_69 = arith.constant 0 : i32
      %dma_wait3A_70 = tpu.memref_slice %arg4[%add3A_34, %dma_wait3A_69] : memref<65536x64xf32, #tpu.memory_space<hbm>> -> memref<256x64xf32, #tpu.memory_space<hbm>>
      %dma_wait3A_71 = arith.constant 0 : i32
      %dma_wait3A_72 = tpu.memref_slice %arg4[%add3A_34, %dma_wait3A_71] : memref<65536x64xf32, #tpu.memory_space<hbm>> -> memref<256x64xf32, #tpu.memory_space<hbm>>
      tpu.wait_dma2 semaphore(%run_scoped3A : memref<!tpu.dma_semaphore, #tpu.memory_space<semaphore_mem>>) src(%arg6 : memref<256x64xf32, #tpu.memory_space<vmem>>) dst(%dma_wait3A_72 : memref<256x64xf32, #tpu.memory_space<hbm>>)
      tpu.yield
    }) : () -> ()
    %add3A_41 = arith.constant 1280 : i32
    %add3A_42 = arith.addi %mul3A_2, %add3A_41 : i32
    "tpu.region"() ({
      %run_scoped3A = tpu.sem_alloc : memref<!tpu.dma_semaphore, #tpu.memory_space<semaphore_mem>>
      %dma_start3A_65 = tpu.memref_slice %arg3[%add3A_42] : memref<65536xi32, #tpu.memory_space<hbm>> -> memref<256xi32, #tpu.memory_space<hbm>>
      %dma_start3A_66 = tpu.memref_slice %arg3[%add3A_42] : memref<65536xi32, #tpu.memory_space<hbm>> -> memref<256xi32, #tpu.memory_space<hbm>>
      tpu.enqueue_dma source(%dma_start3A_66 : memref<256xi32, #tpu.memory_space<hbm>>) target(%arg5 : memref<256xi32, #tpu.memory_space<vmem>>) target_semaphore(%run_scoped3A : memref<!tpu.dma_semaphore, #tpu.memory_space<semaphore_mem>>)
      %dma_wait3A_67 = tpu.memref_slice %arg3[%add3A_42] : memref<65536xi32, #tpu.memory_space<hbm>> -> memref<256xi32, #tpu.memory_space<hbm>>
      %dma_wait3A_68 = tpu.memref_slice %arg3[%add3A_42] : memref<65536xi32, #tpu.memory_space<hbm>> -> memref<256xi32, #tpu.memory_space<hbm>>
      tpu.wait_dma2 semaphore(%run_scoped3A : memref<!tpu.dma_semaphore, #tpu.memory_space<semaphore_mem>>) src(%dma_wait3A_68 : memref<256xi32, #tpu.memory_space<hbm>>) dst(%arg5 : memref<256xi32, #tpu.memory_space<vmem>>)
      tpu.yield
    }) : () -> ()
    %dma_start3A_43 = arith.constant 0 : i32
    %dma_start3A_44 = arith.constant 0 : i32
    %dma_start3A_45 = tpu.memref_slice %arg2[%dma_start3A_43, %dma_start3A_44] : memref<1024x64xf32, #tpu.memory_space<hbm>> -> memref<1024x64xf32, #tpu.memory_space<hbm>>
    tpu.enqueue_indirect_dma source(%dma_start3A_45 : memref<1024x64xf32, #tpu.memory_space<hbm>>) target(%arg6 : memref<256x64xf32, #tpu.memory_space<vmem>>) offsets(%arg5 : memref<256xi32, #tpu.memory_space<vmem>>) semaphore(%arg7 : memref<!tpu.dma_semaphore, #tpu.memory_space<semaphore_mem>>)
    %dma_wait3A_46 = arith.constant 0 : i32
    %dma_wait3A_47 = arith.constant 0 : i32
    %dma_wait3A_48 = tpu.memref_slice %arg2[%dma_wait3A_46, %dma_wait3A_47] : memref<1024x64xf32, #tpu.memory_space<hbm>> -> memref<1024x64xf32, #tpu.memory_space<hbm>>
    tpu.wait_indirect_dma semaphore(%arg7 : memref<!tpu.dma_semaphore, #tpu.memory_space<semaphore_mem>>) src(%dma_wait3A_48 : memref<1024x64xf32, #tpu.memory_space<hbm>>) dst(%arg6 : memref<256x64xf32, #tpu.memory_space<vmem>>)
    "tpu.region"() ({
      %run_scoped3A = tpu.sem_alloc : memref<!tpu.dma_semaphore, #tpu.memory_space<semaphore_mem>>
      %dma_start3A_65 = arith.constant 0 : i32
      %dma_start3A_66 = tpu.memref_slice %arg4[%add3A_42, %dma_start3A_65] : memref<65536x64xf32, #tpu.memory_space<hbm>> -> memref<256x64xf32, #tpu.memory_space<hbm>>
      %dma_start3A_67 = arith.constant 0 : i32
      %dma_start3A_68 = tpu.memref_slice %arg4[%add3A_42, %dma_start3A_67] : memref<65536x64xf32, #tpu.memory_space<hbm>> -> memref<256x64xf32, #tpu.memory_space<hbm>>
      tpu.enqueue_dma source(%arg6 : memref<256x64xf32, #tpu.memory_space<vmem>>) target(%dma_start3A_68 : memref<256x64xf32, #tpu.memory_space<hbm>>) target_semaphore(%run_scoped3A : memref<!tpu.dma_semaphore, #tpu.memory_space<semaphore_mem>>)
      %dma_wait3A_69 = arith.constant 0 : i32
      %dma_wait3A_70 = tpu.memref_slice %arg4[%add3A_42, %dma_wait3A_69] : memref<65536x64xf32, #tpu.memory_space<hbm>> -> memref<256x64xf32, #tpu.memory_space<hbm>>
      %dma_wait3A_71 = arith.constant 0 : i32
      %dma_wait3A_72 = tpu.memref_slice %arg4[%add3A_42, %dma_wait3A_71] : memref<65536x64xf32, #tpu.memory_space<hbm>> -> memref<256x64xf32, #tpu.memory_space<hbm>>
      tpu.wait_dma2 semaphore(%run_scoped3A : memref<!tpu.dma_semaphore, #tpu.memory_space<semaphore_mem>>) src(%arg6 : memref<256x64xf32, #tpu.memory_space<vmem>>) dst(%dma_wait3A_72 : memref<256x64xf32, #tpu.memory_space<hbm>>)
      tpu.yield
    }) : () -> ()
    %add3A_49 = arith.constant 1536 : i32
    %add3A_50 = arith.addi %mul3A_2, %add3A_49 : i32
    "tpu.region"() ({
      %run_scoped3A = tpu.sem_alloc : memref<!tpu.dma_semaphore, #tpu.memory_space<semaphore_mem>>
      %dma_start3A_65 = tpu.memref_slice %arg3[%add3A_50] : memref<65536xi32, #tpu.memory_space<hbm>> -> memref<256xi32, #tpu.memory_space<hbm>>
      %dma_start3A_66 = tpu.memref_slice %arg3[%add3A_50] : memref<65536xi32, #tpu.memory_space<hbm>> -> memref<256xi32, #tpu.memory_space<hbm>>
      tpu.enqueue_dma source(%dma_start3A_66 : memref<256xi32, #tpu.memory_space<hbm>>) target(%arg5 : memref<256xi32, #tpu.memory_space<vmem>>) target_semaphore(%run_scoped3A : memref<!tpu.dma_semaphore, #tpu.memory_space<semaphore_mem>>)
      %dma_wait3A_67 = tpu.memref_slice %arg3[%add3A_50] : memref<65536xi32, #tpu.memory_space<hbm>> -> memref<256xi32, #tpu.memory_space<hbm>>
      %dma_wait3A_68 = tpu.memref_slice %arg3[%add3A_50] : memref<65536xi32, #tpu.memory_space<hbm>> -> memref<256xi32, #tpu.memory_space<hbm>>
      tpu.wait_dma2 semaphore(%run_scoped3A : memref<!tpu.dma_semaphore, #tpu.memory_space<semaphore_mem>>) src(%dma_wait3A_68 : memref<256xi32, #tpu.memory_space<hbm>>) dst(%arg5 : memref<256xi32, #tpu.memory_space<vmem>>)
      tpu.yield
    }) : () -> ()
    %dma_start3A_51 = arith.constant 0 : i32
    %dma_start3A_52 = arith.constant 0 : i32
    %dma_start3A_53 = tpu.memref_slice %arg2[%dma_start3A_51, %dma_start3A_52] : memref<1024x64xf32, #tpu.memory_space<hbm>> -> memref<1024x64xf32, #tpu.memory_space<hbm>>
    tpu.enqueue_indirect_dma source(%dma_start3A_53 : memref<1024x64xf32, #tpu.memory_space<hbm>>) target(%arg6 : memref<256x64xf32, #tpu.memory_space<vmem>>) offsets(%arg5 : memref<256xi32, #tpu.memory_space<vmem>>) semaphore(%arg7 : memref<!tpu.dma_semaphore, #tpu.memory_space<semaphore_mem>>)
    %dma_wait3A_54 = arith.constant 0 : i32
    %dma_wait3A_55 = arith.constant 0 : i32
    %dma_wait3A_56 = tpu.memref_slice %arg2[%dma_wait3A_54, %dma_wait3A_55] : memref<1024x64xf32, #tpu.memory_space<hbm>> -> memref<1024x64xf32, #tpu.memory_space<hbm>>
    tpu.wait_indirect_dma semaphore(%arg7 : memref<!tpu.dma_semaphore, #tpu.memory_space<semaphore_mem>>) src(%dma_wait3A_56 : memref<1024x64xf32, #tpu.memory_space<hbm>>) dst(%arg6 : memref<256x64xf32, #tpu.memory_space<vmem>>)
    "tpu.region"() ({
      %run_scoped3A = tpu.sem_alloc : memref<!tpu.dma_semaphore, #tpu.memory_space<semaphore_mem>>
      %dma_start3A_65 = arith.constant 0 : i32
      %dma_start3A_66 = tpu.memref_slice %arg4[%add3A_50, %dma_start3A_65] : memref<65536x64xf32, #tpu.memory_space<hbm>> -> memref<256x64xf32, #tpu.memory_space<hbm>>
      %dma_start3A_67 = arith.constant 0 : i32
      %dma_start3A_68 = tpu.memref_slice %arg4[%add3A_50, %dma_start3A_67] : memref<65536x64xf32, #tpu.memory_space<hbm>> -> memref<256x64xf32, #tpu.memory_space<hbm>>
      tpu.enqueue_dma source(%arg6 : memref<256x64xf32, #tpu.memory_space<vmem>>) target(%dma_start3A_68 : memref<256x64xf32, #tpu.memory_space<hbm>>) target_semaphore(%run_scoped3A : memref<!tpu.dma_semaphore, #tpu.memory_space<semaphore_mem>>)
      %dma_wait3A_69 = arith.constant 0 : i32
      %dma_wait3A_70 = tpu.memref_slice %arg4[%add3A_50, %dma_wait3A_69] : memref<65536x64xf32, #tpu.memory_space<hbm>> -> memref<256x64xf32, #tpu.memory_space<hbm>>
      %dma_wait3A_71 = arith.constant 0 : i32
      %dma_wait3A_72 = tpu.memref_slice %arg4[%add3A_50, %dma_wait3A_71] : memref<65536x64xf32, #tpu.memory_space<hbm>> -> memref<256x64xf32, #tpu.memory_space<hbm>>
      tpu.wait_dma2 semaphore(%run_scoped3A : memref<!tpu.dma_semaphore, #tpu.memory_space<semaphore_mem>>) src(%arg6 : memref<256x64xf32, #tpu.memory_space<vmem>>) dst(%dma_wait3A_72 : memref<256x64xf32, #tpu.memory_space<hbm>>)
      tpu.yield
    }) : () -> ()
    %add3A_57 = arith.constant 1792 : i32
    %add3A_58 = arith.addi %mul3A_2, %add3A_57 : i32
    "tpu.region"() ({
      %run_scoped3A = tpu.sem_alloc : memref<!tpu.dma_semaphore, #tpu.memory_space<semaphore_mem>>
      %dma_start3A_65 = tpu.memref_slice %arg3[%add3A_58] : memref<65536xi32, #tpu.memory_space<hbm>> -> memref<256xi32, #tpu.memory_space<hbm>>
      %dma_start3A_66 = tpu.memref_slice %arg3[%add3A_58] : memref<65536xi32, #tpu.memory_space<hbm>> -> memref<256xi32, #tpu.memory_space<hbm>>
      tpu.enqueue_dma source(%dma_start3A_66 : memref<256xi32, #tpu.memory_space<hbm>>) target(%arg5 : memref<256xi32, #tpu.memory_space<vmem>>) target_semaphore(%run_scoped3A : memref<!tpu.dma_semaphore, #tpu.memory_space<semaphore_mem>>)
      %dma_wait3A_67 = tpu.memref_slice %arg3[%add3A_58] : memref<65536xi32, #tpu.memory_space<hbm>> -> memref<256xi32, #tpu.memory_space<hbm>>
      %dma_wait3A_68 = tpu.memref_slice %arg3[%add3A_58] : memref<65536xi32, #tpu.memory_space<hbm>> -> memref<256xi32, #tpu.memory_space<hbm>>
      tpu.wait_dma2 semaphore(%run_scoped3A : memref<!tpu.dma_semaphore, #tpu.memory_space<semaphore_mem>>) src(%dma_wait3A_68 : memref<256xi32, #tpu.memory_space<hbm>>) dst(%arg5 : memref<256xi32, #tpu.memory_space<vmem>>)
      tpu.yield
    }) : () -> ()
    %dma_start3A_59 = arith.constant 0 : i32
    %dma_start3A_60 = arith.constant 0 : i32
    %dma_start3A_61 = tpu.memref_slice %arg2[%dma_start3A_59, %dma_start3A_60] : memref<1024x64xf32, #tpu.memory_space<hbm>> -> memref<1024x64xf32, #tpu.memory_space<hbm>>
    tpu.enqueue_indirect_dma source(%dma_start3A_61 : memref<1024x64xf32, #tpu.memory_space<hbm>>) target(%arg6 : memref<256x64xf32, #tpu.memory_space<vmem>>) offsets(%arg5 : memref<256xi32, #tpu.memory_space<vmem>>) semaphore(%arg7 : memref<!tpu.dma_semaphore, #tpu.memory_space<semaphore_mem>>)
    %dma_wait3A_62 = arith.constant 0 : i32
    %dma_wait3A_63 = arith.constant 0 : i32
    %dma_wait3A_64 = tpu.memref_slice %arg2[%dma_wait3A_62, %dma_wait3A_63] : memref<1024x64xf32, #tpu.memory_space<hbm>> -> memref<1024x64xf32, #tpu.memory_space<hbm>>
    tpu.wait_indirect_dma semaphore(%arg7 : memref<!tpu.dma_semaphore, #tpu.memory_space<semaphore_mem>>) src(%dma_wait3A_64 : memref<1024x64xf32, #tpu.memory_space<hbm>>) dst(%arg6 : memref<256x64xf32, #tpu.memory_space<vmem>>)
    "tpu.region"() ({
      %run_scoped3A = tpu.sem_alloc : memref<!tpu.dma_semaphore, #tpu.memory_space<semaphore_mem>>
      %dma_start3A_65 = arith.constant 0 : i32
      %dma_start3A_66 = tpu.memref_slice %arg4[%add3A_58, %dma_start3A_65] : memref<65536x64xf32, #tpu.memory_space<hbm>> -> memref<256x64xf32, #tpu.memory_space<hbm>>
      %dma_start3A_67 = arith.constant 0 : i32
      %dma_start3A_68 = tpu.memref_slice %arg4[%add3A_58, %dma_start3A_67] : memref<65536x64xf32, #tpu.memory_space<hbm>> -> memref<256x64xf32, #tpu.memory_space<hbm>>
      tpu.enqueue_dma source(%arg6 : memref<256x64xf32, #tpu.memory_space<vmem>>) target(%dma_start3A_68 : memref<256x64xf32, #tpu.memory_space<hbm>>) target_semaphore(%run_scoped3A : memref<!tpu.dma_semaphore, #tpu.memory_space<semaphore_mem>>)
      %dma_wait3A_69 = arith.constant 0 : i32
      %dma_wait3A_70 = tpu.memref_slice %arg4[%add3A_58, %dma_wait3A_69] : memref<65536x64xf32, #tpu.memory_space<hbm>> -> memref<256x64xf32, #tpu.memory_space<hbm>>
      %dma_wait3A_71 = arith.constant 0 : i32
      %dma_wait3A_72 = tpu.memref_slice %arg4[%add3A_58, %dma_wait3A_71] : memref<65536x64xf32, #tpu.memory_space<hbm>> -> memref<256x64xf32, #tpu.memory_space<hbm>>
      tpu.wait_dma2 semaphore(%run_scoped3A : memref<!tpu.dma_semaphore, #tpu.memory_space<semaphore_mem>>) src(%arg6 : memref<256x64xf32, #tpu.memory_space<vmem>>) dst(%dma_wait3A_72 : memref<256x64xf32, #tpu.memory_space<hbm>>)
      tpu.yield
    }) : () -> ()
    return
  }
}

module attributes {stable_mosaic.version = 14 : i64} {
  func.func @_vq_indices(%arg0: memref<16x64x4096xf32, #tpu.memory_space<any>>, %arg1: memref<64x1024xf32, #tpu.memory_space<vmem>>, %arg2: memref<16x1x4096xi32, #tpu.memory_space<any>>, %arg3: memref<1x4096xf32, #tpu.memory_space<vmem>>, %arg4: memref<2x64x4096xf32, #tpu.memory_space<vmem>>, %arg5: memref<2x1x4096xi32, #tpu.memory_space<vmem>>, %arg6: memref<2x!tpu.dma_semaphore, #tpu.memory_space<semaphore_mem>>, %arg7: memref<2x!tpu.dma_semaphore, #tpu.memory_space<semaphore_mem>>) attributes {dimension_semantics = [], scalar_prefetch = 0 : i64, scratch_operands = 4 : i64, tpu.core_type = #tpu.core_type<tc>} {
    %get3A = arith.constant 0 : index
    %get3A_0 = arith.constant 0 : index
    %get3A_1 = vector.load %arg1[%get3A, %get3A_0] : memref<64x1024xf32, #tpu.memory_space<vmem>>, vector<64x1024xf32>
    %mul3A = arith.mulf %get3A_1, %get3A_1 : vector<64x1024xf32>
    %reduce_sum3A = arith.constant dense<0.000000e+00> : vector<1024xf32>
    %reduce_sum3A_2 = vector.multi_reduction <add>, %mul3A, %reduce_sum3A [0] : vector<64x1024xf32> to vector<1024xf32>
    %mul3A_3 = arith.constant 5.000000e-01 : f32
    %mul3A_4 = vector.broadcast %mul3A_3 : f32 to vector<1024xf32>
    %mul3A_5 = arith.mulf %mul3A_4, %reduce_sum3A_2 : vector<1024xf32>
    %dma_start3A = arith.constant 0 : i32
    %dma_start3A_6 = arith.constant 0 : i32
    %dma_start3A_7 = arith.constant 0 : i32
    %dma_start3A_8 = tpu.memref_slice %arg6[%dma_start3A_7] : memref<2x!tpu.dma_semaphore, #tpu.memory_space<semaphore_mem>> -> memref<1x!tpu.dma_semaphore, #tpu.memory_space<semaphore_mem>>
    %dma_start3A_9 = tpu.memref_squeeze %dma_start3A_8 : memref<1x!tpu.dma_semaphore, #tpu.memory_space<semaphore_mem>> -> memref<!tpu.dma_semaphore, #tpu.memory_space<semaphore_mem>>
    %dma_start3A_10 = arith.constant 0 : i32
    %dma_start3A_11 = arith.constant 0 : i32
    %dma_start3A_12 = tpu.memref_slice %arg4[%dma_start3A_6, %dma_start3A_10, %dma_start3A_11] : memref<2x64x4096xf32, #tpu.memory_space<vmem>> -> memref<1x64x4096xf32, #tpu.memory_space<vmem>>
    %dma_start3A_13 = tpu.memref_squeeze %dma_start3A_12 : memref<1x64x4096xf32, #tpu.memory_space<vmem>> -> memref<64x4096xf32, #tpu.memory_space<vmem>>
    %dma_start3A_14 = arith.constant 0 : i32
    %dma_start3A_15 = arith.constant 0 : i32
    %dma_start3A_16 = tpu.memref_slice %arg0[%dma_start3A, %dma_start3A_14, %dma_start3A_15] : memref<16x64x4096xf32, #tpu.memory_space<any>> -> memref<1x64x4096xf32, #tpu.memory_space<any>>
    %dma_start3A_17 = tpu.memref_squeeze %dma_start3A_16 : memref<1x64x4096xf32, #tpu.memory_space<any>> -> memref<64x4096xf32, #tpu.memory_space<any>>
    tpu.enqueue_dma source(%dma_start3A_17 : memref<64x4096xf32, #tpu.memory_space<any>>) target(%dma_start3A_13 : memref<64x4096xf32, #tpu.memory_space<vmem>>) target_semaphore(%dma_start3A_9 : memref<!tpu.dma_semaphore, #tpu.memory_space<semaphore_mem>>)
    %broadcast_in_dim3A = arith.constant 0.000000e+00 : f32
    %broadcast_in_dim3A_18 = vector.broadcast %broadcast_in_dim3A : f32 to vector<4096xf32>
    %dma_start3A_19 = arith.constant 1 : i32
    %dma_start3A_20 = arith.constant 1 : i32
    %dma_start3A_21 = arith.constant 1 : i32
    %dma_start3A_22 = tpu.memref_slice %arg6[%dma_start3A_21] : memref<2x!tpu.dma_semaphore, #tpu.memory_space<semaphore_mem>> -> memref<1x!tpu.dma_semaphore, #tpu.memory_space<semaphore_mem>>
    %dma_start3A_23 = tpu.memref_squeeze %dma_start3A_22 : memref<1x!tpu.dma_semaphore, #tpu.memory_space<semaphore_mem>> -> memref<!tpu.dma_semaphore, #tpu.memory_space<semaphore_mem>>
    %dma_start3A_24 = arith.constant 0 : i32
    %dma_start3A_25 = arith.constant 0 : i32
    %dma_start3A_26 = tpu.memref_slice %arg4[%dma_start3A_20, %dma_start3A_24, %dma_start3A_25] : memref<2x64x4096xf32, #tpu.memory_space<vmem>> -> memref<1x64x4096xf32, #tpu.memory_space<vmem>>
    %dma_start3A_27 = tpu.memref_squeeze %dma_start3A_26 : memref<1x64x4096xf32, #tpu.memory_space<vmem>> -> memref<64x4096xf32, #tpu.memory_space<vmem>>
    %dma_start3A_28 = arith.constant 0 : i32
    %dma_start3A_29 = arith.constant 0 : i32
    %dma_start3A_30 = tpu.memref_slice %arg0[%dma_start3A_19, %dma_start3A_28, %dma_start3A_29] : memref<16x64x4096xf32, #tpu.memory_space<any>> -> memref<1x64x4096xf32, #tpu.memory_space<any>>
    %dma_start3A_31 = tpu.memref_squeeze %dma_start3A_30 : memref<1x64x4096xf32, #tpu.memory_space<any>> -> memref<64x4096xf32, #tpu.memory_space<any>>
    tpu.enqueue_dma source(%dma_start3A_31 : memref<64x4096xf32, #tpu.memory_space<any>>) target(%dma_start3A_27 : memref<64x4096xf32, #tpu.memory_space<vmem>>) target_semaphore(%dma_start3A_23 : memref<!tpu.dma_semaphore, #tpu.memory_space<semaphore_mem>>)
    %dma_wait3A = arith.constant 0 : i32
    %dma_wait3A_32 = arith.constant 0 : i32
    %dma_wait3A_33 = arith.constant 0 : i32
    %dma_wait3A_34 = tpu.memref_slice %arg6[%dma_wait3A_33] : memref<2x!tpu.dma_semaphore, #tpu.memory_space<semaphore_mem>> -> memref<1x!tpu.dma_semaphore, #tpu.memory_space<semaphore_mem>>
    %dma_wait3A_35 = tpu.memref_squeeze %dma_wait3A_34 : memref<1x!tpu.dma_semaphore, #tpu.memory_space<semaphore_mem>> -> memref<!tpu.dma_semaphore, #tpu.memory_space<semaphore_mem>>
    %dma_wait3A_36 = arith.constant 0 : i32
    %dma_wait3A_37 = arith.constant 0 : i32
    %dma_wait3A_38 = tpu.memref_slice %arg4[%dma_wait3A_32, %dma_wait3A_36, %dma_wait3A_37] : memref<2x64x4096xf32, #tpu.memory_space<vmem>> -> memref<1x64x4096xf32, #tpu.memory_space<vmem>>
    %dma_wait3A_39 = tpu.memref_squeeze %dma_wait3A_38 : memref<1x64x4096xf32, #tpu.memory_space<vmem>> -> memref<64x4096xf32, #tpu.memory_space<vmem>>
    %dma_wait3A_40 = arith.constant 0 : i32
    %dma_wait3A_41 = arith.constant 0 : i32
    %dma_wait3A_42 = tpu.memref_slice %arg0[%dma_wait3A, %dma_wait3A_40, %dma_wait3A_41] : memref<16x64x4096xf32, #tpu.memory_space<any>> -> memref<1x64x4096xf32, #tpu.memory_space<any>>
    %dma_wait3A_43 = tpu.memref_squeeze %dma_wait3A_42 : memref<1x64x4096xf32, #tpu.memory_space<any>> -> memref<64x4096xf32, #tpu.memory_space<any>>
    tpu.wait_dma2 semaphore(%dma_wait3A_35 : memref<!tpu.dma_semaphore, #tpu.memory_space<semaphore_mem>>) src(%dma_wait3A_43 : memref<64x4096xf32, #tpu.memory_space<any>>) dst(%dma_wait3A_39 : memref<64x4096xf32, #tpu.memory_space<vmem>>)
    %get3A_44 = arith.constant 0 : index
    %get3A_45 = arith.constant 0 : index
    %get3A_46 = arith.constant 0 : index
    %get3A_47 = vector.load %arg4[%get3A_44, %get3A_45, %get3A_46] : memref<2x64x4096xf32, #tpu.memory_space<vmem>>, vector<1x64x4096xf32>
    %get3A_48 = vector.shape_cast %get3A_47 : vector<1x64x4096xf32> to vector<64x4096xf32>
    %dot_general3A = arith.constant dense<0.000000e+00> : vector<1024x4096xf32>
    %dot_general3A_49 = tpu.matmul %get3A_1, %get3A_48, %dot_general3A {dimension_numbers = #tpu.dot_dimension_numbers<[0], [0], [1], [1], [0, 1, 1, 1], [], []>, transpose_lhs_hint = false} : vector<64x1024xf32>, vector<64x4096xf32>, vector<1024x4096xf32> -> vector<1024x4096xf32>
    %broadcast_in_dim3A_50 = vector.shape_cast %mul3A_5 : vector<1024xf32> to vector<1024x1xf32>
    %sub3A = vector.broadcast %broadcast_in_dim3A_50 : vector<1024x1xf32> to vector<1024x4096xf32>
    %sub3A_51 = arith.subf %dot_general3A_49, %sub3A : vector<1024x4096xf32>
    %argmax3A = tpu.reduce_index %sub3A_51 {axis = 0 : i32, kind = #tpu.reduction_kind<arg_max>} : vector<1024x4096xf32> -> vector<4096xi32>
    %reduce_max3A = arith.constant dense<0xFF800000> : vector<4096xf32>
    %reduce_max3A_52 = vector.multi_reduction <maximumf>, %sub3A_51, %reduce_max3A [0] : vector<1024x4096xf32> to vector<4096xf32>
    %swap3A = arith.constant 0 : index
    %swap3A_53 = arith.constant 0 : index
    %swap3A_54 = arith.constant 0 : index
    %swap3A_55 = vector.load %arg5[%swap3A, %swap3A_53, %swap3A_54] : memref<2x1x4096xi32, #tpu.memory_space<vmem>>, vector<1x1x4096xi32>
    %swap3A_56 = vector.shape_cast %swap3A_55 : vector<1x1x4096xi32> to vector<4096xi32>
    %swap3A_57 = vector.shape_cast %argmax3A : vector<4096xi32> to vector<1x1x4096xi32>
    tpu.vector_store %arg5[%swap3A, %swap3A_53, %swap3A_54], %swap3A_57 {strides = array<i32>} : memref<2x1x4096xi32, #tpu.memory_space<vmem>>, vector<1x1x4096xi32>,
    %dma_start3A_58 = arith.constant 0 : i32
    %dma_start3A_59 = arith.constant 0 : i32
    %dma_start3A_60 = arith.constant 0 : i32
    %dma_start3A_61 = tpu.memref_slice %arg7[%dma_start3A_60] : memref<2x!tpu.dma_semaphore, #tpu.memory_space<semaphore_mem>> -> memref<1x!tpu.dma_semaphore, #tpu.memory_space<semaphore_mem>>
    %dma_start3A_62 = tpu.memref_squeeze %dma_start3A_61 : memref<1x!tpu.dma_semaphore, #tpu.memory_space<semaphore_mem>> -> memref<!tpu.dma_semaphore, #tpu.memory_space<semaphore_mem>>
    %dma_start3A_63 = arith.constant 0 : i32
    %dma_start3A_64 = arith.constant 0 : i32
    %dma_start3A_65 = tpu.memref_slice %arg2[%dma_start3A_59, %dma_start3A_63, %dma_start3A_64] : memref<16x1x4096xi32, #tpu.memory_space<any>> -> memref<1x1x4096xi32, #tpu.memory_space<any>>
    %dma_start3A_66 = tpu.memref_squeeze %dma_start3A_65 : memref<1x1x4096xi32, #tpu.memory_space<any>> -> memref<1x4096xi32, #tpu.memory_space<any>>
    %dma_start3A_67 = arith.constant 0 : i32
    %dma_start3A_68 = arith.constant 0 : i32
    %dma_start3A_69 = tpu.memref_slice %arg5[%dma_start3A_58, %dma_start3A_67, %dma_start3A_68] : memref<2x1x4096xi32, #tpu.memory_space<vmem>> -> memref<1x1x4096xi32, #tpu.memory_space<vmem>>
    %dma_start3A_70 = tpu.memref_squeeze %dma_start3A_69 : memref<1x1x4096xi32, #tpu.memory_space<vmem>> -> memref<1x4096xi32, #tpu.memory_space<vmem>>
    tpu.enqueue_dma source(%dma_start3A_70 : memref<1x4096xi32, #tpu.memory_space<vmem>>) target(%dma_start3A_66 : memref<1x4096xi32, #tpu.memory_space<any>>) target_semaphore(%dma_start3A_62 : memref<!tpu.dma_semaphore, #tpu.memory_space<semaphore_mem>>)
    %mul3A_71 = arith.mulf %get3A_48, %get3A_48 : vector<64x4096xf32>
    %reduce_sum3A_72 = arith.constant dense<0.000000e+00> : vector<4096xf32>
    %reduce_sum3A_73 = vector.multi_reduction <add>, %mul3A_71, %reduce_sum3A_72 [0] : vector<64x4096xf32> to vector<4096xf32>
    %mul3A_74 = arith.constant 2.000000e+00 : f32
    %mul3A_75 = vector.broadcast %mul3A_74 : f32 to vector<4096xf32>
    %mul3A_76 = arith.mulf %mul3A_75, %reduce_max3A_52 : vector<4096xf32>
    %sub3A_77 = arith.subf %reduce_sum3A_73, %mul3A_76 : vector<4096xf32>
    %add3A = arith.addf %broadcast_in_dim3A_18, %sub3A_77 : vector<4096xf32>
    %dma_start3A_78 = arith.constant 2 : i32
    %dma_start3A_79 = arith.constant 0 : i32
    %dma_start3A_80 = arith.constant 0 : i32
    %dma_start3A_81 = tpu.memref_slice %arg6[%dma_start3A_80] : memref<2x!tpu.dma_semaphore, #tpu.memory_space<semaphore_mem>> -> memref<1x!tpu.dma_semaphore, #tpu.memory_space<semaphore_mem>>
    %dma_start3A_82 = tpu.memref_squeeze %dma_start3A_81 : memref<1x!tpu.dma_semaphore, #tpu.memory_space<semaphore_mem>> -> memref<!tpu.dma_semaphore, #tpu.memory_space<semaphore_mem>>
    %dma_start3A_83 = arith.constant 0 : i32
    %dma_start3A_84 = arith.constant 0 : i32
    %dma_start3A_85 = tpu.memref_slice %arg4[%dma_start3A_79, %dma_start3A_83, %dma_start3A_84] : memref<2x64x4096xf32, #tpu.memory_space<vmem>> -> memref<1x64x4096xf32, #tpu.memory_space<vmem>>
    %dma_start3A_86 = tpu.memref_squeeze %dma_start3A_85 : memref<1x64x4096xf32, #tpu.memory_space<vmem>> -> memref<64x4096xf32, #tpu.memory_space<vmem>>
    %dma_start3A_87 = arith.constant 0 : i32
    %dma_start3A_88 = arith.constant 0 : i32
    %dma_start3A_89 = tpu.memref_slice %arg0[%dma_start3A_78, %dma_start3A_87, %dma_start3A_88] : memref<16x64x4096xf32, #tpu.memory_space<any>> -> memref<1x64x4096xf32, #tpu.memory_space<any>>
    %dma_start3A_90 = tpu.memref_squeeze %dma_start3A_89 : memref<1x64x4096xf32, #tpu.memory_space<any>> -> memref<64x4096xf32, #tpu.memory_space<any>>
    tpu.enqueue_dma source(%dma_start3A_90 : memref<64x4096xf32, #tpu.memory_space<any>>) target(%dma_start3A_86 : memref<64x4096xf32, #tpu.memory_space<vmem>>) target_semaphore(%dma_start3A_82 : memref<!tpu.dma_semaphore, #tpu.memory_space<semaphore_mem>>)
    %dma_wait3A_91 = arith.constant 1 : i32
    %dma_wait3A_92 = arith.constant 1 : i32
    %dma_wait3A_93 = arith.constant 1 : i32
    %dma_wait3A_94 = tpu.memref_slice %arg6[%dma_wait3A_93] : memref<2x!tpu.dma_semaphore, #tpu.memory_space<semaphore_mem>> -> memref<1x!tpu.dma_semaphore, #tpu.memory_space<semaphore_mem>>
    %dma_wait3A_95 = tpu.memref_squeeze %dma_wait3A_94 : memref<1x!tpu.dma_semaphore, #tpu.memory_space<semaphore_mem>> -> memref<!tpu.dma_semaphore, #tpu.memory_space<semaphore_mem>>
    %dma_wait3A_96 = arith.constant 0 : i32
    %dma_wait3A_97 = arith.constant 0 : i32
    %dma_wait3A_98 = tpu.memref_slice %arg4[%dma_wait3A_92, %dma_wait3A_96, %dma_wait3A_97] : memref<2x64x4096xf32, #tpu.memory_space<vmem>> -> memref<1x64x4096xf32, #tpu.memory_space<vmem>>
    %dma_wait3A_99 = tpu.memref_squeeze %dma_wait3A_98 : memref<1x64x4096xf32, #tpu.memory_space<vmem>> -> memref<64x4096xf32, #tpu.memory_space<vmem>>
    %dma_wait3A_100 = arith.constant 0 : i32
    %dma_wait3A_101 = arith.constant 0 : i32
    %dma_wait3A_102 = tpu.memref_slice %arg0[%dma_wait3A_91, %dma_wait3A_100, %dma_wait3A_101] : memref<16x64x4096xf32, #tpu.memory_space<any>> -> memref<1x64x4096xf32, #tpu.memory_space<any>>
    %dma_wait3A_103 = tpu.memref_squeeze %dma_wait3A_102 : memref<1x64x4096xf32, #tpu.memory_space<any>> -> memref<64x4096xf32, #tpu.memory_space<any>>
    tpu.wait_dma2 semaphore(%dma_wait3A_95 : memref<!tpu.dma_semaphore, #tpu.memory_space<semaphore_mem>>) src(%dma_wait3A_103 : memref<64x4096xf32, #tpu.memory_space<any>>) dst(%dma_wait3A_99 : memref<64x4096xf32, #tpu.memory_space<vmem>>)
    %get3A_104 = arith.constant 1 : index
    %get3A_105 = arith.constant 0 : index
    %get3A_106 = arith.constant 0 : index
    %get3A_107 = vector.load %arg4[%get3A_104, %get3A_105, %get3A_106] : memref<2x64x4096xf32, #tpu.memory_space<vmem>>, vector<1x64x4096xf32>
    %get3A_108 = vector.shape_cast %get3A_107 : vector<1x64x4096xf32> to vector<64x4096xf32>
    %dot_general3A_109 = arith.constant dense<0.000000e+00> : vector<1024x4096xf32>
    %dot_general3A_110 = tpu.matmul %get3A_1, %get3A_108, %dot_general3A_109 {dimension_numbers = #tpu.dot_dimension_numbers<[0], [0], [1], [1], [0, 1, 1, 1], [], []>, transpose_lhs_hint = false} : vector<64x1024xf32>, vector<64x4096xf32>, vector<1024x4096xf32> -> vector<1024x4096xf32>
    %broadcast_in_dim3A_111 = vector.shape_cast %mul3A_5 : vector<1024xf32> to vector<1024x1xf32>
    %sub3A_112 = vector.broadcast %broadcast_in_dim3A_111 : vector<1024x1xf32> to vector<1024x4096xf32>
    %sub3A_113 = arith.subf %dot_general3A_110, %sub3A_112 : vector<1024x4096xf32>
    %argmax3A_114 = tpu.reduce_index %sub3A_113 {axis = 0 : i32, kind = #tpu.reduction_kind<arg_max>} : vector<1024x4096xf32> -> vector<4096xi32>
    %reduce_max3A_115 = arith.constant dense<0xFF800000> : vector<4096xf32>
    %reduce_max3A_116 = vector.multi_reduction <maximumf>, %sub3A_113, %reduce_max3A_115 [0] : vector<1024x4096xf32> to vector<4096xf32>
    %swap3A_117 = arith.constant 1 : index
    %swap3A_118 = arith.constant 0 : index
    %swap3A_119 = arith.constant 0 : index
    %swap3A_120 = vector.load %arg5[%swap3A_117, %swap3A_118, %swap3A_119] : memref<2x1x4096xi32, #tpu.memory_space<vmem>>, vector<1x1x4096xi32>
    %swap3A_121 = vector.shape_cast %swap3A_120 : vector<1x1x4096xi32> to vector<4096xi32>
    %swap3A_122 = vector.shape_cast %argmax3A_114 : vector<4096xi32> to vector<1x1x4096xi32>
    tpu.vector_store %arg5[%swap3A_117, %swap3A_118, %swap3A_119], %swap3A_122 {strides = array<i32>} : memref<2x1x4096xi32, #tpu.memory_space<vmem>>, vector<1x1x4096xi32>,
    %dma_start3A_123 = arith.constant 1 : i32
    %dma_start3A_124 = arith.constant 1 : i32
    %dma_start3A_125 = arith.constant 1 : i32
    %dma_start3A_126 = tpu.memref_slice %arg7[%dma_start3A_125] : memref<2x!tpu.dma_semaphore, #tpu.memory_space<semaphore_mem>> -> memref<1x!tpu.dma_semaphore, #tpu.memory_space<semaphore_mem>>
    %dma_start3A_127 = tpu.memref_squeeze %dma_start3A_126 : memref<1x!tpu.dma_semaphore, #tpu.memory_space<semaphore_mem>> -> memref<!tpu.dma_semaphore, #tpu.memory_space<semaphore_mem>>
    %dma_start3A_128 = arith.constant 0 : i32
    %dma_start3A_129 = arith.constant 0 : i32
    %dma_start3A_130 = tpu.memref_slice %arg2[%dma_start3A_124, %dma_start3A_128, %dma_start3A_129] : memref<16x1x4096xi32, #tpu.memory_space<any>> -> memref<1x1x4096xi32, #tpu.memory_space<any>>
    %dma_start3A_131 = tpu.memref_squeeze %dma_start3A_130 : memref<1x1x4096xi32, #tpu.memory_space<any>> -> memref<1x4096xi32, #tpu.memory_space<any>>
    %dma_start3A_132 = arith.constant 0 : i32
    %dma_start3A_133 = arith.constant 0 : i32
    %dma_start3A_134 = tpu.memref_slice %arg5[%dma_start3A_123, %dma_start3A_132, %dma_start3A_133] : memref<2x1x4096xi32, #tpu.memory_space<vmem>> -> memref<1x1x4096xi32, #tpu.memory_space<vmem>>
    %dma_start3A_135 = tpu.memref_squeeze %dma_start3A_134 : memref<1x1x4096xi32, #tpu.memory_space<vmem>> -> memref<1x4096xi32, #tpu.memory_space<vmem>>
    tpu.enqueue_dma source(%dma_start3A_135 : memref<1x4096xi32, #tpu.memory_space<vmem>>) target(%dma_start3A_131 : memref<1x4096xi32, #tpu.memory_space<any>>) target_semaphore(%dma_start3A_127 : memref<!tpu.dma_semaphore, #tpu.memory_space<semaphore_mem>>)
    %mul3A_136 = arith.mulf %get3A_108, %get3A_108 : vector<64x4096xf32>
    %reduce_sum3A_137 = arith.constant dense<0.000000e+00> : vector<4096xf32>
    %reduce_sum3A_138 = vector.multi_reduction <add>, %mul3A_136, %reduce_sum3A_137 [0] : vector<64x4096xf32> to vector<4096xf32>
    %mul3A_139 = arith.constant 2.000000e+00 : f32
    %mul3A_140 = vector.broadcast %mul3A_139 : f32 to vector<4096xf32>
    %mul3A_141 = arith.mulf %mul3A_140, %reduce_max3A_116 : vector<4096xf32>
    %sub3A_142 = arith.subf %reduce_sum3A_138, %mul3A_141 : vector<4096xf32>
    %add3A_143 = arith.addf %add3A, %sub3A_142 : vector<4096xf32>
    %dma_start3A_144 = arith.constant 3 : i32
    %dma_start3A_145 = arith.constant 1 : i32
    %dma_start3A_146 = arith.constant 1 : i32
    %dma_start3A_147 = tpu.memref_slice %arg6[%dma_start3A_146] : memref<2x!tpu.dma_semaphore, #tpu.memory_space<semaphore_mem>> -> memref<1x!tpu.dma_semaphore, #tpu.memory_space<semaphore_mem>>
    %dma_start3A_148 = tpu.memref_squeeze %dma_start3A_147 : memref<1x!tpu.dma_semaphore, #tpu.memory_space<semaphore_mem>> -> memref<!tpu.dma_semaphore, #tpu.memory_space<semaphore_mem>>
    %dma_start3A_149 = arith.constant 0 : i32
    %dma_start3A_150 = arith.constant 0 : i32
    %dma_start3A_151 = tpu.memref_slice %arg4[%dma_start3A_145, %dma_start3A_149, %dma_start3A_150] : memref<2x64x4096xf32, #tpu.memory_space<vmem>> -> memref<1x64x4096xf32, #tpu.memory_space<vmem>>
    %dma_start3A_152 = tpu.memref_squeeze %dma_start3A_151 : memref<1x64x4096xf32, #tpu.memory_space<vmem>> -> memref<64x4096xf32, #tpu.memory_space<vmem>>
    %dma_start3A_153 = arith.constant 0 : i32
    %dma_start3A_154 = arith.constant 0 : i32
    %dma_start3A_155 = tpu.memref_slice %arg0[%dma_start3A_144, %dma_start3A_153, %dma_start3A_154] : memref<16x64x4096xf32, #tpu.memory_space<any>> -> memref<1x64x4096xf32, #tpu.memory_space<any>>
    %dma_start3A_156 = tpu.memref_squeeze %dma_start3A_155 : memref<1x64x4096xf32, #tpu.memory_space<any>> -> memref<64x4096xf32, #tpu.memory_space<any>>
    tpu.enqueue_dma source(%dma_start3A_156 : memref<64x4096xf32, #tpu.memory_space<any>>) target(%dma_start3A_152 : memref<64x4096xf32, #tpu.memory_space<vmem>>) target_semaphore(%dma_start3A_148 : memref<!tpu.dma_semaphore, #tpu.memory_space<semaphore_mem>>)
    %dma_wait3A_157 = arith.constant 2 : i32
    %dma_wait3A_158 = arith.constant 0 : i32
    %dma_wait3A_159 = arith.constant 0 : i32
    %dma_wait3A_160 = tpu.memref_slice %arg6[%dma_wait3A_159] : memref<2x!tpu.dma_semaphore, #tpu.memory_space<semaphore_mem>> -> memref<1x!tpu.dma_semaphore, #tpu.memory_space<semaphore_mem>>
    %dma_wait3A_161 = tpu.memref_squeeze %dma_wait3A_160 : memref<1x!tpu.dma_semaphore, #tpu.memory_space<semaphore_mem>> -> memref<!tpu.dma_semaphore, #tpu.memory_space<semaphore_mem>>
    %dma_wait3A_162 = arith.constant 0 : i32
    %dma_wait3A_163 = arith.constant 0 : i32
    %dma_wait3A_164 = tpu.memref_slice %arg4[%dma_wait3A_158, %dma_wait3A_162, %dma_wait3A_163] : memref<2x64x4096xf32, #tpu.memory_space<vmem>> -> memref<1x64x4096xf32, #tpu.memory_space<vmem>>
    %dma_wait3A_165 = tpu.memref_squeeze %dma_wait3A_164 : memref<1x64x4096xf32, #tpu.memory_space<vmem>> -> memref<64x4096xf32, #tpu.memory_space<vmem>>
    %dma_wait3A_166 = arith.constant 0 : i32
    %dma_wait3A_167 = arith.constant 0 : i32
    %dma_wait3A_168 = tpu.memref_slice %arg0[%dma_wait3A_157, %dma_wait3A_166, %dma_wait3A_167] : memref<16x64x4096xf32, #tpu.memory_space<any>> -> memref<1x64x4096xf32, #tpu.memory_space<any>>
    %dma_wait3A_169 = tpu.memref_squeeze %dma_wait3A_168 : memref<1x64x4096xf32, #tpu.memory_space<any>> -> memref<64x4096xf32, #tpu.memory_space<any>>
    tpu.wait_dma2 semaphore(%dma_wait3A_161 : memref<!tpu.dma_semaphore, #tpu.memory_space<semaphore_mem>>) src(%dma_wait3A_169 : memref<64x4096xf32, #tpu.memory_space<any>>) dst(%dma_wait3A_165 : memref<64x4096xf32, #tpu.memory_space<vmem>>)
    %get3A_170 = arith.constant 0 : index
    %get3A_171 = arith.constant 0 : index
    %get3A_172 = arith.constant 0 : index
    %get3A_173 = vector.load %arg4[%get3A_170, %get3A_171, %get3A_172] : memref<2x64x4096xf32, #tpu.memory_space<vmem>>, vector<1x64x4096xf32>
    %get3A_174 = vector.shape_cast %get3A_173 : vector<1x64x4096xf32> to vector<64x4096xf32>
    %dot_general3A_175 = arith.constant dense<0.000000e+00> : vector<1024x4096xf32>
    %dot_general3A_176 = tpu.matmul %get3A_1, %get3A_174, %dot_general3A_175 {dimension_numbers = #tpu.dot_dimension_numbers<[0], [0], [1], [1], [0, 1, 1, 1], [], []>, transpose_lhs_hint = false} : vector<64x1024xf32>, vector<64x4096xf32>, vector<1024x4096xf32> -> vector<1024x4096xf32>
    %broadcast_in_dim3A_177 = vector.shape_cast %mul3A_5 : vector<1024xf32> to vector<1024x1xf32>
    %sub3A_178 = vector.broadcast %broadcast_in_dim3A_177 : vector<1024x1xf32> to vector<1024x4096xf32>
    %sub3A_179 = arith.subf %dot_general3A_176, %sub3A_178 : vector<1024x4096xf32>
    %argmax3A_180 = tpu.reduce_index %sub3A_179 {axis = 0 : i32, kind = #tpu.reduction_kind<arg_max>} : vector<1024x4096xf32> -> vector<4096xi32>
    %reduce_max3A_181 = arith.constant dense<0xFF800000> : vector<4096xf32>
    %reduce_max3A_182 = vector.multi_reduction <maximumf>, %sub3A_179, %reduce_max3A_181 [0] : vector<1024x4096xf32> to vector<4096xf32>
    %dma_wait3A_183 = arith.constant 0 : i32
    %dma_wait3A_184 = arith.constant 0 : i32
    %dma_wait3A_185 = arith.constant 0 : i32
    %dma_wait3A_186 = tpu.memref_slice %arg7[%dma_wait3A_185] : memref<2x!tpu.dma_semaphore, #tpu.memory_space<semaphore_mem>> -> memref<1x!tpu.dma_semaphore, #tpu.memory_space<semaphore_mem>>
    %dma_wait3A_187 = tpu.memref_squeeze %dma_wait3A_186 : memref<1x!tpu.dma_semaphore, #tpu.memory_space<semaphore_mem>> -> memref<!tpu.dma_semaphore, #tpu.memory_space<semaphore_mem>>
    %dma_wait3A_188 = arith.constant 0 : i32
    %dma_wait3A_189 = arith.constant 0 : i32
    %dma_wait3A_190 = tpu.memref_slice %arg2[%dma_wait3A_184, %dma_wait3A_188, %dma_wait3A_189] : memref<16x1x4096xi32, #tpu.memory_space<any>> -> memref<1x1x4096xi32, #tpu.memory_space<any>>
    %dma_wait3A_191 = tpu.memref_squeeze %dma_wait3A_190 : memref<1x1x4096xi32, #tpu.memory_space<any>> -> memref<1x4096xi32, #tpu.memory_space<any>>
    %dma_wait3A_192 = arith.constant 0 : i32
    %dma_wait3A_193 = arith.constant 0 : i32
    %dma_wait3A_194 = tpu.memref_slice %arg5[%dma_wait3A_183, %dma_wait3A_192, %dma_wait3A_193] : memref<2x1x4096xi32, #tpu.memory_space<vmem>> -> memref<1x1x4096xi32, #tpu.memory_space<vmem>>
    %dma_wait3A_195 = tpu.memref_squeeze %dma_wait3A_194 : memref<1x1x4096xi32, #tpu.memory_space<vmem>> -> memref<1x4096xi32, #tpu.memory_space<vmem>>
    tpu.wait_dma2 semaphore(%dma_wait3A_187 : memref<!tpu.dma_semaphore, #tpu.memory_space<semaphore_mem>>) src(%dma_wait3A_195 : memref<1x4096xi32, #tpu.memory_space<vmem>>) dst(%dma_wait3A_191 : memref<1x4096xi32, #tpu.memory_space<any>>)
    %swap3A_196 = arith.constant 0 : index
    %swap3A_197 = arith.constant 0 : index
    %swap3A_198 = arith.constant 0 : index
    %swap3A_199 = vector.load %arg5[%swap3A_196, %swap3A_197, %swap3A_198] : memref<2x1x4096xi32, #tpu.memory_space<vmem>>, vector<1x1x4096xi32>
    %swap3A_200 = vector.shape_cast %swap3A_199 : vector<1x1x4096xi32> to vector<4096xi32>
    %swap3A_201 = vector.shape_cast %argmax3A_180 : vector<4096xi32> to vector<1x1x4096xi32>
    tpu.vector_store %arg5[%swap3A_196, %swap3A_197, %swap3A_198], %swap3A_201 {strides = array<i32>} : memref<2x1x4096xi32, #tpu.memory_space<vmem>>, vector<1x1x4096xi32>,
    %dma_start3A_202 = arith.constant 0 : i32
    %dma_start3A_203 = arith.constant 2 : i32
    %dma_start3A_204 = arith.constant 0 : i32
    %dma_start3A_205 = tpu.memref_slice %arg7[%dma_start3A_204] : memref<2x!tpu.dma_semaphore, #tpu.memory_space<semaphore_mem>> -> memref<1x!tpu.dma_semaphore, #tpu.memory_space<semaphore_mem>>
    %dma_start3A_206 = tpu.memref_squeeze %dma_start3A_205 : memref<1x!tpu.dma_semaphore, #tpu.memory_space<semaphore_mem>> -> memref<!tpu.dma_semaphore, #tpu.memory_space<semaphore_mem>>
    %dma_start3A_207 = arith.constant 0 : i32
    %dma_start3A_208 = arith.constant 0 : i32
    %dma_start3A_209 = tpu.memref_slice %arg2[%dma_start3A_203, %dma_start3A_207, %dma_start3A_208] : memref<16x1x4096xi32, #tpu.memory_space<any>> -> memref<1x1x4096xi32, #tpu.memory_space<any>>
    %dma_start3A_210 = tpu.memref_squeeze %dma_start3A_209 : memref<1x1x4096xi32, #tpu.memory_space<any>> -> memref<1x4096xi32, #tpu.memory_space<any>>
    %dma_start3A_211 = arith.constant 0 : i32
    %dma_start3A_212 = arith.constant 0 : i32
    %dma_start3A_213 = tpu.memref_slice %arg5[%dma_start3A_202, %dma_start3A_211, %dma_start3A_212] : memref<2x1x4096xi32, #tpu.memory_space<vmem>> -> memref<1x1x4096xi32, #tpu.memory_space<vmem>>
    %dma_start3A_214 = tpu.memref_squeeze %dma_start3A_213 : memref<1x1x4096xi32, #tpu.memory_space<vmem>> -> memref<1x4096xi32, #tpu.memory_space<vmem>>
    tpu.enqueue_dma source(%dma_start3A_214 : memref<1x4096xi32, #tpu.memory_space<vmem>>) target(%dma_start3A_210 : memref<1x4096xi32, #tpu.memory_space<any>>) target_semaphore(%dma_start3A_206 : memref<!tpu.dma_semaphore, #tpu.memory_space<semaphore_mem>>)
    %mul3A_215 = arith.mulf %get3A_174, %get3A_174 : vector<64x4096xf32>
    %reduce_sum3A_216 = arith.constant dense<0.000000e+00> : vector<4096xf32>
    %reduce_sum3A_217 = vector.multi_reduction <add>, %mul3A_215, %reduce_sum3A_216 [0] : vector<64x4096xf32> to vector<4096xf32>
    %mul3A_218 = arith.constant 2.000000e+00 : f32
    %mul3A_219 = vector.broadcast %mul3A_218 : f32 to vector<4096xf32>
    %mul3A_220 = arith.mulf %mul3A_219, %reduce_max3A_182 : vector<4096xf32>
    %sub3A_221 = arith.subf %reduce_sum3A_217, %mul3A_220 : vector<4096xf32>
    %add3A_222 = arith.addf %add3A_143, %sub3A_221 : vector<4096xf32>
    %dma_start3A_223 = arith.constant 4 : i32
    %dma_start3A_224 = arith.constant 0 : i32
    %dma_start3A_225 = arith.constant 0 : i32
    %dma_start3A_226 = tpu.memref_slice %arg6[%dma_start3A_225] : memref<2x!tpu.dma_semaphore, #tpu.memory_space<semaphore_mem>> -> memref<1x!tpu.dma_semaphore, #tpu.memory_space<semaphore_mem>>
    %dma_start3A_227 = tpu.memref_squeeze %dma_start3A_226 : memref<1x!tpu.dma_semaphore, #tpu.memory_space<semaphore_mem>> -> memref<!tpu.dma_semaphore, #tpu.memory_space<semaphore_mem>>
    %dma_start3A_228 = arith.constant 0 : i32
    %dma_start3A_229 = arith.constant 0 : i32
    %dma_start3A_230 = tpu.memref_slice %arg4[%dma_start3A_224, %dma_start3A_228, %dma_start3A_229] : memref<2x64x4096xf32, #tpu.memory_space<vmem>> -> memref<1x64x4096xf32, #tpu.memory_space<vmem>>
    %dma_start3A_231 = tpu.memref_squeeze %dma_start3A_230 : memref<1x64x4096xf32, #tpu.memory_space<vmem>> -> memref<64x4096xf32, #tpu.memory_space<vmem>>
    %dma_start3A_232 = arith.constant 0 : i32
    %dma_start3A_233 = arith.constant 0 : i32
    %dma_start3A_234 = tpu.memref_slice %arg0[%dma_start3A_223, %dma_start3A_232, %dma_start3A_233] : memref<16x64x4096xf32, #tpu.memory_space<any>> -> memref<1x64x4096xf32, #tpu.memory_space<any>>
    %dma_start3A_235 = tpu.memref_squeeze %dma_start3A_234 : memref<1x64x4096xf32, #tpu.memory_space<any>> -> memref<64x4096xf32, #tpu.memory_space<any>>
    tpu.enqueue_dma source(%dma_start3A_235 : memref<64x4096xf32, #tpu.memory_space<any>>) target(%dma_start3A_231 : memref<64x4096xf32, #tpu.memory_space<vmem>>) target_semaphore(%dma_start3A_227 : memref<!tpu.dma_semaphore, #tpu.memory_space<semaphore_mem>>)
    %dma_wait3A_236 = arith.constant 3 : i32
    %dma_wait3A_237 = arith.constant 1 : i32
    %dma_wait3A_238 = arith.constant 1 : i32
    %dma_wait3A_239 = tpu.memref_slice %arg6[%dma_wait3A_238] : memref<2x!tpu.dma_semaphore, #tpu.memory_space<semaphore_mem>> -> memref<1x!tpu.dma_semaphore, #tpu.memory_space<semaphore_mem>>
    %dma_wait3A_240 = tpu.memref_squeeze %dma_wait3A_239 : memref<1x!tpu.dma_semaphore, #tpu.memory_space<semaphore_mem>> -> memref<!tpu.dma_semaphore, #tpu.memory_space<semaphore_mem>>
    %dma_wait3A_241 = arith.constant 0 : i32
    %dma_wait3A_242 = arith.constant 0 : i32
    %dma_wait3A_243 = tpu.memref_slice %arg4[%dma_wait3A_237, %dma_wait3A_241, %dma_wait3A_242] : memref<2x64x4096xf32, #tpu.memory_space<vmem>> -> memref<1x64x4096xf32, #tpu.memory_space<vmem>>
    %dma_wait3A_244 = tpu.memref_squeeze %dma_wait3A_243 : memref<1x64x4096xf32, #tpu.memory_space<vmem>> -> memref<64x4096xf32, #tpu.memory_space<vmem>>
    %dma_wait3A_245 = arith.constant 0 : i32
    %dma_wait3A_246 = arith.constant 0 : i32
    %dma_wait3A_247 = tpu.memref_slice %arg0[%dma_wait3A_236, %dma_wait3A_245, %dma_wait3A_246] : memref<16x64x4096xf32, #tpu.memory_space<any>> -> memref<1x64x4096xf32, #tpu.memory_space<any>>
    %dma_wait3A_248 = tpu.memref_squeeze %dma_wait3A_247 : memref<1x64x4096xf32, #tpu.memory_space<any>> -> memref<64x4096xf32, #tpu.memory_space<any>>
    tpu.wait_dma2 semaphore(%dma_wait3A_240 : memref<!tpu.dma_semaphore, #tpu.memory_space<semaphore_mem>>) src(%dma_wait3A_248 : memref<64x4096xf32, #tpu.memory_space<any>>) dst(%dma_wait3A_244 : memref<64x4096xf32, #tpu.memory_space<vmem>>)
    %get3A_249 = arith.constant 1 : index
    %get3A_250 = arith.constant 0 : index
    %get3A_251 = arith.constant 0 : index
    %get3A_252 = vector.load %arg4[%get3A_249, %get3A_250, %get3A_251] : memref<2x64x4096xf32, #tpu.memory_space<vmem>>, vector<1x64x4096xf32>
    %get3A_253 = vector.shape_cast %get3A_252 : vector<1x64x4096xf32> to vector<64x4096xf32>
    %dot_general3A_254 = arith.constant dense<0.000000e+00> : vector<1024x4096xf32>
    %dot_general3A_255 = tpu.matmul %get3A_1, %get3A_253, %dot_general3A_254 {dimension_numbers = #tpu.dot_dimension_numbers<[0], [0], [1], [1], [0, 1, 1, 1], [], []>, transpose_lhs_hint = false} : vector<64x1024xf32>, vector<64x4096xf32>, vector<1024x4096xf32> -> vector<1024x4096xf32>
    %broadcast_in_dim3A_256 = vector.shape_cast %mul3A_5 : vector<1024xf32> to vector<1024x1xf32>
    %sub3A_257 = vector.broadcast %broadcast_in_dim3A_256 : vector<1024x1xf32> to vector<1024x4096xf32>
    %sub3A_258 = arith.subf %dot_general3A_255, %sub3A_257 : vector<1024x4096xf32>
    %argmax3A_259 = tpu.reduce_index %sub3A_258 {axis = 0 : i32, kind = #tpu.reduction_kind<arg_max>} : vector<1024x4096xf32> -> vector<4096xi32>
    %reduce_max3A_260 = arith.constant dense<0xFF800000> : vector<4096xf32>
    %reduce_max3A_261 = vector.multi_reduction <maximumf>, %sub3A_258, %reduce_max3A_260 [0] : vector<1024x4096xf32> to vector<4096xf32>
    %dma_wait3A_262 = arith.constant 1 : i32
    %dma_wait3A_263 = arith.constant 1 : i32
    %dma_wait3A_264 = arith.constant 1 : i32
    %dma_wait3A_265 = tpu.memref_slice %arg7[%dma_wait3A_264] : memref<2x!tpu.dma_semaphore, #tpu.memory_space<semaphore_mem>> -> memref<1x!tpu.dma_semaphore, #tpu.memory_space<semaphore_mem>>
    %dma_wait3A_266 = tpu.memref_squeeze %dma_wait3A_265 : memref<1x!tpu.dma_semaphore, #tpu.memory_space<semaphore_mem>> -> memref<!tpu.dma_semaphore, #tpu.memory_space<semaphore_mem>>
    %dma_wait3A_267 = arith.constant 0 : i32
    %dma_wait3A_268 = arith.constant 0 : i32
    %dma_wait3A_269 = tpu.memref_slice %arg2[%dma_wait3A_263, %dma_wait3A_267, %dma_wait3A_268] : memref<16x1x4096xi32, #tpu.memory_space<any>> -> memref<1x1x4096xi32, #tpu.memory_space<any>>
    %dma_wait3A_270 = tpu.memref_squeeze %dma_wait3A_269 : memref<1x1x4096xi32, #tpu.memory_space<any>> -> memref<1x4096xi32, #tpu.memory_space<any>>
    %dma_wait3A_271 = arith.constant 0 : i32
    %dma_wait3A_272 = arith.constant 0 : i32
    %dma_wait3A_273 = tpu.memref_slice %arg5[%dma_wait3A_262, %dma_wait3A_271, %dma_wait3A_272] : memref<2x1x4096xi32, #tpu.memory_space<vmem>> -> memref<1x1x4096xi32, #tpu.memory_space<vmem>>
    %dma_wait3A_274 = tpu.memref_squeeze %dma_wait3A_273 : memref<1x1x4096xi32, #tpu.memory_space<vmem>> -> memref<1x4096xi32, #tpu.memory_space<vmem>>
    tpu.wait_dma2 semaphore(%dma_wait3A_266 : memref<!tpu.dma_semaphore, #tpu.memory_space<semaphore_mem>>) src(%dma_wait3A_274 : memref<1x4096xi32, #tpu.memory_space<vmem>>) dst(%dma_wait3A_270 : memref<1x4096xi32, #tpu.memory_space<any>>)
    %swap3A_275 = arith.constant 1 : index
    %swap3A_276 = arith.constant 0 : index
    %swap3A_277 = arith.constant 0 : index
    %swap3A_278 = vector.load %arg5[%swap3A_275, %swap3A_276, %swap3A_277] : memref<2x1x4096xi32, #tpu.memory_space<vmem>>, vector<1x1x4096xi32>
    %swap3A_279 = vector.shape_cast %swap3A_278 : vector<1x1x4096xi32> to vector<4096xi32>
    %swap3A_280 = vector.shape_cast %argmax3A_259 : vector<4096xi32> to vector<1x1x4096xi32>
    tpu.vector_store %arg5[%swap3A_275, %swap3A_276, %swap3A_277], %swap3A_280 {strides = array<i32>} : memref<2x1x4096xi32, #tpu.memory_space<vmem>>, vector<1x1x4096xi32>,
    %dma_start3A_281 = arith.constant 1 : i32
    %dma_start3A_282 = arith.constant 3 : i32
    %dma_start3A_283 = arith.constant 1 : i32
    %dma_start3A_284 = tpu.memref_slice %arg7[%dma_start3A_283] : memref<2x!tpu.dma_semaphore, #tpu.memory_space<semaphore_mem>> -> memref<1x!tpu.dma_semaphore, #tpu.memory_space<semaphore_mem>>
    %dma_start3A_285 = tpu.memref_squeeze %dma_start3A_284 : memref<1x!tpu.dma_semaphore, #tpu.memory_space<semaphore_mem>> -> memref<!tpu.dma_semaphore, #tpu.memory_space<semaphore_mem>>
    %dma_start3A_286 = arith.constant 0 : i32
    %dma_start3A_287 = arith.constant 0 : i32
    %dma_start3A_288 = tpu.memref_slice %arg2[%dma_start3A_282, %dma_start3A_286, %dma_start3A_287] : memref<16x1x4096xi32, #tpu.memory_space<any>> -> memref<1x1x4096xi32, #tpu.memory_space<any>>
    %dma_start3A_289 = tpu.memref_squeeze %dma_start3A_288 : memref<1x1x4096xi32, #tpu.memory_space<any>> -> memref<1x4096xi32, #tpu.memory_space<any>>
    %dma_start3A_290 = arith.constant 0 : i32
    %dma_start3A_291 = arith.constant 0 : i32
    %dma_start3A_292 = tpu.memref_slice %arg5[%dma_start3A_281, %dma_start3A_290, %dma_start3A_291] : memref<2x1x4096xi32, #tpu.memory_space<vmem>> -> memref<1x1x4096xi32, #tpu.memory_space<vmem>>
    %dma_start3A_293 = tpu.memref_squeeze %dma_start3A_292 : memref<1x1x4096xi32, #tpu.memory_space<vmem>> -> memref<1x4096xi32, #tpu.memory_space<vmem>>
    tpu.enqueue_dma source(%dma_start3A_293 : memref<1x4096xi32, #tpu.memory_space<vmem>>) target(%dma_start3A_289 : memref<1x4096xi32, #tpu.memory_space<any>>) target_semaphore(%dma_start3A_285 : memref<!tpu.dma_semaphore, #tpu.memory_space<semaphore_mem>>)
    %mul3A_294 = arith.mulf %get3A_253, %get3A_253 : vector<64x4096xf32>
    %reduce_sum3A_295 = arith.constant dense<0.000000e+00> : vector<4096xf32>
    %reduce_sum3A_296 = vector.multi_reduction <add>, %mul3A_294, %reduce_sum3A_295 [0] : vector<64x4096xf32> to vector<4096xf32>
    %mul3A_297 = arith.constant 2.000000e+00 : f32
    %mul3A_298 = vector.broadcast %mul3A_297 : f32 to vector<4096xf32>
    %mul3A_299 = arith.mulf %mul3A_298, %reduce_max3A_261 : vector<4096xf32>
    %sub3A_300 = arith.subf %reduce_sum3A_296, %mul3A_299 : vector<4096xf32>
    %add3A_301 = arith.addf %add3A_222, %sub3A_300 : vector<4096xf32>
    %dma_start3A_302 = arith.constant 5 : i32
    %dma_start3A_303 = arith.constant 1 : i32
    %dma_start3A_304 = arith.constant 1 : i32
    %dma_start3A_305 = tpu.memref_slice %arg6[%dma_start3A_304] : memref<2x!tpu.dma_semaphore, #tpu.memory_space<semaphore_mem>> -> memref<1x!tpu.dma_semaphore, #tpu.memory_space<semaphore_mem>>
    %dma_start3A_306 = tpu.memref_squeeze %dma_start3A_305 : memref<1x!tpu.dma_semaphore, #tpu.memory_space<semaphore_mem>> -> memref<!tpu.dma_semaphore, #tpu.memory_space<semaphore_mem>>
    %dma_start3A_307 = arith.constant 0 : i32
    %dma_start3A_308 = arith.constant 0 : i32
    %dma_start3A_309 = tpu.memref_slice %arg4[%dma_start3A_303, %dma_start3A_307, %dma_start3A_308] : memref<2x64x4096xf32, #tpu.memory_space<vmem>> -> memref<1x64x4096xf32, #tpu.memory_space<vmem>>
    %dma_start3A_310 = tpu.memref_squeeze %dma_start3A_309 : memref<1x64x4096xf32, #tpu.memory_space<vmem>> -> memref<64x4096xf32, #tpu.memory_space<vmem>>
    %dma_start3A_311 = arith.constant 0 : i32
    %dma_start3A_312 = arith.constant 0 : i32
    %dma_start3A_313 = tpu.memref_slice %arg0[%dma_start3A_302, %dma_start3A_311, %dma_start3A_312] : memref<16x64x4096xf32, #tpu.memory_space<any>> -> memref<1x64x4096xf32, #tpu.memory_space<any>>
    %dma_start3A_314 = tpu.memref_squeeze %dma_start3A_313 : memref<1x64x4096xf32, #tpu.memory_space<any>> -> memref<64x4096xf32, #tpu.memory_space<any>>
    tpu.enqueue_dma source(%dma_start3A_314 : memref<64x4096xf32, #tpu.memory_space<any>>) target(%dma_start3A_310 : memref<64x4096xf32, #tpu.memory_space<vmem>>) target_semaphore(%dma_start3A_306 : memref<!tpu.dma_semaphore, #tpu.memory_space<semaphore_mem>>)
    %dma_wait3A_315 = arith.constant 4 : i32
    %dma_wait3A_316 = arith.constant 0 : i32
    %dma_wait3A_317 = arith.constant 0 : i32
    %dma_wait3A_318 = tpu.memref_slice %arg6[%dma_wait3A_317] : memref<2x!tpu.dma_semaphore, #tpu.memory_space<semaphore_mem>> -> memref<1x!tpu.dma_semaphore, #tpu.memory_space<semaphore_mem>>
    %dma_wait3A_319 = tpu.memref_squeeze %dma_wait3A_318 : memref<1x!tpu.dma_semaphore, #tpu.memory_space<semaphore_mem>> -> memref<!tpu.dma_semaphore, #tpu.memory_space<semaphore_mem>>
    %dma_wait3A_320 = arith.constant 0 : i32
    %dma_wait3A_321 = arith.constant 0 : i32
    %dma_wait3A_322 = tpu.memref_slice %arg4[%dma_wait3A_316, %dma_wait3A_320, %dma_wait3A_321] : memref<2x64x4096xf32, #tpu.memory_space<vmem>> -> memref<1x64x4096xf32, #tpu.memory_space<vmem>>
    %dma_wait3A_323 = tpu.memref_squeeze %dma_wait3A_322 : memref<1x64x4096xf32, #tpu.memory_space<vmem>> -> memref<64x4096xf32, #tpu.memory_space<vmem>>
    %dma_wait3A_324 = arith.constant 0 : i32
    %dma_wait3A_325 = arith.constant 0 : i32
    %dma_wait3A_326 = tpu.memref_slice %arg0[%dma_wait3A_315, %dma_wait3A_324, %dma_wait3A_325] : memref<16x64x4096xf32, #tpu.memory_space<any>> -> memref<1x64x4096xf32, #tpu.memory_space<any>>
    %dma_wait3A_327 = tpu.memref_squeeze %dma_wait3A_326 : memref<1x64x4096xf32, #tpu.memory_space<any>> -> memref<64x4096xf32, #tpu.memory_space<any>>
    tpu.wait_dma2 semaphore(%dma_wait3A_319 : memref<!tpu.dma_semaphore, #tpu.memory_space<semaphore_mem>>) src(%dma_wait3A_327 : memref<64x4096xf32, #tpu.memory_space<any>>) dst(%dma_wait3A_323 : memref<64x4096xf32, #tpu.memory_space<vmem>>)
    %get3A_328 = arith.constant 0 : index
    %get3A_329 = arith.constant 0 : index
    %get3A_330 = arith.constant 0 : index
    %get3A_331 = vector.load %arg4[%get3A_328, %get3A_329, %get3A_330] : memref<2x64x4096xf32, #tpu.memory_space<vmem>>, vector<1x64x4096xf32>
    %get3A_332 = vector.shape_cast %get3A_331 : vector<1x64x4096xf32> to vector<64x4096xf32>
    %dot_general3A_333 = arith.constant dense<0.000000e+00> : vector<1024x4096xf32>
    %dot_general3A_334 = tpu.matmul %get3A_1, %get3A_332, %dot_general3A_333 {dimension_numbers = #tpu.dot_dimension_numbers<[0], [0], [1], [1], [0, 1, 1, 1], [], []>, transpose_lhs_hint = false} : vector<64x1024xf32>, vector<64x4096xf32>, vector<1024x4096xf32> -> vector<1024x4096xf32>
    %broadcast_in_dim3A_335 = vector.shape_cast %mul3A_5 : vector<1024xf32> to vector<1024x1xf32>
    %sub3A_336 = vector.broadcast %broadcast_in_dim3A_335 : vector<1024x1xf32> to vector<1024x4096xf32>
    %sub3A_337 = arith.subf %dot_general3A_334, %sub3A_336 : vector<1024x4096xf32>
    %argmax3A_338 = tpu.reduce_index %sub3A_337 {axis = 0 : i32, kind = #tpu.reduction_kind<arg_max>} : vector<1024x4096xf32> -> vector<4096xi32>
    %reduce_max3A_339 = arith.constant dense<0xFF800000> : vector<4096xf32>
    %reduce_max3A_340 = vector.multi_reduction <maximumf>, %sub3A_337, %reduce_max3A_339 [0] : vector<1024x4096xf32> to vector<4096xf32>
    %dma_wait3A_341 = arith.constant 0 : i32
    %dma_wait3A_342 = arith.constant 2 : i32
    %dma_wait3A_343 = arith.constant 0 : i32
    %dma_wait3A_344 = tpu.memref_slice %arg7[%dma_wait3A_343] : memref<2x!tpu.dma_semaphore, #tpu.memory_space<semaphore_mem>> -> memref<1x!tpu.dma_semaphore, #tpu.memory_space<semaphore_mem>>
    %dma_wait3A_345 = tpu.memref_squeeze %dma_wait3A_344 : memref<1x!tpu.dma_semaphore, #tpu.memory_space<semaphore_mem>> -> memref<!tpu.dma_semaphore, #tpu.memory_space<semaphore_mem>>
    %dma_wait3A_346 = arith.constant 0 : i32
    %dma_wait3A_347 = arith.constant 0 : i32
    %dma_wait3A_348 = tpu.memref_slice %arg2[%dma_wait3A_342, %dma_wait3A_346, %dma_wait3A_347] : memref<16x1x4096xi32, #tpu.memory_space<any>> -> memref<1x1x4096xi32, #tpu.memory_space<any>>
    %dma_wait3A_349 = tpu.memref_squeeze %dma_wait3A_348 : memref<1x1x4096xi32, #tpu.memory_space<any>> -> memref<1x4096xi32, #tpu.memory_space<any>>
    %dma_wait3A_350 = arith.constant 0 : i32
    %dma_wait3A_351 = arith.constant 0 : i32
    %dma_wait3A_352 = tpu.memref_slice %arg5[%dma_wait3A_341, %dma_wait3A_350, %dma_wait3A_351] : memref<2x1x4096xi32, #tpu.memory_space<vmem>> -> memref<1x1x4096xi32, #tpu.memory_space<vmem>>
    %dma_wait3A_353 = tpu.memref_squeeze %dma_wait3A_352 : memref<1x1x4096xi32, #tpu.memory_space<vmem>> -> memref<1x4096xi32, #tpu.memory_space<vmem>>
    tpu.wait_dma2 semaphore(%dma_wait3A_345 : memref<!tpu.dma_semaphore, #tpu.memory_space<semaphore_mem>>) src(%dma_wait3A_353 : memref<1x4096xi32, #tpu.memory_space<vmem>>) dst(%dma_wait3A_349 : memref<1x4096xi32, #tpu.memory_space<any>>)
    %swap3A_354 = arith.constant 0 : index
    %swap3A_355 = arith.constant 0 : index
    %swap3A_356 = arith.constant 0 : index
    %swap3A_357 = vector.load %arg5[%swap3A_354, %swap3A_355, %swap3A_356] : memref<2x1x4096xi32, #tpu.memory_space<vmem>>, vector<1x1x4096xi32>
    %swap3A_358 = vector.shape_cast %swap3A_357 : vector<1x1x4096xi32> to vector<4096xi32>
    %swap3A_359 = vector.shape_cast %argmax3A_338 : vector<4096xi32> to vector<1x1x4096xi32>
    tpu.vector_store %arg5[%swap3A_354, %swap3A_355, %swap3A_356], %swap3A_359 {strides = array<i32>} : memref<2x1x4096xi32, #tpu.memory_space<vmem>>, vector<1x1x4096xi32>,
    %dma_start3A_360 = arith.constant 0 : i32
    %dma_start3A_361 = arith.constant 4 : i32
    %dma_start3A_362 = arith.constant 0 : i32
    %dma_start3A_363 = tpu.memref_slice %arg7[%dma_start3A_362] : memref<2x!tpu.dma_semaphore, #tpu.memory_space<semaphore_mem>> -> memref<1x!tpu.dma_semaphore, #tpu.memory_space<semaphore_mem>>
    %dma_start3A_364 = tpu.memref_squeeze %dma_start3A_363 : memref<1x!tpu.dma_semaphore, #tpu.memory_space<semaphore_mem>> -> memref<!tpu.dma_semaphore, #tpu.memory_space<semaphore_mem>>
    %dma_start3A_365 = arith.constant 0 : i32
    %dma_start3A_366 = arith.constant 0 : i32
    %dma_start3A_367 = tpu.memref_slice %arg2[%dma_start3A_361, %dma_start3A_365, %dma_start3A_366] : memref<16x1x4096xi32, #tpu.memory_space<any>> -> memref<1x1x4096xi32, #tpu.memory_space<any>>
    %dma_start3A_368 = tpu.memref_squeeze %dma_start3A_367 : memref<1x1x4096xi32, #tpu.memory_space<any>> -> memref<1x4096xi32, #tpu.memory_space<any>>
    %dma_start3A_369 = arith.constant 0 : i32
    %dma_start3A_370 = arith.constant 0 : i32
    %dma_start3A_371 = tpu.memref_slice %arg5[%dma_start3A_360, %dma_start3A_369, %dma_start3A_370] : memref<2x1x4096xi32, #tpu.memory_space<vmem>> -> memref<1x1x4096xi32, #tpu.memory_space<vmem>>
    %dma_start3A_372 = tpu.memref_squeeze %dma_start3A_371 : memref<1x1x4096xi32, #tpu.memory_space<vmem>> -> memref<1x4096xi32, #tpu.memory_space<vmem>>
    tpu.enqueue_dma source(%dma_start3A_372 : memref<1x4096xi32, #tpu.memory_space<vmem>>) target(%dma_start3A_368 : memref<1x4096xi32, #tpu.memory_space<any>>) target_semaphore(%dma_start3A_364 : memref<!tpu.dma_semaphore, #tpu.memory_space<semaphore_mem>>)
    %mul3A_373 = arith.mulf %get3A_332, %get3A_332 : vector<64x4096xf32>
    %reduce_sum3A_374 = arith.constant dense<0.000000e+00> : vector<4096xf32>
    %reduce_sum3A_375 = vector.multi_reduction <add>, %mul3A_373, %reduce_sum3A_374 [0] : vector<64x4096xf32> to vector<4096xf32>
    %mul3A_376 = arith.constant 2.000000e+00 : f32
    %mul3A_377 = vector.broadcast %mul3A_376 : f32 to vector<4096xf32>
    %mul3A_378 = arith.mulf %mul3A_377, %reduce_max3A_340 : vector<4096xf32>
    %sub3A_379 = arith.subf %reduce_sum3A_375, %mul3A_378 : vector<4096xf32>
    %add3A_380 = arith.addf %add3A_301, %sub3A_379 : vector<4096xf32>
    %dma_start3A_381 = arith.constant 6 : i32
    %dma_start3A_382 = arith.constant 0 : i32
    %dma_start3A_383 = arith.constant 0 : i32
    %dma_start3A_384 = tpu.memref_slice %arg6[%dma_start3A_383] : memref<2x!tpu.dma_semaphore, #tpu.memory_space<semaphore_mem>> -> memref<1x!tpu.dma_semaphore, #tpu.memory_space<semaphore_mem>>
    %dma_start3A_385 = tpu.memref_squeeze %dma_start3A_384 : memref<1x!tpu.dma_semaphore, #tpu.memory_space<semaphore_mem>> -> memref<!tpu.dma_semaphore, #tpu.memory_space<semaphore_mem>>
    %dma_start3A_386 = arith.constant 0 : i32
    %dma_start3A_387 = arith.constant 0 : i32
    %dma_start3A_388 = tpu.memref_slice %arg4[%dma_start3A_382, %dma_start3A_386, %dma_start3A_387] : memref<2x64x4096xf32, #tpu.memory_space<vmem>> -> memref<1x64x4096xf32, #tpu.memory_space<vmem>>
    %dma_start3A_389 = tpu.memref_squeeze %dma_start3A_388 : memref<1x64x4096xf32, #tpu.memory_space<vmem>> -> memref<64x4096xf32, #tpu.memory_space<vmem>>
    %dma_start3A_390 = arith.constant 0 : i32
    %dma_start3A_391 = arith.constant 0 : i32
    %dma_start3A_392 = tpu.memref_slice %arg0[%dma_start3A_381, %dma_start3A_390, %dma_start3A_391] : memref<16x64x4096xf32, #tpu.memory_space<any>> -> memref<1x64x4096xf32, #tpu.memory_space<any>>
    %dma_start3A_393 = tpu.memref_squeeze %dma_start3A_392 : memref<1x64x4096xf32, #tpu.memory_space<any>> -> memref<64x4096xf32, #tpu.memory_space<any>>
    tpu.enqueue_dma source(%dma_start3A_393 : memref<64x4096xf32, #tpu.memory_space<any>>) target(%dma_start3A_389 : memref<64x4096xf32, #tpu.memory_space<vmem>>) target_semaphore(%dma_start3A_385 : memref<!tpu.dma_semaphore, #tpu.memory_space<semaphore_mem>>)
    %dma_wait3A_394 = arith.constant 5 : i32
    %dma_wait3A_395 = arith.constant 1 : i32
    %dma_wait3A_396 = arith.constant 1 : i32
    %dma_wait3A_397 = tpu.memref_slice %arg6[%dma_wait3A_396] : memref<2x!tpu.dma_semaphore, #tpu.memory_space<semaphore_mem>> -> memref<1x!tpu.dma_semaphore, #tpu.memory_space<semaphore_mem>>
    %dma_wait3A_398 = tpu.memref_squeeze %dma_wait3A_397 : memref<1x!tpu.dma_semaphore, #tpu.memory_space<semaphore_mem>> -> memref<!tpu.dma_semaphore, #tpu.memory_space<semaphore_mem>>
    %dma_wait3A_399 = arith.constant 0 : i32
    %dma_wait3A_400 = arith.constant 0 : i32
    %dma_wait3A_401 = tpu.memref_slice %arg4[%dma_wait3A_395, %dma_wait3A_399, %dma_wait3A_400] : memref<2x64x4096xf32, #tpu.memory_space<vmem>> -> memref<1x64x4096xf32, #tpu.memory_space<vmem>>
    %dma_wait3A_402 = tpu.memref_squeeze %dma_wait3A_401 : memref<1x64x4096xf32, #tpu.memory_space<vmem>> -> memref<64x4096xf32, #tpu.memory_space<vmem>>
    %dma_wait3A_403 = arith.constant 0 : i32
    %dma_wait3A_404 = arith.constant 0 : i32
    %dma_wait3A_405 = tpu.memref_slice %arg0[%dma_wait3A_394, %dma_wait3A_403, %dma_wait3A_404] : memref<16x64x4096xf32, #tpu.memory_space<any>> -> memref<1x64x4096xf32, #tpu.memory_space<any>>
    %dma_wait3A_406 = tpu.memref_squeeze %dma_wait3A_405 : memref<1x64x4096xf32, #tpu.memory_space<any>> -> memref<64x4096xf32, #tpu.memory_space<any>>
    tpu.wait_dma2 semaphore(%dma_wait3A_398 : memref<!tpu.dma_semaphore, #tpu.memory_space<semaphore_mem>>) src(%dma_wait3A_406 : memref<64x4096xf32, #tpu.memory_space<any>>) dst(%dma_wait3A_402 : memref<64x4096xf32, #tpu.memory_space<vmem>>)
    %get3A_407 = arith.constant 1 : index
    %get3A_408 = arith.constant 0 : index
    %get3A_409 = arith.constant 0 : index
    %get3A_410 = vector.load %arg4[%get3A_407, %get3A_408, %get3A_409] : memref<2x64x4096xf32, #tpu.memory_space<vmem>>, vector<1x64x4096xf32>
    %get3A_411 = vector.shape_cast %get3A_410 : vector<1x64x4096xf32> to vector<64x4096xf32>
    %dot_general3A_412 = arith.constant dense<0.000000e+00> : vector<1024x4096xf32>
    %dot_general3A_413 = tpu.matmul %get3A_1, %get3A_411, %dot_general3A_412 {dimension_numbers = #tpu.dot_dimension_numbers<[0], [0], [1], [1], [0, 1, 1, 1], [], []>, transpose_lhs_hint = false} : vector<64x1024xf32>, vector<64x4096xf32>, vector<1024x4096xf32> -> vector<1024x4096xf32>
    %broadcast_in_dim3A_414 = vector.shape_cast %mul3A_5 : vector<1024xf32> to vector<1024x1xf32>
    %sub3A_415 = vector.broadcast %broadcast_in_dim3A_414 : vector<1024x1xf32> to vector<1024x4096xf32>
    %sub3A_416 = arith.subf %dot_general3A_413, %sub3A_415 : vector<1024x4096xf32>
    %argmax3A_417 = tpu.reduce_index %sub3A_416 {axis = 0 : i32, kind = #tpu.reduction_kind<arg_max>} : vector<1024x4096xf32> -> vector<4096xi32>
    %reduce_max3A_418 = arith.constant dense<0xFF800000> : vector<4096xf32>
    %reduce_max3A_419 = vector.multi_reduction <maximumf>, %sub3A_416, %reduce_max3A_418 [0] : vector<1024x4096xf32> to vector<4096xf32>
    %dma_wait3A_420 = arith.constant 1 : i32
    %dma_wait3A_421 = arith.constant 3 : i32
    %dma_wait3A_422 = arith.constant 1 : i32
    %dma_wait3A_423 = tpu.memref_slice %arg7[%dma_wait3A_422] : memref<2x!tpu.dma_semaphore, #tpu.memory_space<semaphore_mem>> -> memref<1x!tpu.dma_semaphore, #tpu.memory_space<semaphore_mem>>
    %dma_wait3A_424 = tpu.memref_squeeze %dma_wait3A_423 : memref<1x!tpu.dma_semaphore, #tpu.memory_space<semaphore_mem>> -> memref<!tpu.dma_semaphore, #tpu.memory_space<semaphore_mem>>
    %dma_wait3A_425 = arith.constant 0 : i32
    %dma_wait3A_426 = arith.constant 0 : i32
    %dma_wait3A_427 = tpu.memref_slice %arg2[%dma_wait3A_421, %dma_wait3A_425, %dma_wait3A_426] : memref<16x1x4096xi32, #tpu.memory_space<any>> -> memref<1x1x4096xi32, #tpu.memory_space<any>>
    %dma_wait3A_428 = tpu.memref_squeeze %dma_wait3A_427 : memref<1x1x4096xi32, #tpu.memory_space<any>> -> memref<1x4096xi32, #tpu.memory_space<any>>
    %dma_wait3A_429 = arith.constant 0 : i32
    %dma_wait3A_430 = arith.constant 0 : i32
    %dma_wait3A_431 = tpu.memref_slice %arg5[%dma_wait3A_420, %dma_wait3A_429, %dma_wait3A_430] : memref<2x1x4096xi32, #tpu.memory_space<vmem>> -> memref<1x1x4096xi32, #tpu.memory_space<vmem>>
    %dma_wait3A_432 = tpu.memref_squeeze %dma_wait3A_431 : memref<1x1x4096xi32, #tpu.memory_space<vmem>> -> memref<1x4096xi32, #tpu.memory_space<vmem>>
    tpu.wait_dma2 semaphore(%dma_wait3A_424 : memref<!tpu.dma_semaphore, #tpu.memory_space<semaphore_mem>>) src(%dma_wait3A_432 : memref<1x4096xi32, #tpu.memory_space<vmem>>) dst(%dma_wait3A_428 : memref<1x4096xi32, #tpu.memory_space<any>>)
    %swap3A_433 = arith.constant 1 : index
    %swap3A_434 = arith.constant 0 : index
    %swap3A_435 = arith.constant 0 : index
    %swap3A_436 = vector.load %arg5[%swap3A_433, %swap3A_434, %swap3A_435] : memref<2x1x4096xi32, #tpu.memory_space<vmem>>, vector<1x1x4096xi32>
    %swap3A_437 = vector.shape_cast %swap3A_436 : vector<1x1x4096xi32> to vector<4096xi32>
    %swap3A_438 = vector.shape_cast %argmax3A_417 : vector<4096xi32> to vector<1x1x4096xi32>
    tpu.vector_store %arg5[%swap3A_433, %swap3A_434, %swap3A_435], %swap3A_438 {strides = array<i32>} : memref<2x1x4096xi32, #tpu.memory_space<vmem>>, vector<1x1x4096xi32>,
    %dma_start3A_439 = arith.constant 1 : i32
    %dma_start3A_440 = arith.constant 5 : i32
    %dma_start3A_441 = arith.constant 1 : i32
    %dma_start3A_442 = tpu.memref_slice %arg7[%dma_start3A_441] : memref<2x!tpu.dma_semaphore, #tpu.memory_space<semaphore_mem>> -> memref<1x!tpu.dma_semaphore, #tpu.memory_space<semaphore_mem>>
    %dma_start3A_443 = tpu.memref_squeeze %dma_start3A_442 : memref<1x!tpu.dma_semaphore, #tpu.memory_space<semaphore_mem>> -> memref<!tpu.dma_semaphore, #tpu.memory_space<semaphore_mem>>
    %dma_start3A_444 = arith.constant 0 : i32
    %dma_start3A_445 = arith.constant 0 : i32
    %dma_start3A_446 = tpu.memref_slice %arg2[%dma_start3A_440, %dma_start3A_444, %dma_start3A_445] : memref<16x1x4096xi32, #tpu.memory_space<any>> -> memref<1x1x4096xi32, #tpu.memory_space<any>>
    %dma_start3A_447 = tpu.memref_squeeze %dma_start3A_446 : memref<1x1x4096xi32, #tpu.memory_space<any>> -> memref<1x4096xi32, #tpu.memory_space<any>>
    %dma_start3A_448 = arith.constant 0 : i32
    %dma_start3A_449 = arith.constant 0 : i32
    %dma_start3A_450 = tpu.memref_slice %arg5[%dma_start3A_439, %dma_start3A_448, %dma_start3A_449] : memref<2x1x4096xi32, #tpu.memory_space<vmem>> -> memref<1x1x4096xi32, #tpu.memory_space<vmem>>
    %dma_start3A_451 = tpu.memref_squeeze %dma_start3A_450 : memref<1x1x4096xi32, #tpu.memory_space<vmem>> -> memref<1x4096xi32, #tpu.memory_space<vmem>>
    tpu.enqueue_dma source(%dma_start3A_451 : memref<1x4096xi32, #tpu.memory_space<vmem>>) target(%dma_start3A_447 : memref<1x4096xi32, #tpu.memory_space<any>>) target_semaphore(%dma_start3A_443 : memref<!tpu.dma_semaphore, #tpu.memory_space<semaphore_mem>>)
    %mul3A_452 = arith.mulf %get3A_411, %get3A_411 : vector<64x4096xf32>
    %reduce_sum3A_453 = arith.constant dense<0.000000e+00> : vector<4096xf32>
    %reduce_sum3A_454 = vector.multi_reduction <add>, %mul3A_452, %reduce_sum3A_453 [0] : vector<64x4096xf32> to vector<4096xf32>
    %mul3A_455 = arith.constant 2.000000e+00 : f32
    %mul3A_456 = vector.broadcast %mul3A_455 : f32 to vector<4096xf32>
    %mul3A_457 = arith.mulf %mul3A_456, %reduce_max3A_419 : vector<4096xf32>
    %sub3A_458 = arith.subf %reduce_sum3A_454, %mul3A_457 : vector<4096xf32>
    %add3A_459 = arith.addf %add3A_380, %sub3A_458 : vector<4096xf32>
    %dma_start3A_460 = arith.constant 7 : i32
    %dma_start3A_461 = arith.constant 1 : i32
    %dma_start3A_462 = arith.constant 1 : i32
    %dma_start3A_463 = tpu.memref_slice %arg6[%dma_start3A_462] : memref<2x!tpu.dma_semaphore, #tpu.memory_space<semaphore_mem>> -> memref<1x!tpu.dma_semaphore, #tpu.memory_space<semaphore_mem>>
    %dma_start3A_464 = tpu.memref_squeeze %dma_start3A_463 : memref<1x!tpu.dma_semaphore, #tpu.memory_space<semaphore_mem>> -> memref<!tpu.dma_semaphore, #tpu.memory_space<semaphore_mem>>
    %dma_start3A_465 = arith.constant 0 : i32
    %dma_start3A_466 = arith.constant 0 : i32
    %dma_start3A_467 = tpu.memref_slice %arg4[%dma_start3A_461, %dma_start3A_465, %dma_start3A_466] : memref<2x64x4096xf32, #tpu.memory_space<vmem>> -> memref<1x64x4096xf32, #tpu.memory_space<vmem>>
    %dma_start3A_468 = tpu.memref_squeeze %dma_start3A_467 : memref<1x64x4096xf32, #tpu.memory_space<vmem>> -> memref<64x4096xf32, #tpu.memory_space<vmem>>
    %dma_start3A_469 = arith.constant 0 : i32
    %dma_start3A_470 = arith.constant 0 : i32
    %dma_start3A_471 = tpu.memref_slice %arg0[%dma_start3A_460, %dma_start3A_469, %dma_start3A_470] : memref<16x64x4096xf32, #tpu.memory_space<any>> -> memref<1x64x4096xf32, #tpu.memory_space<any>>
    %dma_start3A_472 = tpu.memref_squeeze %dma_start3A_471 : memref<1x64x4096xf32, #tpu.memory_space<any>> -> memref<64x4096xf32, #tpu.memory_space<any>>
    tpu.enqueue_dma source(%dma_start3A_472 : memref<64x4096xf32, #tpu.memory_space<any>>) target(%dma_start3A_468 : memref<64x4096xf32, #tpu.memory_space<vmem>>) target_semaphore(%dma_start3A_464 : memref<!tpu.dma_semaphore, #tpu.memory_space<semaphore_mem>>)
    %dma_wait3A_473 = arith.constant 6 : i32
    %dma_wait3A_474 = arith.constant 0 : i32
    %dma_wait3A_475 = arith.constant 0 : i32
    %dma_wait3A_476 = tpu.memref_slice %arg6[%dma_wait3A_475] : memref<2x!tpu.dma_semaphore, #tpu.memory_space<semaphore_mem>> -> memref<1x!tpu.dma_semaphore, #tpu.memory_space<semaphore_mem>>
    %dma_wait3A_477 = tpu.memref_squeeze %dma_wait3A_476 : memref<1x!tpu.dma_semaphore, #tpu.memory_space<semaphore_mem>> -> memref<!tpu.dma_semaphore, #tpu.memory_space<semaphore_mem>>
    %dma_wait3A_478 = arith.constant 0 : i32
    %dma_wait3A_479 = arith.constant 0 : i32
    %dma_wait3A_480 = tpu.memref_slice %arg4[%dma_wait3A_474, %dma_wait3A_478, %dma_wait3A_479] : memref<2x64x4096xf32, #tpu.memory_space<vmem>> -> memref<1x64x4096xf32, #tpu.memory_space<vmem>>
    %dma_wait3A_481 = tpu.memref_squeeze %dma_wait3A_480 : memref<1x64x4096xf32, #tpu.memory_space<vmem>> -> memref<64x4096xf32, #tpu.memory_space<vmem>>
    %dma_wait3A_482 = arith.constant 0 : i32
    %dma_wait3A_483 = arith.constant 0 : i32
    %dma_wait3A_484 = tpu.memref_slice %arg0[%dma_wait3A_473, %dma_wait3A_482, %dma_wait3A_483] : memref<16x64x4096xf32, #tpu.memory_space<any>> -> memref<1x64x4096xf32, #tpu.memory_space<any>>
    %dma_wait3A_485 = tpu.memref_squeeze %dma_wait3A_484 : memref<1x64x4096xf32, #tpu.memory_space<any>> -> memref<64x4096xf32, #tpu.memory_space<any>>
    tpu.wait_dma2 semaphore(%dma_wait3A_477 : memref<!tpu.dma_semaphore, #tpu.memory_space<semaphore_mem>>) src(%dma_wait3A_485 : memref<64x4096xf32, #tpu.memory_space<any>>) dst(%dma_wait3A_481 : memref<64x4096xf32, #tpu.memory_space<vmem>>)
    %get3A_486 = arith.constant 0 : index
    %get3A_487 = arith.constant 0 : index
    %get3A_488 = arith.constant 0 : index
    %get3A_489 = vector.load %arg4[%get3A_486, %get3A_487, %get3A_488] : memref<2x64x4096xf32, #tpu.memory_space<vmem>>, vector<1x64x4096xf32>
    %get3A_490 = vector.shape_cast %get3A_489 : vector<1x64x4096xf32> to vector<64x4096xf32>
    %dot_general3A_491 = arith.constant dense<0.000000e+00> : vector<1024x4096xf32>
    %dot_general3A_492 = tpu.matmul %get3A_1, %get3A_490, %dot_general3A_491 {dimension_numbers = #tpu.dot_dimension_numbers<[0], [0], [1], [1], [0, 1, 1, 1], [], []>, transpose_lhs_hint = false} : vector<64x1024xf32>, vector<64x4096xf32>, vector<1024x4096xf32> -> vector<1024x4096xf32>
    %broadcast_in_dim3A_493 = vector.shape_cast %mul3A_5 : vector<1024xf32> to vector<1024x1xf32>
    %sub3A_494 = vector.broadcast %broadcast_in_dim3A_493 : vector<1024x1xf32> to vector<1024x4096xf32>
    %sub3A_495 = arith.subf %dot_general3A_492, %sub3A_494 : vector<1024x4096xf32>
    %argmax3A_496 = tpu.reduce_index %sub3A_495 {axis = 0 : i32, kind = #tpu.reduction_kind<arg_max>} : vector<1024x4096xf32> -> vector<4096xi32>
    %reduce_max3A_497 = arith.constant dense<0xFF800000> : vector<4096xf32>
    %reduce_max3A_498 = vector.multi_reduction <maximumf>, %sub3A_495, %reduce_max3A_497 [0] : vector<1024x4096xf32> to vector<4096xf32>
    %dma_wait3A_499 = arith.constant 0 : i32
    %dma_wait3A_500 = arith.constant 4 : i32
    %dma_wait3A_501 = arith.constant 0 : i32
    %dma_wait3A_502 = tpu.memref_slice %arg7[%dma_wait3A_501] : memref<2x!tpu.dma_semaphore, #tpu.memory_space<semaphore_mem>> -> memref<1x!tpu.dma_semaphore, #tpu.memory_space<semaphore_mem>>
    %dma_wait3A_503 = tpu.memref_squeeze %dma_wait3A_502 : memref<1x!tpu.dma_semaphore, #tpu.memory_space<semaphore_mem>> -> memref<!tpu.dma_semaphore, #tpu.memory_space<semaphore_mem>>
    %dma_wait3A_504 = arith.constant 0 : i32
    %dma_wait3A_505 = arith.constant 0 : i32
    %dma_wait3A_506 = tpu.memref_slice %arg2[%dma_wait3A_500, %dma_wait3A_504, %dma_wait3A_505] : memref<16x1x4096xi32, #tpu.memory_space<any>> -> memref<1x1x4096xi32, #tpu.memory_space<any>>
    %dma_wait3A_507 = tpu.memref_squeeze %dma_wait3A_506 : memref<1x1x4096xi32, #tpu.memory_space<any>> -> memref<1x4096xi32, #tpu.memory_space<any>>
    %dma_wait3A_508 = arith.constant 0 : i32
    %dma_wait3A_509 = arith.constant 0 : i32
    %dma_wait3A_510 = tpu.memref_slice %arg5[%dma_wait3A_499, %dma_wait3A_508, %dma_wait3A_509] : memref<2x1x4096xi32, #tpu.memory_space<vmem>> -> memref<1x1x4096xi32, #tpu.memory_space<vmem>>
    %dma_wait3A_511 = tpu.memref_squeeze %dma_wait3A_510 : memref<1x1x4096xi32, #tpu.memory_space<vmem>> -> memref<1x4096xi32, #tpu.memory_space<vmem>>
    tpu.wait_dma2 semaphore(%dma_wait3A_503 : memref<!tpu.dma_semaphore, #tpu.memory_space<semaphore_mem>>) src(%dma_wait3A_511 : memref<1x4096xi32, #tpu.memory_space<vmem>>) dst(%dma_wait3A_507 : memref<1x4096xi32, #tpu.memory_space<any>>)
    %swap3A_512 = arith.constant 0 : index
    %swap3A_513 = arith.constant 0 : index
    %swap3A_514 = arith.constant 0 : index
    %swap3A_515 = vector.load %arg5[%swap3A_512, %swap3A_513, %swap3A_514] : memref<2x1x4096xi32, #tpu.memory_space<vmem>>, vector<1x1x4096xi32>
    %swap3A_516 = vector.shape_cast %swap3A_515 : vector<1x1x4096xi32> to vector<4096xi32>
    %swap3A_517 = vector.shape_cast %argmax3A_496 : vector<4096xi32> to vector<1x1x4096xi32>
    tpu.vector_store %arg5[%swap3A_512, %swap3A_513, %swap3A_514], %swap3A_517 {strides = array<i32>} : memref<2x1x4096xi32, #tpu.memory_space<vmem>>, vector<1x1x4096xi32>,
    %dma_start3A_518 = arith.constant 0 : i32
    %dma_start3A_519 = arith.constant 6 : i32
    %dma_start3A_520 = arith.constant 0 : i32
    %dma_start3A_521 = tpu.memref_slice %arg7[%dma_start3A_520] : memref<2x!tpu.dma_semaphore, #tpu.memory_space<semaphore_mem>> -> memref<1x!tpu.dma_semaphore, #tpu.memory_space<semaphore_mem>>
    %dma_start3A_522 = tpu.memref_squeeze %dma_start3A_521 : memref<1x!tpu.dma_semaphore, #tpu.memory_space<semaphore_mem>> -> memref<!tpu.dma_semaphore, #tpu.memory_space<semaphore_mem>>
    %dma_start3A_523 = arith.constant 0 : i32
    %dma_start3A_524 = arith.constant 0 : i32
    %dma_start3A_525 = tpu.memref_slice %arg2[%dma_start3A_519, %dma_start3A_523, %dma_start3A_524] : memref<16x1x4096xi32, #tpu.memory_space<any>> -> memref<1x1x4096xi32, #tpu.memory_space<any>>
    %dma_start3A_526 = tpu.memref_squeeze %dma_start3A_525 : memref<1x1x4096xi32, #tpu.memory_space<any>> -> memref<1x4096xi32, #tpu.memory_space<any>>
    %dma_start3A_527 = arith.constant 0 : i32
    %dma_start3A_528 = arith.constant 0 : i32
    %dma_start3A_529 = tpu.memref_slice %arg5[%dma_start3A_518, %dma_start3A_527, %dma_start3A_528] : memref<2x1x4096xi32, #tpu.memory_space<vmem>> -> memref<1x1x4096xi32, #tpu.memory_space<vmem>>
    %dma_start3A_530 = tpu.memref_squeeze %dma_start3A_529 : memref<1x1x4096xi32, #tpu.memory_space<vmem>> -> memref<1x4096xi32, #tpu.memory_space<vmem>>
    tpu.enqueue_dma source(%dma_start3A_530 : memref<1x4096xi32, #tpu.memory_space<vmem>>) target(%dma_start3A_526 : memref<1x4096xi32, #tpu.memory_space<any>>) target_semaphore(%dma_start3A_522 : memref<!tpu.dma_semaphore, #tpu.memory_space<semaphore_mem>>)
    %mul3A_531 = arith.mulf %get3A_490, %get3A_490 : vector<64x4096xf32>
    %reduce_sum3A_532 = arith.constant dense<0.000000e+00> : vector<4096xf32>
    %reduce_sum3A_533 = vector.multi_reduction <add>, %mul3A_531, %reduce_sum3A_532 [0] : vector<64x4096xf32> to vector<4096xf32>
    %mul3A_534 = arith.constant 2.000000e+00 : f32
    %mul3A_535 = vector.broadcast %mul3A_534 : f32 to vector<4096xf32>
    %mul3A_536 = arith.mulf %mul3A_535, %reduce_max3A_498 : vector<4096xf32>
    %sub3A_537 = arith.subf %reduce_sum3A_533, %mul3A_536 : vector<4096xf32>
    %add3A_538 = arith.addf %add3A_459, %sub3A_537 : vector<4096xf32>
    %dma_start3A_539 = arith.constant 8 : i32
    %dma_start3A_540 = arith.constant 0 : i32
    %dma_start3A_541 = arith.constant 0 : i32
    %dma_start3A_542 = tpu.memref_slice %arg6[%dma_start3A_541] : memref<2x!tpu.dma_semaphore, #tpu.memory_space<semaphore_mem>> -> memref<1x!tpu.dma_semaphore, #tpu.memory_space<semaphore_mem>>
    %dma_start3A_543 = tpu.memref_squeeze %dma_start3A_542 : memref<1x!tpu.dma_semaphore, #tpu.memory_space<semaphore_mem>> -> memref<!tpu.dma_semaphore, #tpu.memory_space<semaphore_mem>>
    %dma_start3A_544 = arith.constant 0 : i32
    %dma_start3A_545 = arith.constant 0 : i32
    %dma_start3A_546 = tpu.memref_slice %arg4[%dma_start3A_540, %dma_start3A_544, %dma_start3A_545] : memref<2x64x4096xf32, #tpu.memory_space<vmem>> -> memref<1x64x4096xf32, #tpu.memory_space<vmem>>
    %dma_start3A_547 = tpu.memref_squeeze %dma_start3A_546 : memref<1x64x4096xf32, #tpu.memory_space<vmem>> -> memref<64x4096xf32, #tpu.memory_space<vmem>>
    %dma_start3A_548 = arith.constant 0 : i32
    %dma_start3A_549 = arith.constant 0 : i32
    %dma_start3A_550 = tpu.memref_slice %arg0[%dma_start3A_539, %dma_start3A_548, %dma_start3A_549] : memref<16x64x4096xf32, #tpu.memory_space<any>> -> memref<1x64x4096xf32, #tpu.memory_space<any>>
    %dma_start3A_551 = tpu.memref_squeeze %dma_start3A_550 : memref<1x64x4096xf32, #tpu.memory_space<any>> -> memref<64x4096xf32, #tpu.memory_space<any>>
    tpu.enqueue_dma source(%dma_start3A_551 : memref<64x4096xf32, #tpu.memory_space<any>>) target(%dma_start3A_547 : memref<64x4096xf32, #tpu.memory_space<vmem>>) target_semaphore(%dma_start3A_543 : memref<!tpu.dma_semaphore, #tpu.memory_space<semaphore_mem>>)
    %dma_wait3A_552 = arith.constant 7 : i32
    %dma_wait3A_553 = arith.constant 1 : i32
    %dma_wait3A_554 = arith.constant 1 : i32
    %dma_wait3A_555 = tpu.memref_slice %arg6[%dma_wait3A_554] : memref<2x!tpu.dma_semaphore, #tpu.memory_space<semaphore_mem>> -> memref<1x!tpu.dma_semaphore, #tpu.memory_space<semaphore_mem>>
    %dma_wait3A_556 = tpu.memref_squeeze %dma_wait3A_555 : memref<1x!tpu.dma_semaphore, #tpu.memory_space<semaphore_mem>> -> memref<!tpu.dma_semaphore, #tpu.memory_space<semaphore_mem>>
    %dma_wait3A_557 = arith.constant 0 : i32
    %dma_wait3A_558 = arith.constant 0 : i32
    %dma_wait3A_559 = tpu.memref_slice %arg4[%dma_wait3A_553, %dma_wait3A_557, %dma_wait3A_558] : memref<2x64x4096xf32, #tpu.memory_space<vmem>> -> memref<1x64x4096xf32, #tpu.memory_space<vmem>>
    %dma_wait3A_560 = tpu.memref_squeeze %dma_wait3A_559 : memref<1x64x4096xf32, #tpu.memory_space<vmem>> -> memref<64x4096xf32, #tpu.memory_space<vmem>>
    %dma_wait3A_561 = arith.constant 0 : i32
    %dma_wait3A_562 = arith.constant 0 : i32
    %dma_wait3A_563 = tpu.memref_slice %arg0[%dma_wait3A_552, %dma_wait3A_561, %dma_wait3A_562] : memref<16x64x4096xf32, #tpu.memory_space<any>> -> memref<1x64x4096xf32, #tpu.memory_space<any>>
    %dma_wait3A_564 = tpu.memref_squeeze %dma_wait3A_563 : memref<1x64x4096xf32, #tpu.memory_space<any>> -> memref<64x4096xf32, #tpu.memory_space<any>>
    tpu.wait_dma2 semaphore(%dma_wait3A_556 : memref<!tpu.dma_semaphore, #tpu.memory_space<semaphore_mem>>) src(%dma_wait3A_564 : memref<64x4096xf32, #tpu.memory_space<any>>) dst(%dma_wait3A_560 : memref<64x4096xf32, #tpu.memory_space<vmem>>)
    %get3A_565 = arith.constant 1 : index
    %get3A_566 = arith.constant 0 : index
    %get3A_567 = arith.constant 0 : index
    %get3A_568 = vector.load %arg4[%get3A_565, %get3A_566, %get3A_567] : memref<2x64x4096xf32, #tpu.memory_space<vmem>>, vector<1x64x4096xf32>
    %get3A_569 = vector.shape_cast %get3A_568 : vector<1x64x4096xf32> to vector<64x4096xf32>
    %dot_general3A_570 = arith.constant dense<0.000000e+00> : vector<1024x4096xf32>
    %dot_general3A_571 = tpu.matmul %get3A_1, %get3A_569, %dot_general3A_570 {dimension_numbers = #tpu.dot_dimension_numbers<[0], [0], [1], [1], [0, 1, 1, 1], [], []>, transpose_lhs_hint = false} : vector<64x1024xf32>, vector<64x4096xf32>, vector<1024x4096xf32> -> vector<1024x4096xf32>
    %broadcast_in_dim3A_572 = vector.shape_cast %mul3A_5 : vector<1024xf32> to vector<1024x1xf32>
    %sub3A_573 = vector.broadcast %broadcast_in_dim3A_572 : vector<1024x1xf32> to vector<1024x4096xf32>
    %sub3A_574 = arith.subf %dot_general3A_571, %sub3A_573 : vector<1024x4096xf32>
    %argmax3A_575 = tpu.reduce_index %sub3A_574 {axis = 0 : i32, kind = #tpu.reduction_kind<arg_max>} : vector<1024x4096xf32> -> vector<4096xi32>
    %reduce_max3A_576 = arith.constant dense<0xFF800000> : vector<4096xf32>
    %reduce_max3A_577 = vector.multi_reduction <maximumf>, %sub3A_574, %reduce_max3A_576 [0] : vector<1024x4096xf32> to vector<4096xf32>
    %dma_wait3A_578 = arith.constant 1 : i32
    %dma_wait3A_579 = arith.constant 5 : i32
    %dma_wait3A_580 = arith.constant 1 : i32
    %dma_wait3A_581 = tpu.memref_slice %arg7[%dma_wait3A_580] : memref<2x!tpu.dma_semaphore, #tpu.memory_space<semaphore_mem>> -> memref<1x!tpu.dma_semaphore, #tpu.memory_space<semaphore_mem>>
    %dma_wait3A_582 = tpu.memref_squeeze %dma_wait3A_581 : memref<1x!tpu.dma_semaphore, #tpu.memory_space<semaphore_mem>> -> memref<!tpu.dma_semaphore, #tpu.memory_space<semaphore_mem>>
    %dma_wait3A_583 = arith.constant 0 : i32
    %dma_wait3A_584 = arith.constant 0 : i32
    %dma_wait3A_585 = tpu.memref_slice %arg2[%dma_wait3A_579, %dma_wait3A_583, %dma_wait3A_584] : memref<16x1x4096xi32, #tpu.memory_space<any>> -> memref<1x1x4096xi32, #tpu.memory_space<any>>
    %dma_wait3A_586 = tpu.memref_squeeze %dma_wait3A_585 : memref<1x1x4096xi32, #tpu.memory_space<any>> -> memref<1x4096xi32, #tpu.memory_space<any>>
    %dma_wait3A_587 = arith.constant 0 : i32
    %dma_wait3A_588 = arith.constant 0 : i32
    %dma_wait3A_589 = tpu.memref_slice %arg5[%dma_wait3A_578, %dma_wait3A_587, %dma_wait3A_588] : memref<2x1x4096xi32, #tpu.memory_space<vmem>> -> memref<1x1x4096xi32, #tpu.memory_space<vmem>>
    %dma_wait3A_590 = tpu.memref_squeeze %dma_wait3A_589 : memref<1x1x4096xi32, #tpu.memory_space<vmem>> -> memref<1x4096xi32, #tpu.memory_space<vmem>>
    tpu.wait_dma2 semaphore(%dma_wait3A_582 : memref<!tpu.dma_semaphore, #tpu.memory_space<semaphore_mem>>) src(%dma_wait3A_590 : memref<1x4096xi32, #tpu.memory_space<vmem>>) dst(%dma_wait3A_586 : memref<1x4096xi32, #tpu.memory_space<any>>)
    %swap3A_591 = arith.constant 1 : index
    %swap3A_592 = arith.constant 0 : index
    %swap3A_593 = arith.constant 0 : index
    %swap3A_594 = vector.load %arg5[%swap3A_591, %swap3A_592, %swap3A_593] : memref<2x1x4096xi32, #tpu.memory_space<vmem>>, vector<1x1x4096xi32>
    %swap3A_595 = vector.shape_cast %swap3A_594 : vector<1x1x4096xi32> to vector<4096xi32>
    %swap3A_596 = vector.shape_cast %argmax3A_575 : vector<4096xi32> to vector<1x1x4096xi32>
    tpu.vector_store %arg5[%swap3A_591, %swap3A_592, %swap3A_593], %swap3A_596 {strides = array<i32>} : memref<2x1x4096xi32, #tpu.memory_space<vmem>>, vector<1x1x4096xi32>,
    %dma_start3A_597 = arith.constant 1 : i32
    %dma_start3A_598 = arith.constant 7 : i32
    %dma_start3A_599 = arith.constant 1 : i32
    %dma_start3A_600 = tpu.memref_slice %arg7[%dma_start3A_599] : memref<2x!tpu.dma_semaphore, #tpu.memory_space<semaphore_mem>> -> memref<1x!tpu.dma_semaphore, #tpu.memory_space<semaphore_mem>>
    %dma_start3A_601 = tpu.memref_squeeze %dma_start3A_600 : memref<1x!tpu.dma_semaphore, #tpu.memory_space<semaphore_mem>> -> memref<!tpu.dma_semaphore, #tpu.memory_space<semaphore_mem>>
    %dma_start3A_602 = arith.constant 0 : i32
    %dma_start3A_603 = arith.constant 0 : i32
    %dma_start3A_604 = tpu.memref_slice %arg2[%dma_start3A_598, %dma_start3A_602, %dma_start3A_603] : memref<16x1x4096xi32, #tpu.memory_space<any>> -> memref<1x1x4096xi32, #tpu.memory_space<any>>
    %dma_start3A_605 = tpu.memref_squeeze %dma_start3A_604 : memref<1x1x4096xi32, #tpu.memory_space<any>> -> memref<1x4096xi32, #tpu.memory_space<any>>
    %dma_start3A_606 = arith.constant 0 : i32
    %dma_start3A_607 = arith.constant 0 : i32
    %dma_start3A_608 = tpu.memref_slice %arg5[%dma_start3A_597, %dma_start3A_606, %dma_start3A_607] : memref<2x1x4096xi32, #tpu.memory_space<vmem>> -> memref<1x1x4096xi32, #tpu.memory_space<vmem>>
    %dma_start3A_609 = tpu.memref_squeeze %dma_start3A_608 : memref<1x1x4096xi32, #tpu.memory_space<vmem>> -> memref<1x4096xi32, #tpu.memory_space<vmem>>
    tpu.enqueue_dma source(%dma_start3A_609 : memref<1x4096xi32, #tpu.memory_space<vmem>>) target(%dma_start3A_605 : memref<1x4096xi32, #tpu.memory_space<any>>) target_semaphore(%dma_start3A_601 : memref<!tpu.dma_semaphore, #tpu.memory_space<semaphore_mem>>)
    %mul3A_610 = arith.mulf %get3A_569, %get3A_569 : vector<64x4096xf32>
    %reduce_sum3A_611 = arith.constant dense<0.000000e+00> : vector<4096xf32>
    %reduce_sum3A_612 = vector.multi_reduction <add>, %mul3A_610, %reduce_sum3A_611 [0] : vector<64x4096xf32> to vector<4096xf32>
    %mul3A_613 = arith.constant 2.000000e+00 : f32
    %mul3A_614 = vector.broadcast %mul3A_613 : f32 to vector<4096xf32>
    %mul3A_615 = arith.mulf %mul3A_614, %reduce_max3A_577 : vector<4096xf32>
    %sub3A_616 = arith.subf %reduce_sum3A_612, %mul3A_615 : vector<4096xf32>
    %add3A_617 = arith.addf %add3A_538, %sub3A_616 : vector<4096xf32>
    %dma_start3A_618 = arith.constant 9 : i32
    %dma_start3A_619 = arith.constant 1 : i32
    %dma_start3A_620 = arith.constant 1 : i32
    %dma_start3A_621 = tpu.memref_slice %arg6[%dma_start3A_620] : memref<2x!tpu.dma_semaphore, #tpu.memory_space<semaphore_mem>> -> memref<1x!tpu.dma_semaphore, #tpu.memory_space<semaphore_mem>>
    %dma_start3A_622 = tpu.memref_squeeze %dma_start3A_621 : memref<1x!tpu.dma_semaphore, #tpu.memory_space<semaphore_mem>> -> memref<!tpu.dma_semaphore, #tpu.memory_space<semaphore_mem>>
    %dma_start3A_623 = arith.constant 0 : i32
    %dma_start3A_624 = arith.constant 0 : i32
    %dma_start3A_625 = tpu.memref_slice %arg4[%dma_start3A_619, %dma_start3A_623, %dma_start3A_624] : memref<2x64x4096xf32, #tpu.memory_space<vmem>> -> memref<1x64x4096xf32, #tpu.memory_space<vmem>>
    %dma_start3A_626 = tpu.memref_squeeze %dma_start3A_625 : memref<1x64x4096xf32, #tpu.memory_space<vmem>> -> memref<64x4096xf32, #tpu.memory_space<vmem>>
    %dma_start3A_627 = arith.constant 0 : i32
    %dma_start3A_628 = arith.constant 0 : i32
    %dma_start3A_629 = tpu.memref_slice %arg0[%dma_start3A_618, %dma_start3A_627, %dma_start3A_628] : memref<16x64x4096xf32, #tpu.memory_space<any>> -> memref<1x64x4096xf32, #tpu.memory_space<any>>
    %dma_start3A_630 = tpu.memref_squeeze %dma_start3A_629 : memref<1x64x4096xf32, #tpu.memory_space<any>> -> memref<64x4096xf32, #tpu.memory_space<any>>
    tpu.enqueue_dma source(%dma_start3A_630 : memref<64x4096xf32, #tpu.memory_space<any>>) target(%dma_start3A_626 : memref<64x4096xf32, #tpu.memory_space<vmem>>) target_semaphore(%dma_start3A_622 : memref<!tpu.dma_semaphore, #tpu.memory_space<semaphore_mem>>)
    %dma_wait3A_631 = arith.constant 8 : i32
    %dma_wait3A_632 = arith.constant 0 : i32
    %dma_wait3A_633 = arith.constant 0 : i32
    %dma_wait3A_634 = tpu.memref_slice %arg6[%dma_wait3A_633] : memref<2x!tpu.dma_semaphore, #tpu.memory_space<semaphore_mem>> -> memref<1x!tpu.dma_semaphore, #tpu.memory_space<semaphore_mem>>
    %dma_wait3A_635 = tpu.memref_squeeze %dma_wait3A_634 : memref<1x!tpu.dma_semaphore, #tpu.memory_space<semaphore_mem>> -> memref<!tpu.dma_semaphore, #tpu.memory_space<semaphore_mem>>
    %dma_wait3A_636 = arith.constant 0 : i32
    %dma_wait3A_637 = arith.constant 0 : i32
    %dma_wait3A_638 = tpu.memref_slice %arg4[%dma_wait3A_632, %dma_wait3A_636, %dma_wait3A_637] : memref<2x64x4096xf32, #tpu.memory_space<vmem>> -> memref<1x64x4096xf32, #tpu.memory_space<vmem>>
    %dma_wait3A_639 = tpu.memref_squeeze %dma_wait3A_638 : memref<1x64x4096xf32, #tpu.memory_space<vmem>> -> memref<64x4096xf32, #tpu.memory_space<vmem>>
    %dma_wait3A_640 = arith.constant 0 : i32
    %dma_wait3A_641 = arith.constant 0 : i32
    %dma_wait3A_642 = tpu.memref_slice %arg0[%dma_wait3A_631, %dma_wait3A_640, %dma_wait3A_641] : memref<16x64x4096xf32, #tpu.memory_space<any>> -> memref<1x64x4096xf32, #tpu.memory_space<any>>
    %dma_wait3A_643 = tpu.memref_squeeze %dma_wait3A_642 : memref<1x64x4096xf32, #tpu.memory_space<any>> -> memref<64x4096xf32, #tpu.memory_space<any>>
    tpu.wait_dma2 semaphore(%dma_wait3A_635 : memref<!tpu.dma_semaphore, #tpu.memory_space<semaphore_mem>>) src(%dma_wait3A_643 : memref<64x4096xf32, #tpu.memory_space<any>>) dst(%dma_wait3A_639 : memref<64x4096xf32, #tpu.memory_space<vmem>>)
    %get3A_644 = arith.constant 0 : index
    %get3A_645 = arith.constant 0 : index
    %get3A_646 = arith.constant 0 : index
    %get3A_647 = vector.load %arg4[%get3A_644, %get3A_645, %get3A_646] : memref<2x64x4096xf32, #tpu.memory_space<vmem>>, vector<1x64x4096xf32>
    %get3A_648 = vector.shape_cast %get3A_647 : vector<1x64x4096xf32> to vector<64x4096xf32>
    %dot_general3A_649 = arith.constant dense<0.000000e+00> : vector<1024x4096xf32>
    %dot_general3A_650 = tpu.matmul %get3A_1, %get3A_648, %dot_general3A_649 {dimension_numbers = #tpu.dot_dimension_numbers<[0], [0], [1], [1], [0, 1, 1, 1], [], []>, transpose_lhs_hint = false} : vector<64x1024xf32>, vector<64x4096xf32>, vector<1024x4096xf32> -> vector<1024x4096xf32>
    %broadcast_in_dim3A_651 = vector.shape_cast %mul3A_5 : vector<1024xf32> to vector<1024x1xf32>
    %sub3A_652 = vector.broadcast %broadcast_in_dim3A_651 : vector<1024x1xf32> to vector<1024x4096xf32>
    %sub3A_653 = arith.subf %dot_general3A_650, %sub3A_652 : vector<1024x4096xf32>
    %argmax3A_654 = tpu.reduce_index %sub3A_653 {axis = 0 : i32, kind = #tpu.reduction_kind<arg_max>} : vector<1024x4096xf32> -> vector<4096xi32>
    %reduce_max3A_655 = arith.constant dense<0xFF800000> : vector<4096xf32>
    %reduce_max3A_656 = vector.multi_reduction <maximumf>, %sub3A_653, %reduce_max3A_655 [0] : vector<1024x4096xf32> to vector<4096xf32>
    %dma_wait3A_657 = arith.constant 0 : i32
    %dma_wait3A_658 = arith.constant 6 : i32
    %dma_wait3A_659 = arith.constant 0 : i32
    %dma_wait3A_660 = tpu.memref_slice %arg7[%dma_wait3A_659] : memref<2x!tpu.dma_semaphore, #tpu.memory_space<semaphore_mem>> -> memref<1x!tpu.dma_semaphore, #tpu.memory_space<semaphore_mem>>
    %dma_wait3A_661 = tpu.memref_squeeze %dma_wait3A_660 : memref<1x!tpu.dma_semaphore, #tpu.memory_space<semaphore_mem>> -> memref<!tpu.dma_semaphore, #tpu.memory_space<semaphore_mem>>
    %dma_wait3A_662 = arith.constant 0 : i32
    %dma_wait3A_663 = arith.constant 0 : i32
    %dma_wait3A_664 = tpu.memref_slice %arg2[%dma_wait3A_658, %dma_wait3A_662, %dma_wait3A_663] : memref<16x1x4096xi32, #tpu.memory_space<any>> -> memref<1x1x4096xi32, #tpu.memory_space<any>>
    %dma_wait3A_665 = tpu.memref_squeeze %dma_wait3A_664 : memref<1x1x4096xi32, #tpu.memory_space<any>> -> memref<1x4096xi32, #tpu.memory_space<any>>
    %dma_wait3A_666 = arith.constant 0 : i32
    %dma_wait3A_667 = arith.constant 0 : i32
    %dma_wait3A_668 = tpu.memref_slice %arg5[%dma_wait3A_657, %dma_wait3A_666, %dma_wait3A_667] : memref<2x1x4096xi32, #tpu.memory_space<vmem>> -> memref<1x1x4096xi32, #tpu.memory_space<vmem>>
    %dma_wait3A_669 = tpu.memref_squeeze %dma_wait3A_668 : memref<1x1x4096xi32, #tpu.memory_space<vmem>> -> memref<1x4096xi32, #tpu.memory_space<vmem>>
    tpu.wait_dma2 semaphore(%dma_wait3A_661 : memref<!tpu.dma_semaphore, #tpu.memory_space<semaphore_mem>>) src(%dma_wait3A_669 : memref<1x4096xi32, #tpu.memory_space<vmem>>) dst(%dma_wait3A_665 : memref<1x4096xi32, #tpu.memory_space<any>>)
    %swap3A_670 = arith.constant 0 : index
    %swap3A_671 = arith.constant 0 : index
    %swap3A_672 = arith.constant 0 : index
    %swap3A_673 = vector.load %arg5[%swap3A_670, %swap3A_671, %swap3A_672] : memref<2x1x4096xi32, #tpu.memory_space<vmem>>, vector<1x1x4096xi32>
    %swap3A_674 = vector.shape_cast %swap3A_673 : vector<1x1x4096xi32> to vector<4096xi32>
    %swap3A_675 = vector.shape_cast %argmax3A_654 : vector<4096xi32> to vector<1x1x4096xi32>
    tpu.vector_store %arg5[%swap3A_670, %swap3A_671, %swap3A_672], %swap3A_675 {strides = array<i32>} : memref<2x1x4096xi32, #tpu.memory_space<vmem>>, vector<1x1x4096xi32>,
    %dma_start3A_676 = arith.constant 0 : i32
    %dma_start3A_677 = arith.constant 8 : i32
    %dma_start3A_678 = arith.constant 0 : i32
    %dma_start3A_679 = tpu.memref_slice %arg7[%dma_start3A_678] : memref<2x!tpu.dma_semaphore, #tpu.memory_space<semaphore_mem>> -> memref<1x!tpu.dma_semaphore, #tpu.memory_space<semaphore_mem>>
    %dma_start3A_680 = tpu.memref_squeeze %dma_start3A_679 : memref<1x!tpu.dma_semaphore, #tpu.memory_space<semaphore_mem>> -> memref<!tpu.dma_semaphore, #tpu.memory_space<semaphore_mem>>
    %dma_start3A_681 = arith.constant 0 : i32
    %dma_start3A_682 = arith.constant 0 : i32
    %dma_start3A_683 = tpu.memref_slice %arg2[%dma_start3A_677, %dma_start3A_681, %dma_start3A_682] : memref<16x1x4096xi32, #tpu.memory_space<any>> -> memref<1x1x4096xi32, #tpu.memory_space<any>>
    %dma_start3A_684 = tpu.memref_squeeze %dma_start3A_683 : memref<1x1x4096xi32, #tpu.memory_space<any>> -> memref<1x4096xi32, #tpu.memory_space<any>>
    %dma_start3A_685 = arith.constant 0 : i32
    %dma_start3A_686 = arith.constant 0 : i32
    %dma_start3A_687 = tpu.memref_slice %arg5[%dma_start3A_676, %dma_start3A_685, %dma_start3A_686] : memref<2x1x4096xi32, #tpu.memory_space<vmem>> -> memref<1x1x4096xi32, #tpu.memory_space<vmem>>
    %dma_start3A_688 = tpu.memref_squeeze %dma_start3A_687 : memref<1x1x4096xi32, #tpu.memory_space<vmem>> -> memref<1x4096xi32, #tpu.memory_space<vmem>>
    tpu.enqueue_dma source(%dma_start3A_688 : memref<1x4096xi32, #tpu.memory_space<vmem>>) target(%dma_start3A_684 : memref<1x4096xi32, #tpu.memory_space<any>>) target_semaphore(%dma_start3A_680 : memref<!tpu.dma_semaphore, #tpu.memory_space<semaphore_mem>>)
    %mul3A_689 = arith.mulf %get3A_648, %get3A_648 : vector<64x4096xf32>
    %reduce_sum3A_690 = arith.constant dense<0.000000e+00> : vector<4096xf32>
    %reduce_sum3A_691 = vector.multi_reduction <add>, %mul3A_689, %reduce_sum3A_690 [0] : vector<64x4096xf32> to vector<4096xf32>
    %mul3A_692 = arith.constant 2.000000e+00 : f32
    %mul3A_693 = vector.broadcast %mul3A_692 : f32 to vector<4096xf32>
    %mul3A_694 = arith.mulf %mul3A_693, %reduce_max3A_656 : vector<4096xf32>
    %sub3A_695 = arith.subf %reduce_sum3A_691, %mul3A_694 : vector<4096xf32>
    %add3A_696 = arith.addf %add3A_617, %sub3A_695 : vector<4096xf32>
    %dma_start3A_697 = arith.constant 10 : i32
    %dma_start3A_698 = arith.constant 0 : i32
    %dma_start3A_699 = arith.constant 0 : i32
    %dma_start3A_700 = tpu.memref_slice %arg6[%dma_start3A_699] : memref<2x!tpu.dma_semaphore, #tpu.memory_space<semaphore_mem>> -> memref<1x!tpu.dma_semaphore, #tpu.memory_space<semaphore_mem>>
    %dma_start3A_701 = tpu.memref_squeeze %dma_start3A_700 : memref<1x!tpu.dma_semaphore, #tpu.memory_space<semaphore_mem>> -> memref<!tpu.dma_semaphore, #tpu.memory_space<semaphore_mem>>
    %dma_start3A_702 = arith.constant 0 : i32
    %dma_start3A_703 = arith.constant 0 : i32
    %dma_start3A_704 = tpu.memref_slice %arg4[%dma_start3A_698, %dma_start3A_702, %dma_start3A_703] : memref<2x64x4096xf32, #tpu.memory_space<vmem>> -> memref<1x64x4096xf32, #tpu.memory_space<vmem>>
    %dma_start3A_705 = tpu.memref_squeeze %dma_start3A_704 : memref<1x64x4096xf32, #tpu.memory_space<vmem>> -> memref<64x4096xf32, #tpu.memory_space<vmem>>
    %dma_start3A_706 = arith.constant 0 : i32
    %dma_start3A_707 = arith.constant 0 : i32
    %dma_start3A_708 = tpu.memref_slice %arg0[%dma_start3A_697, %dma_start3A_706, %dma_start3A_707] : memref<16x64x4096xf32, #tpu.memory_space<any>> -> memref<1x64x4096xf32, #tpu.memory_space<any>>
    %dma_start3A_709 = tpu.memref_squeeze %dma_start3A_708 : memref<1x64x4096xf32, #tpu.memory_space<any>> -> memref<64x4096xf32, #tpu.memory_space<any>>
    tpu.enqueue_dma source(%dma_start3A_709 : memref<64x4096xf32, #tpu.memory_space<any>>) target(%dma_start3A_705 : memref<64x4096xf32, #tpu.memory_space<vmem>>) target_semaphore(%dma_start3A_701 : memref<!tpu.dma_semaphore, #tpu.memory_space<semaphore_mem>>)
    %dma_wait3A_710 = arith.constant 9 : i32
    %dma_wait3A_711 = arith.constant 1 : i32
    %dma_wait3A_712 = arith.constant 1 : i32
    %dma_wait3A_713 = tpu.memref_slice %arg6[%dma_wait3A_712] : memref<2x!tpu.dma_semaphore, #tpu.memory_space<semaphore_mem>> -> memref<1x!tpu.dma_semaphore, #tpu.memory_space<semaphore_mem>>
    %dma_wait3A_714 = tpu.memref_squeeze %dma_wait3A_713 : memref<1x!tpu.dma_semaphore, #tpu.memory_space<semaphore_mem>> -> memref<!tpu.dma_semaphore, #tpu.memory_space<semaphore_mem>>
    %dma_wait3A_715 = arith.constant 0 : i32
    %dma_wait3A_716 = arith.constant 0 : i32
    %dma_wait3A_717 = tpu.memref_slice %arg4[%dma_wait3A_711, %dma_wait3A_715, %dma_wait3A_716] : memref<2x64x4096xf32, #tpu.memory_space<vmem>> -> memref<1x64x4096xf32, #tpu.memory_space<vmem>>
    %dma_wait3A_718 = tpu.memref_squeeze %dma_wait3A_717 : memref<1x64x4096xf32, #tpu.memory_space<vmem>> -> memref<64x4096xf32, #tpu.memory_space<vmem>>
    %dma_wait3A_719 = arith.constant 0 : i32
    %dma_wait3A_720 = arith.constant 0 : i32
    %dma_wait3A_721 = tpu.memref_slice %arg0[%dma_wait3A_710, %dma_wait3A_719, %dma_wait3A_720] : memref<16x64x4096xf32, #tpu.memory_space<any>> -> memref<1x64x4096xf32, #tpu.memory_space<any>>
    %dma_wait3A_722 = tpu.memref_squeeze %dma_wait3A_721 : memref<1x64x4096xf32, #tpu.memory_space<any>> -> memref<64x4096xf32, #tpu.memory_space<any>>
    tpu.wait_dma2 semaphore(%dma_wait3A_714 : memref<!tpu.dma_semaphore, #tpu.memory_space<semaphore_mem>>) src(%dma_wait3A_722 : memref<64x4096xf32, #tpu.memory_space<any>>) dst(%dma_wait3A_718 : memref<64x4096xf32, #tpu.memory_space<vmem>>)
    %get3A_723 = arith.constant 1 : index
    %get3A_724 = arith.constant 0 : index
    %get3A_725 = arith.constant 0 : index
    %get3A_726 = vector.load %arg4[%get3A_723, %get3A_724, %get3A_725] : memref<2x64x4096xf32, #tpu.memory_space<vmem>>, vector<1x64x4096xf32>
    %get3A_727 = vector.shape_cast %get3A_726 : vector<1x64x4096xf32> to vector<64x4096xf32>
    %dot_general3A_728 = arith.constant dense<0.000000e+00> : vector<1024x4096xf32>
    %dot_general3A_729 = tpu.matmul %get3A_1, %get3A_727, %dot_general3A_728 {dimension_numbers = #tpu.dot_dimension_numbers<[0], [0], [1], [1], [0, 1, 1, 1], [], []>, transpose_lhs_hint = false} : vector<64x1024xf32>, vector<64x4096xf32>, vector<1024x4096xf32> -> vector<1024x4096xf32>
    %broadcast_in_dim3A_730 = vector.shape_cast %mul3A_5 : vector<1024xf32> to vector<1024x1xf32>
    %sub3A_731 = vector.broadcast %broadcast_in_dim3A_730 : vector<1024x1xf32> to vector<1024x4096xf32>
    %sub3A_732 = arith.subf %dot_general3A_729, %sub3A_731 : vector<1024x4096xf32>
    %argmax3A_733 = tpu.reduce_index %sub3A_732 {axis = 0 : i32, kind = #tpu.reduction_kind<arg_max>} : vector<1024x4096xf32> -> vector<4096xi32>
    %reduce_max3A_734 = arith.constant dense<0xFF800000> : vector<4096xf32>
    %reduce_max3A_735 = vector.multi_reduction <maximumf>, %sub3A_732, %reduce_max3A_734 [0] : vector<1024x4096xf32> to vector<4096xf32>
    %dma_wait3A_736 = arith.constant 1 : i32
    %dma_wait3A_737 = arith.constant 7 : i32
    %dma_wait3A_738 = arith.constant 1 : i32
    %dma_wait3A_739 = tpu.memref_slice %arg7[%dma_wait3A_738] : memref<2x!tpu.dma_semaphore, #tpu.memory_space<semaphore_mem>> -> memref<1x!tpu.dma_semaphore, #tpu.memory_space<semaphore_mem>>
    %dma_wait3A_740 = tpu.memref_squeeze %dma_wait3A_739 : memref<1x!tpu.dma_semaphore, #tpu.memory_space<semaphore_mem>> -> memref<!tpu.dma_semaphore, #tpu.memory_space<semaphore_mem>>
    %dma_wait3A_741 = arith.constant 0 : i32
    %dma_wait3A_742 = arith.constant 0 : i32
    %dma_wait3A_743 = tpu.memref_slice %arg2[%dma_wait3A_737, %dma_wait3A_741, %dma_wait3A_742] : memref<16x1x4096xi32, #tpu.memory_space<any>> -> memref<1x1x4096xi32, #tpu.memory_space<any>>
    %dma_wait3A_744 = tpu.memref_squeeze %dma_wait3A_743 : memref<1x1x4096xi32, #tpu.memory_space<any>> -> memref<1x4096xi32, #tpu.memory_space<any>>
    %dma_wait3A_745 = arith.constant 0 : i32
    %dma_wait3A_746 = arith.constant 0 : i32
    %dma_wait3A_747 = tpu.memref_slice %arg5[%dma_wait3A_736, %dma_wait3A_745, %dma_wait3A_746] : memref<2x1x4096xi32, #tpu.memory_space<vmem>> -> memref<1x1x4096xi32, #tpu.memory_space<vmem>>
    %dma_wait3A_748 = tpu.memref_squeeze %dma_wait3A_747 : memref<1x1x4096xi32, #tpu.memory_space<vmem>> -> memref<1x4096xi32, #tpu.memory_space<vmem>>
    tpu.wait_dma2 semaphore(%dma_wait3A_740 : memref<!tpu.dma_semaphore, #tpu.memory_space<semaphore_mem>>) src(%dma_wait3A_748 : memref<1x4096xi32, #tpu.memory_space<vmem>>) dst(%dma_wait3A_744 : memref<1x4096xi32, #tpu.memory_space<any>>)
    %swap3A_749 = arith.constant 1 : index
    %swap3A_750 = arith.constant 0 : index
    %swap3A_751 = arith.constant 0 : index
    %swap3A_752 = vector.load %arg5[%swap3A_749, %swap3A_750, %swap3A_751] : memref<2x1x4096xi32, #tpu.memory_space<vmem>>, vector<1x1x4096xi32>
    %swap3A_753 = vector.shape_cast %swap3A_752 : vector<1x1x4096xi32> to vector<4096xi32>
    %swap3A_754 = vector.shape_cast %argmax3A_733 : vector<4096xi32> to vector<1x1x4096xi32>
    tpu.vector_store %arg5[%swap3A_749, %swap3A_750, %swap3A_751], %swap3A_754 {strides = array<i32>} : memref<2x1x4096xi32, #tpu.memory_space<vmem>>, vector<1x1x4096xi32>,
    %dma_start3A_755 = arith.constant 1 : i32
    %dma_start3A_756 = arith.constant 9 : i32
    %dma_start3A_757 = arith.constant 1 : i32
    %dma_start3A_758 = tpu.memref_slice %arg7[%dma_start3A_757] : memref<2x!tpu.dma_semaphore, #tpu.memory_space<semaphore_mem>> -> memref<1x!tpu.dma_semaphore, #tpu.memory_space<semaphore_mem>>
    %dma_start3A_759 = tpu.memref_squeeze %dma_start3A_758 : memref<1x!tpu.dma_semaphore, #tpu.memory_space<semaphore_mem>> -> memref<!tpu.dma_semaphore, #tpu.memory_space<semaphore_mem>>
    %dma_start3A_760 = arith.constant 0 : i32
    %dma_start3A_761 = arith.constant 0 : i32
    %dma_start3A_762 = tpu.memref_slice %arg2[%dma_start3A_756, %dma_start3A_760, %dma_start3A_761] : memref<16x1x4096xi32, #tpu.memory_space<any>> -> memref<1x1x4096xi32, #tpu.memory_space<any>>
    %dma_start3A_763 = tpu.memref_squeeze %dma_start3A_762 : memref<1x1x4096xi32, #tpu.memory_space<any>> -> memref<1x4096xi32, #tpu.memory_space<any>>
    %dma_start3A_764 = arith.constant 0 : i32
    %dma_start3A_765 = arith.constant 0 : i32
    %dma_start3A_766 = tpu.memref_slice %arg5[%dma_start3A_755, %dma_start3A_764, %dma_start3A_765] : memref<2x1x4096xi32, #tpu.memory_space<vmem>> -> memref<1x1x4096xi32, #tpu.memory_space<vmem>>
    %dma_start3A_767 = tpu.memref_squeeze %dma_start3A_766 : memref<1x1x4096xi32, #tpu.memory_space<vmem>> -> memref<1x4096xi32, #tpu.memory_space<vmem>>
    tpu.enqueue_dma source(%dma_start3A_767 : memref<1x4096xi32, #tpu.memory_space<vmem>>) target(%dma_start3A_763 : memref<1x4096xi32, #tpu.memory_space<any>>) target_semaphore(%dma_start3A_759 : memref<!tpu.dma_semaphore, #tpu.memory_space<semaphore_mem>>)
    %mul3A_768 = arith.mulf %get3A_727, %get3A_727 : vector<64x4096xf32>
    %reduce_sum3A_769 = arith.constant dense<0.000000e+00> : vector<4096xf32>
    %reduce_sum3A_770 = vector.multi_reduction <add>, %mul3A_768, %reduce_sum3A_769 [0] : vector<64x4096xf32> to vector<4096xf32>
    %mul3A_771 = arith.constant 2.000000e+00 : f32
    %mul3A_772 = vector.broadcast %mul3A_771 : f32 to vector<4096xf32>
    %mul3A_773 = arith.mulf %mul3A_772, %reduce_max3A_735 : vector<4096xf32>
    %sub3A_774 = arith.subf %reduce_sum3A_770, %mul3A_773 : vector<4096xf32>
    %add3A_775 = arith.addf %add3A_696, %sub3A_774 : vector<4096xf32>
    %dma_start3A_776 = arith.constant 11 : i32
    %dma_start3A_777 = arith.constant 1 : i32
    %dma_start3A_778 = arith.constant 1 : i32
    %dma_start3A_779 = tpu.memref_slice %arg6[%dma_start3A_778] : memref<2x!tpu.dma_semaphore, #tpu.memory_space<semaphore_mem>> -> memref<1x!tpu.dma_semaphore, #tpu.memory_space<semaphore_mem>>
    %dma_start3A_780 = tpu.memref_squeeze %dma_start3A_779 : memref<1x!tpu.dma_semaphore, #tpu.memory_space<semaphore_mem>> -> memref<!tpu.dma_semaphore, #tpu.memory_space<semaphore_mem>>
    %dma_start3A_781 = arith.constant 0 : i32
    %dma_start3A_782 = arith.constant 0 : i32
    %dma_start3A_783 = tpu.memref_slice %arg4[%dma_start3A_777, %dma_start3A_781, %dma_start3A_782] : memref<2x64x4096xf32, #tpu.memory_space<vmem>> -> memref<1x64x4096xf32, #tpu.memory_space<vmem>>
    %dma_start3A_784 = tpu.memref_squeeze %dma_start3A_783 : memref<1x64x4096xf32, #tpu.memory_space<vmem>> -> memref<64x4096xf32, #tpu.memory_space<vmem>>
    %dma_start3A_785 = arith.constant 0 : i32
    %dma_start3A_786 = arith.constant 0 : i32
    %dma_start3A_787 = tpu.memref_slice %arg0[%dma_start3A_776, %dma_start3A_785, %dma_start3A_786] : memref<16x64x4096xf32, #tpu.memory_space<any>> -> memref<1x64x4096xf32, #tpu.memory_space<any>>
    %dma_start3A_788 = tpu.memref_squeeze %dma_start3A_787 : memref<1x64x4096xf32, #tpu.memory_space<any>> -> memref<64x4096xf32, #tpu.memory_space<any>>
    tpu.enqueue_dma source(%dma_start3A_788 : memref<64x4096xf32, #tpu.memory_space<any>>) target(%dma_start3A_784 : memref<64x4096xf32, #tpu.memory_space<vmem>>) target_semaphore(%dma_start3A_780 : memref<!tpu.dma_semaphore, #tpu.memory_space<semaphore_mem>>)
    %dma_wait3A_789 = arith.constant 10 : i32
    %dma_wait3A_790 = arith.constant 0 : i32
    %dma_wait3A_791 = arith.constant 0 : i32
    %dma_wait3A_792 = tpu.memref_slice %arg6[%dma_wait3A_791] : memref<2x!tpu.dma_semaphore, #tpu.memory_space<semaphore_mem>> -> memref<1x!tpu.dma_semaphore, #tpu.memory_space<semaphore_mem>>
    %dma_wait3A_793 = tpu.memref_squeeze %dma_wait3A_792 : memref<1x!tpu.dma_semaphore, #tpu.memory_space<semaphore_mem>> -> memref<!tpu.dma_semaphore, #tpu.memory_space<semaphore_mem>>
    %dma_wait3A_794 = arith.constant 0 : i32
    %dma_wait3A_795 = arith.constant 0 : i32
    %dma_wait3A_796 = tpu.memref_slice %arg4[%dma_wait3A_790, %dma_wait3A_794, %dma_wait3A_795] : memref<2x64x4096xf32, #tpu.memory_space<vmem>> -> memref<1x64x4096xf32, #tpu.memory_space<vmem>>
    %dma_wait3A_797 = tpu.memref_squeeze %dma_wait3A_796 : memref<1x64x4096xf32, #tpu.memory_space<vmem>> -> memref<64x4096xf32, #tpu.memory_space<vmem>>
    %dma_wait3A_798 = arith.constant 0 : i32
    %dma_wait3A_799 = arith.constant 0 : i32
    %dma_wait3A_800 = tpu.memref_slice %arg0[%dma_wait3A_789, %dma_wait3A_798, %dma_wait3A_799] : memref<16x64x4096xf32, #tpu.memory_space<any>> -> memref<1x64x4096xf32, #tpu.memory_space<any>>
    %dma_wait3A_801 = tpu.memref_squeeze %dma_wait3A_800 : memref<1x64x4096xf32, #tpu.memory_space<any>> -> memref<64x4096xf32, #tpu.memory_space<any>>
    tpu.wait_dma2 semaphore(%dma_wait3A_793 : memref<!tpu.dma_semaphore, #tpu.memory_space<semaphore_mem>>) src(%dma_wait3A_801 : memref<64x4096xf32, #tpu.memory_space<any>>) dst(%dma_wait3A_797 : memref<64x4096xf32, #tpu.memory_space<vmem>>)
    %get3A_802 = arith.constant 0 : index
    %get3A_803 = arith.constant 0 : index
    %get3A_804 = arith.constant 0 : index
    %get3A_805 = vector.load %arg4[%get3A_802, %get3A_803, %get3A_804] : memref<2x64x4096xf32, #tpu.memory_space<vmem>>, vector<1x64x4096xf32>
    %get3A_806 = vector.shape_cast %get3A_805 : vector<1x64x4096xf32> to vector<64x4096xf32>
    %dot_general3A_807 = arith.constant dense<0.000000e+00> : vector<1024x4096xf32>
    %dot_general3A_808 = tpu.matmul %get3A_1, %get3A_806, %dot_general3A_807 {dimension_numbers = #tpu.dot_dimension_numbers<[0], [0], [1], [1], [0, 1, 1, 1], [], []>, transpose_lhs_hint = false} : vector<64x1024xf32>, vector<64x4096xf32>, vector<1024x4096xf32> -> vector<1024x4096xf32>
    %broadcast_in_dim3A_809 = vector.shape_cast %mul3A_5 : vector<1024xf32> to vector<1024x1xf32>
    %sub3A_810 = vector.broadcast %broadcast_in_dim3A_809 : vector<1024x1xf32> to vector<1024x4096xf32>
    %sub3A_811 = arith.subf %dot_general3A_808, %sub3A_810 : vector<1024x4096xf32>
    %argmax3A_812 = tpu.reduce_index %sub3A_811 {axis = 0 : i32, kind = #tpu.reduction_kind<arg_max>} : vector<1024x4096xf32> -> vector<4096xi32>
    %reduce_max3A_813 = arith.constant dense<0xFF800000> : vector<4096xf32>
    %reduce_max3A_814 = vector.multi_reduction <maximumf>, %sub3A_811, %reduce_max3A_813 [0] : vector<1024x4096xf32> to vector<4096xf32>
    %dma_wait3A_815 = arith.constant 0 : i32
    %dma_wait3A_816 = arith.constant 8 : i32
    %dma_wait3A_817 = arith.constant 0 : i32
    %dma_wait3A_818 = tpu.memref_slice %arg7[%dma_wait3A_817] : memref<2x!tpu.dma_semaphore, #tpu.memory_space<semaphore_mem>> -> memref<1x!tpu.dma_semaphore, #tpu.memory_space<semaphore_mem>>
    %dma_wait3A_819 = tpu.memref_squeeze %dma_wait3A_818 : memref<1x!tpu.dma_semaphore, #tpu.memory_space<semaphore_mem>> -> memref<!tpu.dma_semaphore, #tpu.memory_space<semaphore_mem>>
    %dma_wait3A_820 = arith.constant 0 : i32
    %dma_wait3A_821 = arith.constant 0 : i32
    %dma_wait3A_822 = tpu.memref_slice %arg2[%dma_wait3A_816, %dma_wait3A_820, %dma_wait3A_821] : memref<16x1x4096xi32, #tpu.memory_space<any>> -> memref<1x1x4096xi32, #tpu.memory_space<any>>
    %dma_wait3A_823 = tpu.memref_squeeze %dma_wait3A_822 : memref<1x1x4096xi32, #tpu.memory_space<any>> -> memref<1x4096xi32, #tpu.memory_space<any>>
    %dma_wait3A_824 = arith.constant 0 : i32
    %dma_wait3A_825 = arith.constant 0 : i32
    %dma_wait3A_826 = tpu.memref_slice %arg5[%dma_wait3A_815, %dma_wait3A_824, %dma_wait3A_825] : memref<2x1x4096xi32, #tpu.memory_space<vmem>> -> memref<1x1x4096xi32, #tpu.memory_space<vmem>>
    %dma_wait3A_827 = tpu.memref_squeeze %dma_wait3A_826 : memref<1x1x4096xi32, #tpu.memory_space<vmem>> -> memref<1x4096xi32, #tpu.memory_space<vmem>>
    tpu.wait_dma2 semaphore(%dma_wait3A_819 : memref<!tpu.dma_semaphore, #tpu.memory_space<semaphore_mem>>) src(%dma_wait3A_827 : memref<1x4096xi32, #tpu.memory_space<vmem>>) dst(%dma_wait3A_823 : memref<1x4096xi32, #tpu.memory_space<any>>)
    %swap3A_828 = arith.constant 0 : index
    %swap3A_829 = arith.constant 0 : index
    %swap3A_830 = arith.constant 0 : index
    %swap3A_831 = vector.load %arg5[%swap3A_828, %swap3A_829, %swap3A_830] : memref<2x1x4096xi32, #tpu.memory_space<vmem>>, vector<1x1x4096xi32>
    %swap3A_832 = vector.shape_cast %swap3A_831 : vector<1x1x4096xi32> to vector<4096xi32>
    %swap3A_833 = vector.shape_cast %argmax3A_812 : vector<4096xi32> to vector<1x1x4096xi32>
    tpu.vector_store %arg5[%swap3A_828, %swap3A_829, %swap3A_830], %swap3A_833 {strides = array<i32>} : memref<2x1x4096xi32, #tpu.memory_space<vmem>>, vector<1x1x4096xi32>,
    %dma_start3A_834 = arith.constant 0 : i32
    %dma_start3A_835 = arith.constant 10 : i32
    %dma_start3A_836 = arith.constant 0 : i32
    %dma_start3A_837 = tpu.memref_slice %arg7[%dma_start3A_836] : memref<2x!tpu.dma_semaphore, #tpu.memory_space<semaphore_mem>> -> memref<1x!tpu.dma_semaphore, #tpu.memory_space<semaphore_mem>>
    %dma_start3A_838 = tpu.memref_squeeze %dma_start3A_837 : memref<1x!tpu.dma_semaphore, #tpu.memory_space<semaphore_mem>> -> memref<!tpu.dma_semaphore, #tpu.memory_space<semaphore_mem>>
    %dma_start3A_839 = arith.constant 0 : i32
    %dma_start3A_840 = arith.constant 0 : i32
    %dma_start3A_841 = tpu.memref_slice %arg2[%dma_start3A_835, %dma_start3A_839, %dma_start3A_840] : memref<16x1x4096xi32, #tpu.memory_space<any>> -> memref<1x1x4096xi32, #tpu.memory_space<any>>
    %dma_start3A_842 = tpu.memref_squeeze %dma_start3A_841 : memref<1x1x4096xi32, #tpu.memory_space<any>> -> memref<1x4096xi32, #tpu.memory_space<any>>
    %dma_start3A_843 = arith.constant 0 : i32
    %dma_start3A_844 = arith.constant 0 : i32
    %dma_start3A_845 = tpu.memref_slice %arg5[%dma_start3A_834, %dma_start3A_843, %dma_start3A_844] : memref<2x1x4096xi32, #tpu.memory_space<vmem>> -> memref<1x1x4096xi32, #tpu.memory_space<vmem>>
    %dma_start3A_846 = tpu.memref_squeeze %dma_start3A_845 : memref<1x1x4096xi32, #tpu.memory_space<vmem>> -> memref<1x4096xi32, #tpu.memory_space<vmem>>
    tpu.enqueue_dma source(%dma_start3A_846 : memref<1x4096xi32, #tpu.memory_space<vmem>>) target(%dma_start3A_842 : memref<1x4096xi32, #tpu.memory_space<any>>) target_semaphore(%dma_start3A_838 : memref<!tpu.dma_semaphore, #tpu.memory_space<semaphore_mem>>)
    %mul3A_847 = arith.mulf %get3A_806, %get3A_806 : vector<64x4096xf32>
    %reduce_sum3A_848 = arith.constant dense<0.000000e+00> : vector<4096xf32>
    %reduce_sum3A_849 = vector.multi_reduction <add>, %mul3A_847, %reduce_sum3A_848 [0] : vector<64x4096xf32> to vector<4096xf32>
    %mul3A_850 = arith.constant 2.000000e+00 : f32
    %mul3A_851 = vector.broadcast %mul3A_850 : f32 to vector<4096xf32>
    %mul3A_852 = arith.mulf %mul3A_851, %reduce_max3A_814 : vector<4096xf32>
    %sub3A_853 = arith.subf %reduce_sum3A_849, %mul3A_852 : vector<4096xf32>
    %add3A_854 = arith.addf %add3A_775, %sub3A_853 : vector<4096xf32>
    %dma_start3A_855 = arith.constant 12 : i32
    %dma_start3A_856 = arith.constant 0 : i32
    %dma_start3A_857 = arith.constant 0 : i32
    %dma_start3A_858 = tpu.memref_slice %arg6[%dma_start3A_857] : memref<2x!tpu.dma_semaphore, #tpu.memory_space<semaphore_mem>> -> memref<1x!tpu.dma_semaphore, #tpu.memory_space<semaphore_mem>>
    %dma_start3A_859 = tpu.memref_squeeze %dma_start3A_858 : memref<1x!tpu.dma_semaphore, #tpu.memory_space<semaphore_mem>> -> memref<!tpu.dma_semaphore, #tpu.memory_space<semaphore_mem>>
    %dma_start3A_860 = arith.constant 0 : i32
    %dma_start3A_861 = arith.constant 0 : i32
    %dma_start3A_862 = tpu.memref_slice %arg4[%dma_start3A_856, %dma_start3A_860, %dma_start3A_861] : memref<2x64x4096xf32, #tpu.memory_space<vmem>> -> memref<1x64x4096xf32, #tpu.memory_space<vmem>>
    %dma_start3A_863 = tpu.memref_squeeze %dma_start3A_862 : memref<1x64x4096xf32, #tpu.memory_space<vmem>> -> memref<64x4096xf32, #tpu.memory_space<vmem>>
    %dma_start3A_864 = arith.constant 0 : i32
    %dma_start3A_865 = arith.constant 0 : i32
    %dma_start3A_866 = tpu.memref_slice %arg0[%dma_start3A_855, %dma_start3A_864, %dma_start3A_865] : memref<16x64x4096xf32, #tpu.memory_space<any>> -> memref<1x64x4096xf32, #tpu.memory_space<any>>
    %dma_start3A_867 = tpu.memref_squeeze %dma_start3A_866 : memref<1x64x4096xf32, #tpu.memory_space<any>> -> memref<64x4096xf32, #tpu.memory_space<any>>
    tpu.enqueue_dma source(%dma_start3A_867 : memref<64x4096xf32, #tpu.memory_space<any>>) target(%dma_start3A_863 : memref<64x4096xf32, #tpu.memory_space<vmem>>) target_semaphore(%dma_start3A_859 : memref<!tpu.dma_semaphore, #tpu.memory_space<semaphore_mem>>)
    %dma_wait3A_868 = arith.constant 11 : i32
    %dma_wait3A_869 = arith.constant 1 : i32
    %dma_wait3A_870 = arith.constant 1 : i32
    %dma_wait3A_871 = tpu.memref_slice %arg6[%dma_wait3A_870] : memref<2x!tpu.dma_semaphore, #tpu.memory_space<semaphore_mem>> -> memref<1x!tpu.dma_semaphore, #tpu.memory_space<semaphore_mem>>
    %dma_wait3A_872 = tpu.memref_squeeze %dma_wait3A_871 : memref<1x!tpu.dma_semaphore, #tpu.memory_space<semaphore_mem>> -> memref<!tpu.dma_semaphore, #tpu.memory_space<semaphore_mem>>
    %dma_wait3A_873 = arith.constant 0 : i32
    %dma_wait3A_874 = arith.constant 0 : i32
    %dma_wait3A_875 = tpu.memref_slice %arg4[%dma_wait3A_869, %dma_wait3A_873, %dma_wait3A_874] : memref<2x64x4096xf32, #tpu.memory_space<vmem>> -> memref<1x64x4096xf32, #tpu.memory_space<vmem>>
    %dma_wait3A_876 = tpu.memref_squeeze %dma_wait3A_875 : memref<1x64x4096xf32, #tpu.memory_space<vmem>> -> memref<64x4096xf32, #tpu.memory_space<vmem>>
    %dma_wait3A_877 = arith.constant 0 : i32
    %dma_wait3A_878 = arith.constant 0 : i32
    %dma_wait3A_879 = tpu.memref_slice %arg0[%dma_wait3A_868, %dma_wait3A_877, %dma_wait3A_878] : memref<16x64x4096xf32, #tpu.memory_space<any>> -> memref<1x64x4096xf32, #tpu.memory_space<any>>
    %dma_wait3A_880 = tpu.memref_squeeze %dma_wait3A_879 : memref<1x64x4096xf32, #tpu.memory_space<any>> -> memref<64x4096xf32, #tpu.memory_space<any>>
    tpu.wait_dma2 semaphore(%dma_wait3A_872 : memref<!tpu.dma_semaphore, #tpu.memory_space<semaphore_mem>>) src(%dma_wait3A_880 : memref<64x4096xf32, #tpu.memory_space<any>>) dst(%dma_wait3A_876 : memref<64x4096xf32, #tpu.memory_space<vmem>>)
    %get3A_881 = arith.constant 1 : index
    %get3A_882 = arith.constant 0 : index
    %get3A_883 = arith.constant 0 : index
    %get3A_884 = vector.load %arg4[%get3A_881, %get3A_882, %get3A_883] : memref<2x64x4096xf32, #tpu.memory_space<vmem>>, vector<1x64x4096xf32>
    %get3A_885 = vector.shape_cast %get3A_884 : vector<1x64x4096xf32> to vector<64x4096xf32>
    %dot_general3A_886 = arith.constant dense<0.000000e+00> : vector<1024x4096xf32>
    %dot_general3A_887 = tpu.matmul %get3A_1, %get3A_885, %dot_general3A_886 {dimension_numbers = #tpu.dot_dimension_numbers<[0], [0], [1], [1], [0, 1, 1, 1], [], []>, transpose_lhs_hint = false} : vector<64x1024xf32>, vector<64x4096xf32>, vector<1024x4096xf32> -> vector<1024x4096xf32>
    %broadcast_in_dim3A_888 = vector.shape_cast %mul3A_5 : vector<1024xf32> to vector<1024x1xf32>
    %sub3A_889 = vector.broadcast %broadcast_in_dim3A_888 : vector<1024x1xf32> to vector<1024x4096xf32>
    %sub3A_890 = arith.subf %dot_general3A_887, %sub3A_889 : vector<1024x4096xf32>
    %argmax3A_891 = tpu.reduce_index %sub3A_890 {axis = 0 : i32, kind = #tpu.reduction_kind<arg_max>} : vector<1024x4096xf32> -> vector<4096xi32>
    %reduce_max3A_892 = arith.constant dense<0xFF800000> : vector<4096xf32>
    %reduce_max3A_893 = vector.multi_reduction <maximumf>, %sub3A_890, %reduce_max3A_892 [0] : vector<1024x4096xf32> to vector<4096xf32>
    %dma_wait3A_894 = arith.constant 1 : i32
    %dma_wait3A_895 = arith.constant 9 : i32
    %dma_wait3A_896 = arith.constant 1 : i32
    %dma_wait3A_897 = tpu.memref_slice %arg7[%dma_wait3A_896] : memref<2x!tpu.dma_semaphore, #tpu.memory_space<semaphore_mem>> -> memref<1x!tpu.dma_semaphore, #tpu.memory_space<semaphore_mem>>
    %dma_wait3A_898 = tpu.memref_squeeze %dma_wait3A_897 : memref<1x!tpu.dma_semaphore, #tpu.memory_space<semaphore_mem>> -> memref<!tpu.dma_semaphore, #tpu.memory_space<semaphore_mem>>
    %dma_wait3A_899 = arith.constant 0 : i32
    %dma_wait3A_900 = arith.constant 0 : i32
    %dma_wait3A_901 = tpu.memref_slice %arg2[%dma_wait3A_895, %dma_wait3A_899, %dma_wait3A_900] : memref<16x1x4096xi32, #tpu.memory_space<any>> -> memref<1x1x4096xi32, #tpu.memory_space<any>>
    %dma_wait3A_902 = tpu.memref_squeeze %dma_wait3A_901 : memref<1x1x4096xi32, #tpu.memory_space<any>> -> memref<1x4096xi32, #tpu.memory_space<any>>
    %dma_wait3A_903 = arith.constant 0 : i32
    %dma_wait3A_904 = arith.constant 0 : i32
    %dma_wait3A_905 = tpu.memref_slice %arg5[%dma_wait3A_894, %dma_wait3A_903, %dma_wait3A_904] : memref<2x1x4096xi32, #tpu.memory_space<vmem>> -> memref<1x1x4096xi32, #tpu.memory_space<vmem>>
    %dma_wait3A_906 = tpu.memref_squeeze %dma_wait3A_905 : memref<1x1x4096xi32, #tpu.memory_space<vmem>> -> memref<1x4096xi32, #tpu.memory_space<vmem>>
    tpu.wait_dma2 semaphore(%dma_wait3A_898 : memref<!tpu.dma_semaphore, #tpu.memory_space<semaphore_mem>>) src(%dma_wait3A_906 : memref<1x4096xi32, #tpu.memory_space<vmem>>) dst(%dma_wait3A_902 : memref<1x4096xi32, #tpu.memory_space<any>>)
    %swap3A_907 = arith.constant 1 : index
    %swap3A_908 = arith.constant 0 : index
    %swap3A_909 = arith.constant 0 : index
    %swap3A_910 = vector.load %arg5[%swap3A_907, %swap3A_908, %swap3A_909] : memref<2x1x4096xi32, #tpu.memory_space<vmem>>, vector<1x1x4096xi32>
    %swap3A_911 = vector.shape_cast %swap3A_910 : vector<1x1x4096xi32> to vector<4096xi32>
    %swap3A_912 = vector.shape_cast %argmax3A_891 : vector<4096xi32> to vector<1x1x4096xi32>
    tpu.vector_store %arg5[%swap3A_907, %swap3A_908, %swap3A_909], %swap3A_912 {strides = array<i32>} : memref<2x1x4096xi32, #tpu.memory_space<vmem>>, vector<1x1x4096xi32>,
    %dma_start3A_913 = arith.constant 1 : i32
    %dma_start3A_914 = arith.constant 11 : i32
    %dma_start3A_915 = arith.constant 1 : i32
    %dma_start3A_916 = tpu.memref_slice %arg7[%dma_start3A_915] : memref<2x!tpu.dma_semaphore, #tpu.memory_space<semaphore_mem>> -> memref<1x!tpu.dma_semaphore, #tpu.memory_space<semaphore_mem>>
    %dma_start3A_917 = tpu.memref_squeeze %dma_start3A_916 : memref<1x!tpu.dma_semaphore, #tpu.memory_space<semaphore_mem>> -> memref<!tpu.dma_semaphore, #tpu.memory_space<semaphore_mem>>
    %dma_start3A_918 = arith.constant 0 : i32
    %dma_start3A_919 = arith.constant 0 : i32
    %dma_start3A_920 = tpu.memref_slice %arg2[%dma_start3A_914, %dma_start3A_918, %dma_start3A_919] : memref<16x1x4096xi32, #tpu.memory_space<any>> -> memref<1x1x4096xi32, #tpu.memory_space<any>>
    %dma_start3A_921 = tpu.memref_squeeze %dma_start3A_920 : memref<1x1x4096xi32, #tpu.memory_space<any>> -> memref<1x4096xi32, #tpu.memory_space<any>>
    %dma_start3A_922 = arith.constant 0 : i32
    %dma_start3A_923 = arith.constant 0 : i32
    %dma_start3A_924 = tpu.memref_slice %arg5[%dma_start3A_913, %dma_start3A_922, %dma_start3A_923] : memref<2x1x4096xi32, #tpu.memory_space<vmem>> -> memref<1x1x4096xi32, #tpu.memory_space<vmem>>
    %dma_start3A_925 = tpu.memref_squeeze %dma_start3A_924 : memref<1x1x4096xi32, #tpu.memory_space<vmem>> -> memref<1x4096xi32, #tpu.memory_space<vmem>>
    tpu.enqueue_dma source(%dma_start3A_925 : memref<1x4096xi32, #tpu.memory_space<vmem>>) target(%dma_start3A_921 : memref<1x4096xi32, #tpu.memory_space<any>>) target_semaphore(%dma_start3A_917 : memref<!tpu.dma_semaphore, #tpu.memory_space<semaphore_mem>>)
    %mul3A_926 = arith.mulf %get3A_885, %get3A_885 : vector<64x4096xf32>
    %reduce_sum3A_927 = arith.constant dense<0.000000e+00> : vector<4096xf32>
    %reduce_sum3A_928 = vector.multi_reduction <add>, %mul3A_926, %reduce_sum3A_927 [0] : vector<64x4096xf32> to vector<4096xf32>
    %mul3A_929 = arith.constant 2.000000e+00 : f32
    %mul3A_930 = vector.broadcast %mul3A_929 : f32 to vector<4096xf32>
    %mul3A_931 = arith.mulf %mul3A_930, %reduce_max3A_893 : vector<4096xf32>
    %sub3A_932 = arith.subf %reduce_sum3A_928, %mul3A_931 : vector<4096xf32>
    %add3A_933 = arith.addf %add3A_854, %sub3A_932 : vector<4096xf32>
    %dma_start3A_934 = arith.constant 13 : i32
    %dma_start3A_935 = arith.constant 1 : i32
    %dma_start3A_936 = arith.constant 1 : i32
    %dma_start3A_937 = tpu.memref_slice %arg6[%dma_start3A_936] : memref<2x!tpu.dma_semaphore, #tpu.memory_space<semaphore_mem>> -> memref<1x!tpu.dma_semaphore, #tpu.memory_space<semaphore_mem>>
    %dma_start3A_938 = tpu.memref_squeeze %dma_start3A_937 : memref<1x!tpu.dma_semaphore, #tpu.memory_space<semaphore_mem>> -> memref<!tpu.dma_semaphore, #tpu.memory_space<semaphore_mem>>
    %dma_start3A_939 = arith.constant 0 : i32
    %dma_start3A_940 = arith.constant 0 : i32
    %dma_start3A_941 = tpu.memref_slice %arg4[%dma_start3A_935, %dma_start3A_939, %dma_start3A_940] : memref<2x64x4096xf32, #tpu.memory_space<vmem>> -> memref<1x64x4096xf32, #tpu.memory_space<vmem>>
    %dma_start3A_942 = tpu.memref_squeeze %dma_start3A_941 : memref<1x64x4096xf32, #tpu.memory_space<vmem>> -> memref<64x4096xf32, #tpu.memory_space<vmem>>
    %dma_start3A_943 = arith.constant 0 : i32
    %dma_start3A_944 = arith.constant 0 : i32
    %dma_start3A_945 = tpu.memref_slice %arg0[%dma_start3A_934, %dma_start3A_943, %dma_start3A_944] : memref<16x64x4096xf32, #tpu.memory_space<any>> -> memref<1x64x4096xf32, #tpu.memory_space<any>>
    %dma_start3A_946 = tpu.memref_squeeze %dma_start3A_945 : memref<1x64x4096xf32, #tpu.memory_space<any>> -> memref<64x4096xf32, #tpu.memory_space<any>>
    tpu.enqueue_dma source(%dma_start3A_946 : memref<64x4096xf32, #tpu.memory_space<any>>) target(%dma_start3A_942 : memref<64x4096xf32, #tpu.memory_space<vmem>>) target_semaphore(%dma_start3A_938 : memref<!tpu.dma_semaphore, #tpu.memory_space<semaphore_mem>>)
    %dma_wait3A_947 = arith.constant 12 : i32
    %dma_wait3A_948 = arith.constant 0 : i32
    %dma_wait3A_949 = arith.constant 0 : i32
    %dma_wait3A_950 = tpu.memref_slice %arg6[%dma_wait3A_949] : memref<2x!tpu.dma_semaphore, #tpu.memory_space<semaphore_mem>> -> memref<1x!tpu.dma_semaphore, #tpu.memory_space<semaphore_mem>>
    %dma_wait3A_951 = tpu.memref_squeeze %dma_wait3A_950 : memref<1x!tpu.dma_semaphore, #tpu.memory_space<semaphore_mem>> -> memref<!tpu.dma_semaphore, #tpu.memory_space<semaphore_mem>>
    %dma_wait3A_952 = arith.constant 0 : i32
    %dma_wait3A_953 = arith.constant 0 : i32
    %dma_wait3A_954 = tpu.memref_slice %arg4[%dma_wait3A_948, %dma_wait3A_952, %dma_wait3A_953] : memref<2x64x4096xf32, #tpu.memory_space<vmem>> -> memref<1x64x4096xf32, #tpu.memory_space<vmem>>
    %dma_wait3A_955 = tpu.memref_squeeze %dma_wait3A_954 : memref<1x64x4096xf32, #tpu.memory_space<vmem>> -> memref<64x4096xf32, #tpu.memory_space<vmem>>
    %dma_wait3A_956 = arith.constant 0 : i32
    %dma_wait3A_957 = arith.constant 0 : i32
    %dma_wait3A_958 = tpu.memref_slice %arg0[%dma_wait3A_947, %dma_wait3A_956, %dma_wait3A_957] : memref<16x64x4096xf32, #tpu.memory_space<any>> -> memref<1x64x4096xf32, #tpu.memory_space<any>>
    %dma_wait3A_959 = tpu.memref_squeeze %dma_wait3A_958 : memref<1x64x4096xf32, #tpu.memory_space<any>> -> memref<64x4096xf32, #tpu.memory_space<any>>
    tpu.wait_dma2 semaphore(%dma_wait3A_951 : memref<!tpu.dma_semaphore, #tpu.memory_space<semaphore_mem>>) src(%dma_wait3A_959 : memref<64x4096xf32, #tpu.memory_space<any>>) dst(%dma_wait3A_955 : memref<64x4096xf32, #tpu.memory_space<vmem>>)
    %get3A_960 = arith.constant 0 : index
    %get3A_961 = arith.constant 0 : index
    %get3A_962 = arith.constant 0 : index
    %get3A_963 = vector.load %arg4[%get3A_960, %get3A_961, %get3A_962] : memref<2x64x4096xf32, #tpu.memory_space<vmem>>, vector<1x64x4096xf32>
    %get3A_964 = vector.shape_cast %get3A_963 : vector<1x64x4096xf32> to vector<64x4096xf32>
    %dot_general3A_965 = arith.constant dense<0.000000e+00> : vector<1024x4096xf32>
    %dot_general3A_966 = tpu.matmul %get3A_1, %get3A_964, %dot_general3A_965 {dimension_numbers = #tpu.dot_dimension_numbers<[0], [0], [1], [1], [0, 1, 1, 1], [], []>, transpose_lhs_hint = false} : vector<64x1024xf32>, vector<64x4096xf32>, vector<1024x4096xf32> -> vector<1024x4096xf32>
    %broadcast_in_dim3A_967 = vector.shape_cast %mul3A_5 : vector<1024xf32> to vector<1024x1xf32>
    %sub3A_968 = vector.broadcast %broadcast_in_dim3A_967 : vector<1024x1xf32> to vector<1024x4096xf32>
    %sub3A_969 = arith.subf %dot_general3A_966, %sub3A_968 : vector<1024x4096xf32>
    %argmax3A_970 = tpu.reduce_index %sub3A_969 {axis = 0 : i32, kind = #tpu.reduction_kind<arg_max>} : vector<1024x4096xf32> -> vector<4096xi32>
    %reduce_max3A_971 = arith.constant dense<0xFF800000> : vector<4096xf32>
    %reduce_max3A_972 = vector.multi_reduction <maximumf>, %sub3A_969, %reduce_max3A_971 [0] : vector<1024x4096xf32> to vector<4096xf32>
    %dma_wait3A_973 = arith.constant 0 : i32
    %dma_wait3A_974 = arith.constant 10 : i32
    %dma_wait3A_975 = arith.constant 0 : i32
    %dma_wait3A_976 = tpu.memref_slice %arg7[%dma_wait3A_975] : memref<2x!tpu.dma_semaphore, #tpu.memory_space<semaphore_mem>> -> memref<1x!tpu.dma_semaphore, #tpu.memory_space<semaphore_mem>>
    %dma_wait3A_977 = tpu.memref_squeeze %dma_wait3A_976 : memref<1x!tpu.dma_semaphore, #tpu.memory_space<semaphore_mem>> -> memref<!tpu.dma_semaphore, #tpu.memory_space<semaphore_mem>>
    %dma_wait3A_978 = arith.constant 0 : i32
    %dma_wait3A_979 = arith.constant 0 : i32
    %dma_wait3A_980 = tpu.memref_slice %arg2[%dma_wait3A_974, %dma_wait3A_978, %dma_wait3A_979] : memref<16x1x4096xi32, #tpu.memory_space<any>> -> memref<1x1x4096xi32, #tpu.memory_space<any>>
    %dma_wait3A_981 = tpu.memref_squeeze %dma_wait3A_980 : memref<1x1x4096xi32, #tpu.memory_space<any>> -> memref<1x4096xi32, #tpu.memory_space<any>>
    %dma_wait3A_982 = arith.constant 0 : i32
    %dma_wait3A_983 = arith.constant 0 : i32
    %dma_wait3A_984 = tpu.memref_slice %arg5[%dma_wait3A_973, %dma_wait3A_982, %dma_wait3A_983] : memref<2x1x4096xi32, #tpu.memory_space<vmem>> -> memref<1x1x4096xi32, #tpu.memory_space<vmem>>
    %dma_wait3A_985 = tpu.memref_squeeze %dma_wait3A_984 : memref<1x1x4096xi32, #tpu.memory_space<vmem>> -> memref<1x4096xi32, #tpu.memory_space<vmem>>
    tpu.wait_dma2 semaphore(%dma_wait3A_977 : memref<!tpu.dma_semaphore, #tpu.memory_space<semaphore_mem>>) src(%dma_wait3A_985 : memref<1x4096xi32, #tpu.memory_space<vmem>>) dst(%dma_wait3A_981 : memref<1x4096xi32, #tpu.memory_space<any>>)
    %swap3A_986 = arith.constant 0 : index
    %swap3A_987 = arith.constant 0 : index
    %swap3A_988 = arith.constant 0 : index
    %swap3A_989 = vector.load %arg5[%swap3A_986, %swap3A_987, %swap3A_988] : memref<2x1x4096xi32, #tpu.memory_space<vmem>>, vector<1x1x4096xi32>
    %swap3A_990 = vector.shape_cast %swap3A_989 : vector<1x1x4096xi32> to vector<4096xi32>
    %swap3A_991 = vector.shape_cast %argmax3A_970 : vector<4096xi32> to vector<1x1x4096xi32>
    tpu.vector_store %arg5[%swap3A_986, %swap3A_987, %swap3A_988], %swap3A_991 {strides = array<i32>} : memref<2x1x4096xi32, #tpu.memory_space<vmem>>, vector<1x1x4096xi32>,
    %dma_start3A_992 = arith.constant 0 : i32
    %dma_start3A_993 = arith.constant 12 : i32
    %dma_start3A_994 = arith.constant 0 : i32
    %dma_start3A_995 = tpu.memref_slice %arg7[%dma_start3A_994] : memref<2x!tpu.dma_semaphore, #tpu.memory_space<semaphore_mem>> -> memref<1x!tpu.dma_semaphore, #tpu.memory_space<semaphore_mem>>
    %dma_start3A_996 = tpu.memref_squeeze %dma_start3A_995 : memref<1x!tpu.dma_semaphore, #tpu.memory_space<semaphore_mem>> -> memref<!tpu.dma_semaphore, #tpu.memory_space<semaphore_mem>>
    %dma_start3A_997 = arith.constant 0 : i32
    %dma_start3A_998 = arith.constant 0 : i32
    %dma_start3A_999 = tpu.memref_slice %arg2[%dma_start3A_993, %dma_start3A_997, %dma_start3A_998] : memref<16x1x4096xi32, #tpu.memory_space<any>> -> memref<1x1x4096xi32, #tpu.memory_space<any>>
    %dma_start3A_1000 = tpu.memref_squeeze %dma_start3A_999 : memref<1x1x4096xi32, #tpu.memory_space<any>> -> memref<1x4096xi32, #tpu.memory_space<any>>
    %dma_start3A_1001 = arith.constant 0 : i32
    %dma_start3A_1002 = arith.constant 0 : i32
    %dma_start3A_1003 = tpu.memref_slice %arg5[%dma_start3A_992, %dma_start3A_1001, %dma_start3A_1002] : memref<2x1x4096xi32, #tpu.memory_space<vmem>> -> memref<1x1x4096xi32, #tpu.memory_space<vmem>>
    %dma_start3A_1004 = tpu.memref_squeeze %dma_start3A_1003 : memref<1x1x4096xi32, #tpu.memory_space<vmem>> -> memref<1x4096xi32, #tpu.memory_space<vmem>>
    tpu.enqueue_dma source(%dma_start3A_1004 : memref<1x4096xi32, #tpu.memory_space<vmem>>) target(%dma_start3A_1000 : memref<1x4096xi32, #tpu.memory_space<any>>) target_semaphore(%dma_start3A_996 : memref<!tpu.dma_semaphore, #tpu.memory_space<semaphore_mem>>)
    %mul3A_1005 = arith.mulf %get3A_964, %get3A_964 : vector<64x4096xf32>
    %reduce_sum3A_1006 = arith.constant dense<0.000000e+00> : vector<4096xf32>
    %reduce_sum3A_1007 = vector.multi_reduction <add>, %mul3A_1005, %reduce_sum3A_1006 [0] : vector<64x4096xf32> to vector<4096xf32>
    %mul3A_1008 = arith.constant 2.000000e+00 : f32
    %mul3A_1009 = vector.broadcast %mul3A_1008 : f32 to vector<4096xf32>
    %mul3A_1010 = arith.mulf %mul3A_1009, %reduce_max3A_972 : vector<4096xf32>
    %sub3A_1011 = arith.subf %reduce_sum3A_1007, %mul3A_1010 : vector<4096xf32>
    %add3A_1012 = arith.addf %add3A_933, %sub3A_1011 : vector<4096xf32>
    %dma_start3A_1013 = arith.constant 14 : i32
    %dma_start3A_1014 = arith.constant 0 : i32
    %dma_start3A_1015 = arith.constant 0 : i32
    %dma_start3A_1016 = tpu.memref_slice %arg6[%dma_start3A_1015] : memref<2x!tpu.dma_semaphore, #tpu.memory_space<semaphore_mem>> -> memref<1x!tpu.dma_semaphore, #tpu.memory_space<semaphore_mem>>
    %dma_start3A_1017 = tpu.memref_squeeze %dma_start3A_1016 : memref<1x!tpu.dma_semaphore, #tpu.memory_space<semaphore_mem>> -> memref<!tpu.dma_semaphore, #tpu.memory_space<semaphore_mem>>
    %dma_start3A_1018 = arith.constant 0 : i32
    %dma_start3A_1019 = arith.constant 0 : i32
    %dma_start3A_1020 = tpu.memref_slice %arg4[%dma_start3A_1014, %dma_start3A_1018, %dma_start3A_1019] : memref<2x64x4096xf32, #tpu.memory_space<vmem>> -> memref<1x64x4096xf32, #tpu.memory_space<vmem>>
    %dma_start3A_1021 = tpu.memref_squeeze %dma_start3A_1020 : memref<1x64x4096xf32, #tpu.memory_space<vmem>> -> memref<64x4096xf32, #tpu.memory_space<vmem>>
    %dma_start3A_1022 = arith.constant 0 : i32
    %dma_start3A_1023 = arith.constant 0 : i32
    %dma_start3A_1024 = tpu.memref_slice %arg0[%dma_start3A_1013, %dma_start3A_1022, %dma_start3A_1023] : memref<16x64x4096xf32, #tpu.memory_space<any>> -> memref<1x64x4096xf32, #tpu.memory_space<any>>
    %dma_start3A_1025 = tpu.memref_squeeze %dma_start3A_1024 : memref<1x64x4096xf32, #tpu.memory_space<any>> -> memref<64x4096xf32, #tpu.memory_space<any>>
    tpu.enqueue_dma source(%dma_start3A_1025 : memref<64x4096xf32, #tpu.memory_space<any>>) target(%dma_start3A_1021 : memref<64x4096xf32, #tpu.memory_space<vmem>>) target_semaphore(%dma_start3A_1017 : memref<!tpu.dma_semaphore, #tpu.memory_space<semaphore_mem>>)
    %dma_wait3A_1026 = arith.constant 13 : i32
    %dma_wait3A_1027 = arith.constant 1 : i32
    %dma_wait3A_1028 = arith.constant 1 : i32
    %dma_wait3A_1029 = tpu.memref_slice %arg6[%dma_wait3A_1028] : memref<2x!tpu.dma_semaphore, #tpu.memory_space<semaphore_mem>> -> memref<1x!tpu.dma_semaphore, #tpu.memory_space<semaphore_mem>>
    %dma_wait3A_1030 = tpu.memref_squeeze %dma_wait3A_1029 : memref<1x!tpu.dma_semaphore, #tpu.memory_space<semaphore_mem>> -> memref<!tpu.dma_semaphore, #tpu.memory_space<semaphore_mem>>
    %dma_wait3A_1031 = arith.constant 0 : i32
    %dma_wait3A_1032 = arith.constant 0 : i32
    %dma_wait3A_1033 = tpu.memref_slice %arg4[%dma_wait3A_1027, %dma_wait3A_1031, %dma_wait3A_1032] : memref<2x64x4096xf32, #tpu.memory_space<vmem>> -> memref<1x64x4096xf32, #tpu.memory_space<vmem>>
    %dma_wait3A_1034 = tpu.memref_squeeze %dma_wait3A_1033 : memref<1x64x4096xf32, #tpu.memory_space<vmem>> -> memref<64x4096xf32, #tpu.memory_space<vmem>>
    %dma_wait3A_1035 = arith.constant 0 : i32
    %dma_wait3A_1036 = arith.constant 0 : i32
    %dma_wait3A_1037 = tpu.memref_slice %arg0[%dma_wait3A_1026, %dma_wait3A_1035, %dma_wait3A_1036] : memref<16x64x4096xf32, #tpu.memory_space<any>> -> memref<1x64x4096xf32, #tpu.memory_space<any>>
    %dma_wait3A_1038 = tpu.memref_squeeze %dma_wait3A_1037 : memref<1x64x4096xf32, #tpu.memory_space<any>> -> memref<64x4096xf32, #tpu.memory_space<any>>
    tpu.wait_dma2 semaphore(%dma_wait3A_1030 : memref<!tpu.dma_semaphore, #tpu.memory_space<semaphore_mem>>) src(%dma_wait3A_1038 : memref<64x4096xf32, #tpu.memory_space<any>>) dst(%dma_wait3A_1034 : memref<64x4096xf32, #tpu.memory_space<vmem>>)
    %get3A_1039 = arith.constant 1 : index
    %get3A_1040 = arith.constant 0 : index
    %get3A_1041 = arith.constant 0 : index
    %get3A_1042 = vector.load %arg4[%get3A_1039, %get3A_1040, %get3A_1041] : memref<2x64x4096xf32, #tpu.memory_space<vmem>>, vector<1x64x4096xf32>
    %get3A_1043 = vector.shape_cast %get3A_1042 : vector<1x64x4096xf32> to vector<64x4096xf32>
    %dot_general3A_1044 = arith.constant dense<0.000000e+00> : vector<1024x4096xf32>
    %dot_general3A_1045 = tpu.matmul %get3A_1, %get3A_1043, %dot_general3A_1044 {dimension_numbers = #tpu.dot_dimension_numbers<[0], [0], [1], [1], [0, 1, 1, 1], [], []>, transpose_lhs_hint = false} : vector<64x1024xf32>, vector<64x4096xf32>, vector<1024x4096xf32> -> vector<1024x4096xf32>
    %broadcast_in_dim3A_1046 = vector.shape_cast %mul3A_5 : vector<1024xf32> to vector<1024x1xf32>
    %sub3A_1047 = vector.broadcast %broadcast_in_dim3A_1046 : vector<1024x1xf32> to vector<1024x4096xf32>
    %sub3A_1048 = arith.subf %dot_general3A_1045, %sub3A_1047 : vector<1024x4096xf32>
    %argmax3A_1049 = tpu.reduce_index %sub3A_1048 {axis = 0 : i32, kind = #tpu.reduction_kind<arg_max>} : vector<1024x4096xf32> -> vector<4096xi32>
    %reduce_max3A_1050 = arith.constant dense<0xFF800000> : vector<4096xf32>
    %reduce_max3A_1051 = vector.multi_reduction <maximumf>, %sub3A_1048, %reduce_max3A_1050 [0] : vector<1024x4096xf32> to vector<4096xf32>
    %dma_wait3A_1052 = arith.constant 1 : i32
    %dma_wait3A_1053 = arith.constant 11 : i32
    %dma_wait3A_1054 = arith.constant 1 : i32
    %dma_wait3A_1055 = tpu.memref_slice %arg7[%dma_wait3A_1054] : memref<2x!tpu.dma_semaphore, #tpu.memory_space<semaphore_mem>> -> memref<1x!tpu.dma_semaphore, #tpu.memory_space<semaphore_mem>>
    %dma_wait3A_1056 = tpu.memref_squeeze %dma_wait3A_1055 : memref<1x!tpu.dma_semaphore, #tpu.memory_space<semaphore_mem>> -> memref<!tpu.dma_semaphore, #tpu.memory_space<semaphore_mem>>
    %dma_wait3A_1057 = arith.constant 0 : i32
    %dma_wait3A_1058 = arith.constant 0 : i32
    %dma_wait3A_1059 = tpu.memref_slice %arg2[%dma_wait3A_1053, %dma_wait3A_1057, %dma_wait3A_1058] : memref<16x1x4096xi32, #tpu.memory_space<any>> -> memref<1x1x4096xi32, #tpu.memory_space<any>>
    %dma_wait3A_1060 = tpu.memref_squeeze %dma_wait3A_1059 : memref<1x1x4096xi32, #tpu.memory_space<any>> -> memref<1x4096xi32, #tpu.memory_space<any>>
    %dma_wait3A_1061 = arith.constant 0 : i32
    %dma_wait3A_1062 = arith.constant 0 : i32
    %dma_wait3A_1063 = tpu.memref_slice %arg5[%dma_wait3A_1052, %dma_wait3A_1061, %dma_wait3A_1062] : memref<2x1x4096xi32, #tpu.memory_space<vmem>> -> memref<1x1x4096xi32, #tpu.memory_space<vmem>>
    %dma_wait3A_1064 = tpu.memref_squeeze %dma_wait3A_1063 : memref<1x1x4096xi32, #tpu.memory_space<vmem>> -> memref<1x4096xi32, #tpu.memory_space<vmem>>
    tpu.wait_dma2 semaphore(%dma_wait3A_1056 : memref<!tpu.dma_semaphore, #tpu.memory_space<semaphore_mem>>) src(%dma_wait3A_1064 : memref<1x4096xi32, #tpu.memory_space<vmem>>) dst(%dma_wait3A_1060 : memref<1x4096xi32, #tpu.memory_space<any>>)
    %swap3A_1065 = arith.constant 1 : index
    %swap3A_1066 = arith.constant 0 : index
    %swap3A_1067 = arith.constant 0 : index
    %swap3A_1068 = vector.load %arg5[%swap3A_1065, %swap3A_1066, %swap3A_1067] : memref<2x1x4096xi32, #tpu.memory_space<vmem>>, vector<1x1x4096xi32>
    %swap3A_1069 = vector.shape_cast %swap3A_1068 : vector<1x1x4096xi32> to vector<4096xi32>
    %swap3A_1070 = vector.shape_cast %argmax3A_1049 : vector<4096xi32> to vector<1x1x4096xi32>
    tpu.vector_store %arg5[%swap3A_1065, %swap3A_1066, %swap3A_1067], %swap3A_1070 {strides = array<i32>} : memref<2x1x4096xi32, #tpu.memory_space<vmem>>, vector<1x1x4096xi32>,
    %dma_start3A_1071 = arith.constant 1 : i32
    %dma_start3A_1072 = arith.constant 13 : i32
    %dma_start3A_1073 = arith.constant 1 : i32
    %dma_start3A_1074 = tpu.memref_slice %arg7[%dma_start3A_1073] : memref<2x!tpu.dma_semaphore, #tpu.memory_space<semaphore_mem>> -> memref<1x!tpu.dma_semaphore, #tpu.memory_space<semaphore_mem>>
    %dma_start3A_1075 = tpu.memref_squeeze %dma_start3A_1074 : memref<1x!tpu.dma_semaphore, #tpu.memory_space<semaphore_mem>> -> memref<!tpu.dma_semaphore, #tpu.memory_space<semaphore_mem>>
    %dma_start3A_1076 = arith.constant 0 : i32
    %dma_start3A_1077 = arith.constant 0 : i32
    %dma_start3A_1078 = tpu.memref_slice %arg2[%dma_start3A_1072, %dma_start3A_1076, %dma_start3A_1077] : memref<16x1x4096xi32, #tpu.memory_space<any>> -> memref<1x1x4096xi32, #tpu.memory_space<any>>
    %dma_start3A_1079 = tpu.memref_squeeze %dma_start3A_1078 : memref<1x1x4096xi32, #tpu.memory_space<any>> -> memref<1x4096xi32, #tpu.memory_space<any>>
    %dma_start3A_1080 = arith.constant 0 : i32
    %dma_start3A_1081 = arith.constant 0 : i32
    %dma_start3A_1082 = tpu.memref_slice %arg5[%dma_start3A_1071, %dma_start3A_1080, %dma_start3A_1081] : memref<2x1x4096xi32, #tpu.memory_space<vmem>> -> memref<1x1x4096xi32, #tpu.memory_space<vmem>>
    %dma_start3A_1083 = tpu.memref_squeeze %dma_start3A_1082 : memref<1x1x4096xi32, #tpu.memory_space<vmem>> -> memref<1x4096xi32, #tpu.memory_space<vmem>>
    tpu.enqueue_dma source(%dma_start3A_1083 : memref<1x4096xi32, #tpu.memory_space<vmem>>) target(%dma_start3A_1079 : memref<1x4096xi32, #tpu.memory_space<any>>) target_semaphore(%dma_start3A_1075 : memref<!tpu.dma_semaphore, #tpu.memory_space<semaphore_mem>>)
    %mul3A_1084 = arith.mulf %get3A_1043, %get3A_1043 : vector<64x4096xf32>
    %reduce_sum3A_1085 = arith.constant dense<0.000000e+00> : vector<4096xf32>
    %reduce_sum3A_1086 = vector.multi_reduction <add>, %mul3A_1084, %reduce_sum3A_1085 [0] : vector<64x4096xf32> to vector<4096xf32>
    %mul3A_1087 = arith.constant 2.000000e+00 : f32
    %mul3A_1088 = vector.broadcast %mul3A_1087 : f32 to vector<4096xf32>
    %mul3A_1089 = arith.mulf %mul3A_1088, %reduce_max3A_1051 : vector<4096xf32>
    %sub3A_1090 = arith.subf %reduce_sum3A_1086, %mul3A_1089 : vector<4096xf32>
    %add3A_1091 = arith.addf %add3A_1012, %sub3A_1090 : vector<4096xf32>
    %dma_start3A_1092 = arith.constant 15 : i32
    %dma_start3A_1093 = arith.constant 1 : i32
    %dma_start3A_1094 = arith.constant 1 : i32
    %dma_start3A_1095 = tpu.memref_slice %arg6[%dma_start3A_1094] : memref<2x!tpu.dma_semaphore, #tpu.memory_space<semaphore_mem>> -> memref<1x!tpu.dma_semaphore, #tpu.memory_space<semaphore_mem>>
    %dma_start3A_1096 = tpu.memref_squeeze %dma_start3A_1095 : memref<1x!tpu.dma_semaphore, #tpu.memory_space<semaphore_mem>> -> memref<!tpu.dma_semaphore, #tpu.memory_space<semaphore_mem>>
    %dma_start3A_1097 = arith.constant 0 : i32
    %dma_start3A_1098 = arith.constant 0 : i32
    %dma_start3A_1099 = tpu.memref_slice %arg4[%dma_start3A_1093, %dma_start3A_1097, %dma_start3A_1098] : memref<2x64x4096xf32, #tpu.memory_space<vmem>> -> memref<1x64x4096xf32, #tpu.memory_space<vmem>>
    %dma_start3A_1100 = tpu.memref_squeeze %dma_start3A_1099 : memref<1x64x4096xf32, #tpu.memory_space<vmem>> -> memref<64x4096xf32, #tpu.memory_space<vmem>>
    %dma_start3A_1101 = arith.constant 0 : i32
    %dma_start3A_1102 = arith.constant 0 : i32
    %dma_start3A_1103 = tpu.memref_slice %arg0[%dma_start3A_1092, %dma_start3A_1101, %dma_start3A_1102] : memref<16x64x4096xf32, #tpu.memory_space<any>> -> memref<1x64x4096xf32, #tpu.memory_space<any>>
    %dma_start3A_1104 = tpu.memref_squeeze %dma_start3A_1103 : memref<1x64x4096xf32, #tpu.memory_space<any>> -> memref<64x4096xf32, #tpu.memory_space<any>>
    tpu.enqueue_dma source(%dma_start3A_1104 : memref<64x4096xf32, #tpu.memory_space<any>>) target(%dma_start3A_1100 : memref<64x4096xf32, #tpu.memory_space<vmem>>) target_semaphore(%dma_start3A_1096 : memref<!tpu.dma_semaphore, #tpu.memory_space<semaphore_mem>>)
    %dma_wait3A_1105 = arith.constant 14 : i32
    %dma_wait3A_1106 = arith.constant 0 : i32
    %dma_wait3A_1107 = arith.constant 0 : i32
    %dma_wait3A_1108 = tpu.memref_slice %arg6[%dma_wait3A_1107] : memref<2x!tpu.dma_semaphore, #tpu.memory_space<semaphore_mem>> -> memref<1x!tpu.dma_semaphore, #tpu.memory_space<semaphore_mem>>
    %dma_wait3A_1109 = tpu.memref_squeeze %dma_wait3A_1108 : memref<1x!tpu.dma_semaphore, #tpu.memory_space<semaphore_mem>> -> memref<!tpu.dma_semaphore, #tpu.memory_space<semaphore_mem>>
    %dma_wait3A_1110 = arith.constant 0 : i32
    %dma_wait3A_1111 = arith.constant 0 : i32
    %dma_wait3A_1112 = tpu.memref_slice %arg4[%dma_wait3A_1106, %dma_wait3A_1110, %dma_wait3A_1111] : memref<2x64x4096xf32, #tpu.memory_space<vmem>> -> memref<1x64x4096xf32, #tpu.memory_space<vmem>>
    %dma_wait3A_1113 = tpu.memref_squeeze %dma_wait3A_1112 : memref<1x64x4096xf32, #tpu.memory_space<vmem>> -> memref<64x4096xf32, #tpu.memory_space<vmem>>
    %dma_wait3A_1114 = arith.constant 0 : i32
    %dma_wait3A_1115 = arith.constant 0 : i32
    %dma_wait3A_1116 = tpu.memref_slice %arg0[%dma_wait3A_1105, %dma_wait3A_1114, %dma_wait3A_1115] : memref<16x64x4096xf32, #tpu.memory_space<any>> -> memref<1x64x4096xf32, #tpu.memory_space<any>>
    %dma_wait3A_1117 = tpu.memref_squeeze %dma_wait3A_1116 : memref<1x64x4096xf32, #tpu.memory_space<any>> -> memref<64x4096xf32, #tpu.memory_space<any>>
    tpu.wait_dma2 semaphore(%dma_wait3A_1109 : memref<!tpu.dma_semaphore, #tpu.memory_space<semaphore_mem>>) src(%dma_wait3A_1117 : memref<64x4096xf32, #tpu.memory_space<any>>) dst(%dma_wait3A_1113 : memref<64x4096xf32, #tpu.memory_space<vmem>>)
    %get3A_1118 = arith.constant 0 : index
    %get3A_1119 = arith.constant 0 : index
    %get3A_1120 = arith.constant 0 : index
    %get3A_1121 = vector.load %arg4[%get3A_1118, %get3A_1119, %get3A_1120] : memref<2x64x4096xf32, #tpu.memory_space<vmem>>, vector<1x64x4096xf32>
    %get3A_1122 = vector.shape_cast %get3A_1121 : vector<1x64x4096xf32> to vector<64x4096xf32>
    %dot_general3A_1123 = arith.constant dense<0.000000e+00> : vector<1024x4096xf32>
    %dot_general3A_1124 = tpu.matmul %get3A_1, %get3A_1122, %dot_general3A_1123 {dimension_numbers = #tpu.dot_dimension_numbers<[0], [0], [1], [1], [0, 1, 1, 1], [], []>, transpose_lhs_hint = false} : vector<64x1024xf32>, vector<64x4096xf32>, vector<1024x4096xf32> -> vector<1024x4096xf32>
    %broadcast_in_dim3A_1125 = vector.shape_cast %mul3A_5 : vector<1024xf32> to vector<1024x1xf32>
    %sub3A_1126 = vector.broadcast %broadcast_in_dim3A_1125 : vector<1024x1xf32> to vector<1024x4096xf32>
    %sub3A_1127 = arith.subf %dot_general3A_1124, %sub3A_1126 : vector<1024x4096xf32>
    %argmax3A_1128 = tpu.reduce_index %sub3A_1127 {axis = 0 : i32, kind = #tpu.reduction_kind<arg_max>} : vector<1024x4096xf32> -> vector<4096xi32>
    %reduce_max3A_1129 = arith.constant dense<0xFF800000> : vector<4096xf32>
    %reduce_max3A_1130 = vector.multi_reduction <maximumf>, %sub3A_1127, %reduce_max3A_1129 [0] : vector<1024x4096xf32> to vector<4096xf32>
    %dma_wait3A_1131 = arith.constant 0 : i32
    %dma_wait3A_1132 = arith.constant 12 : i32
    %dma_wait3A_1133 = arith.constant 0 : i32
    %dma_wait3A_1134 = tpu.memref_slice %arg7[%dma_wait3A_1133] : memref<2x!tpu.dma_semaphore, #tpu.memory_space<semaphore_mem>> -> memref<1x!tpu.dma_semaphore, #tpu.memory_space<semaphore_mem>>
    %dma_wait3A_1135 = tpu.memref_squeeze %dma_wait3A_1134 : memref<1x!tpu.dma_semaphore, #tpu.memory_space<semaphore_mem>> -> memref<!tpu.dma_semaphore, #tpu.memory_space<semaphore_mem>>
    %dma_wait3A_1136 = arith.constant 0 : i32
    %dma_wait3A_1137 = arith.constant 0 : i32
    %dma_wait3A_1138 = tpu.memref_slice %arg2[%dma_wait3A_1132, %dma_wait3A_1136, %dma_wait3A_1137] : memref<16x1x4096xi32, #tpu.memory_space<any>> -> memref<1x1x4096xi32, #tpu.memory_space<any>>
    %dma_wait3A_1139 = tpu.memref_squeeze %dma_wait3A_1138 : memref<1x1x4096xi32, #tpu.memory_space<any>> -> memref<1x4096xi32, #tpu.memory_space<any>>
    %dma_wait3A_1140 = arith.constant 0 : i32
    %dma_wait3A_1141 = arith.constant 0 : i32
    %dma_wait3A_1142 = tpu.memref_slice %arg5[%dma_wait3A_1131, %dma_wait3A_1140, %dma_wait3A_1141] : memref<2x1x4096xi32, #tpu.memory_space<vmem>> -> memref<1x1x4096xi32, #tpu.memory_space<vmem>>
    %dma_wait3A_1143 = tpu.memref_squeeze %dma_wait3A_1142 : memref<1x1x4096xi32, #tpu.memory_space<vmem>> -> memref<1x4096xi32, #tpu.memory_space<vmem>>
    tpu.wait_dma2 semaphore(%dma_wait3A_1135 : memref<!tpu.dma_semaphore, #tpu.memory_space<semaphore_mem>>) src(%dma_wait3A_1143 : memref<1x4096xi32, #tpu.memory_space<vmem>>) dst(%dma_wait3A_1139 : memref<1x4096xi32, #tpu.memory_space<any>>)
    %swap3A_1144 = arith.constant 0 : index
    %swap3A_1145 = arith.constant 0 : index
    %swap3A_1146 = arith.constant 0 : index
    %swap3A_1147 = vector.load %arg5[%swap3A_1144, %swap3A_1145, %swap3A_1146] : memref<2x1x4096xi32, #tpu.memory_space<vmem>>, vector<1x1x4096xi32>
    %swap3A_1148 = vector.shape_cast %swap3A_1147 : vector<1x1x4096xi32> to vector<4096xi32>
    %swap3A_1149 = vector.shape_cast %argmax3A_1128 : vector<4096xi32> to vector<1x1x4096xi32>
    tpu.vector_store %arg5[%swap3A_1144, %swap3A_1145, %swap3A_1146], %swap3A_1149 {strides = array<i32>} : memref<2x1x4096xi32, #tpu.memory_space<vmem>>, vector<1x1x4096xi32>,
    %dma_start3A_1150 = arith.constant 0 : i32
    %dma_start3A_1151 = arith.constant 14 : i32
    %dma_start3A_1152 = arith.constant 0 : i32
    %dma_start3A_1153 = tpu.memref_slice %arg7[%dma_start3A_1152] : memref<2x!tpu.dma_semaphore, #tpu.memory_space<semaphore_mem>> -> memref<1x!tpu.dma_semaphore, #tpu.memory_space<semaphore_mem>>
    %dma_start3A_1154 = tpu.memref_squeeze %dma_start3A_1153 : memref<1x!tpu.dma_semaphore, #tpu.memory_space<semaphore_mem>> -> memref<!tpu.dma_semaphore, #tpu.memory_space<semaphore_mem>>
    %dma_start3A_1155 = arith.constant 0 : i32
    %dma_start3A_1156 = arith.constant 0 : i32
    %dma_start3A_1157 = tpu.memref_slice %arg2[%dma_start3A_1151, %dma_start3A_1155, %dma_start3A_1156] : memref<16x1x4096xi32, #tpu.memory_space<any>> -> memref<1x1x4096xi32, #tpu.memory_space<any>>
    %dma_start3A_1158 = tpu.memref_squeeze %dma_start3A_1157 : memref<1x1x4096xi32, #tpu.memory_space<any>> -> memref<1x4096xi32, #tpu.memory_space<any>>
    %dma_start3A_1159 = arith.constant 0 : i32
    %dma_start3A_1160 = arith.constant 0 : i32
    %dma_start3A_1161 = tpu.memref_slice %arg5[%dma_start3A_1150, %dma_start3A_1159, %dma_start3A_1160] : memref<2x1x4096xi32, #tpu.memory_space<vmem>> -> memref<1x1x4096xi32, #tpu.memory_space<vmem>>
    %dma_start3A_1162 = tpu.memref_squeeze %dma_start3A_1161 : memref<1x1x4096xi32, #tpu.memory_space<vmem>> -> memref<1x4096xi32, #tpu.memory_space<vmem>>
    tpu.enqueue_dma source(%dma_start3A_1162 : memref<1x4096xi32, #tpu.memory_space<vmem>>) target(%dma_start3A_1158 : memref<1x4096xi32, #tpu.memory_space<any>>) target_semaphore(%dma_start3A_1154 : memref<!tpu.dma_semaphore, #tpu.memory_space<semaphore_mem>>)
    %mul3A_1163 = arith.mulf %get3A_1122, %get3A_1122 : vector<64x4096xf32>
    %reduce_sum3A_1164 = arith.constant dense<0.000000e+00> : vector<4096xf32>
    %reduce_sum3A_1165 = vector.multi_reduction <add>, %mul3A_1163, %reduce_sum3A_1164 [0] : vector<64x4096xf32> to vector<4096xf32>
    %mul3A_1166 = arith.constant 2.000000e+00 : f32
    %mul3A_1167 = vector.broadcast %mul3A_1166 : f32 to vector<4096xf32>
    %mul3A_1168 = arith.mulf %mul3A_1167, %reduce_max3A_1130 : vector<4096xf32>
    %sub3A_1169 = arith.subf %reduce_sum3A_1165, %mul3A_1168 : vector<4096xf32>
    %add3A_1170 = arith.addf %add3A_1091, %sub3A_1169 : vector<4096xf32>
    %dma_wait3A_1171 = arith.constant 15 : i32
    %dma_wait3A_1172 = arith.constant 1 : i32
    %dma_wait3A_1173 = arith.constant 1 : i32
    %dma_wait3A_1174 = tpu.memref_slice %arg6[%dma_wait3A_1173] : memref<2x!tpu.dma_semaphore, #tpu.memory_space<semaphore_mem>> -> memref<1x!tpu.dma_semaphore, #tpu.memory_space<semaphore_mem>>
    %dma_wait3A_1175 = tpu.memref_squeeze %dma_wait3A_1174 : memref<1x!tpu.dma_semaphore, #tpu.memory_space<semaphore_mem>> -> memref<!tpu.dma_semaphore, #tpu.memory_space<semaphore_mem>>
    %dma_wait3A_1176 = arith.constant 0 : i32
    %dma_wait3A_1177 = arith.constant 0 : i32
    %dma_wait3A_1178 = tpu.memref_slice %arg4[%dma_wait3A_1172, %dma_wait3A_1176, %dma_wait3A_1177] : memref<2x64x4096xf32, #tpu.memory_space<vmem>> -> memref<1x64x4096xf32, #tpu.memory_space<vmem>>
    %dma_wait3A_1179 = tpu.memref_squeeze %dma_wait3A_1178 : memref<1x64x4096xf32, #tpu.memory_space<vmem>> -> memref<64x4096xf32, #tpu.memory_space<vmem>>
    %dma_wait3A_1180 = arith.constant 0 : i32
    %dma_wait3A_1181 = arith.constant 0 : i32
    %dma_wait3A_1182 = tpu.memref_slice %arg0[%dma_wait3A_1171, %dma_wait3A_1180, %dma_wait3A_1181] : memref<16x64x4096xf32, #tpu.memory_space<any>> -> memref<1x64x4096xf32, #tpu.memory_space<any>>
    %dma_wait3A_1183 = tpu.memref_squeeze %dma_wait3A_1182 : memref<1x64x4096xf32, #tpu.memory_space<any>> -> memref<64x4096xf32, #tpu.memory_space<any>>
    tpu.wait_dma2 semaphore(%dma_wait3A_1175 : memref<!tpu.dma_semaphore, #tpu.memory_space<semaphore_mem>>) src(%dma_wait3A_1183 : memref<64x4096xf32, #tpu.memory_space<any>>) dst(%dma_wait3A_1179 : memref<64x4096xf32, #tpu.memory_space<vmem>>)
    %get3A_1184 = arith.constant 1 : index
    %get3A_1185 = arith.constant 0 : index
    %get3A_1186 = arith.constant 0 : index
    %get3A_1187 = vector.load %arg4[%get3A_1184, %get3A_1185, %get3A_1186] : memref<2x64x4096xf32, #tpu.memory_space<vmem>>, vector<1x64x4096xf32>
    %get3A_1188 = vector.shape_cast %get3A_1187 : vector<1x64x4096xf32> to vector<64x4096xf32>
    %dot_general3A_1189 = arith.constant dense<0.000000e+00> : vector<1024x4096xf32>
    %dot_general3A_1190 = tpu.matmul %get3A_1, %get3A_1188, %dot_general3A_1189 {dimension_numbers = #tpu.dot_dimension_numbers<[0], [0], [1], [1], [0, 1, 1, 1], [], []>, transpose_lhs_hint = false} : vector<64x1024xf32>, vector<64x4096xf32>, vector<1024x4096xf32> -> vector<1024x4096xf32>
    %broadcast_in_dim3A_1191 = vector.shape_cast %mul3A_5 : vector<1024xf32> to vector<1024x1xf32>
    %sub3A_1192 = vector.broadcast %broadcast_in_dim3A_1191 : vector<1024x1xf32> to vector<1024x4096xf32>
    %sub3A_1193 = arith.subf %dot_general3A_1190, %sub3A_1192 : vector<1024x4096xf32>
    %argmax3A_1194 = tpu.reduce_index %sub3A_1193 {axis = 0 : i32, kind = #tpu.reduction_kind<arg_max>} : vector<1024x4096xf32> -> vector<4096xi32>
    %reduce_max3A_1195 = arith.constant dense<0xFF800000> : vector<4096xf32>
    %reduce_max3A_1196 = vector.multi_reduction <maximumf>, %sub3A_1193, %reduce_max3A_1195 [0] : vector<1024x4096xf32> to vector<4096xf32>
    %dma_wait3A_1197 = arith.constant 1 : i32
    %dma_wait3A_1198 = arith.constant 13 : i32
    %dma_wait3A_1199 = arith.constant 1 : i32
    %dma_wait3A_1200 = tpu.memref_slice %arg7[%dma_wait3A_1199] : memref<2x!tpu.dma_semaphore, #tpu.memory_space<semaphore_mem>> -> memref<1x!tpu.dma_semaphore, #tpu.memory_space<semaphore_mem>>
    %dma_wait3A_1201 = tpu.memref_squeeze %dma_wait3A_1200 : memref<1x!tpu.dma_semaphore, #tpu.memory_space<semaphore_mem>> -> memref<!tpu.dma_semaphore, #tpu.memory_space<semaphore_mem>>
    %dma_wait3A_1202 = arith.constant 0 : i32
    %dma_wait3A_1203 = arith.constant 0 : i32
    %dma_wait3A_1204 = tpu.memref_slice %arg2[%dma_wait3A_1198, %dma_wait3A_1202, %dma_wait3A_1203] : memref<16x1x4096xi32, #tpu.memory_space<any>> -> memref<1x1x4096xi32, #tpu.memory_space<any>>
    %dma_wait3A_1205 = tpu.memref_squeeze %dma_wait3A_1204 : memref<1x1x4096xi32, #tpu.memory_space<any>> -> memref<1x4096xi32, #tpu.memory_space<any>>
    %dma_wait3A_1206 = arith.constant 0 : i32
    %dma_wait3A_1207 = arith.constant 0 : i32
    %dma_wait3A_1208 = tpu.memref_slice %arg5[%dma_wait3A_1197, %dma_wait3A_1206, %dma_wait3A_1207] : memref<2x1x4096xi32, #tpu.memory_space<vmem>> -> memref<1x1x4096xi32, #tpu.memory_space<vmem>>
    %dma_wait3A_1209 = tpu.memref_squeeze %dma_wait3A_1208 : memref<1x1x4096xi32, #tpu.memory_space<vmem>> -> memref<1x4096xi32, #tpu.memory_space<vmem>>
    tpu.wait_dma2 semaphore(%dma_wait3A_1201 : memref<!tpu.dma_semaphore, #tpu.memory_space<semaphore_mem>>) src(%dma_wait3A_1209 : memref<1x4096xi32, #tpu.memory_space<vmem>>) dst(%dma_wait3A_1205 : memref<1x4096xi32, #tpu.memory_space<any>>)
    %swap3A_1210 = arith.constant 1 : index
    %swap3A_1211 = arith.constant 0 : index
    %swap3A_1212 = arith.constant 0 : index
    %swap3A_1213 = vector.load %arg5[%swap3A_1210, %swap3A_1211, %swap3A_1212] : memref<2x1x4096xi32, #tpu.memory_space<vmem>>, vector<1x1x4096xi32>
    %swap3A_1214 = vector.shape_cast %swap3A_1213 : vector<1x1x4096xi32> to vector<4096xi32>
    %swap3A_1215 = vector.shape_cast %argmax3A_1194 : vector<4096xi32> to vector<1x1x4096xi32>
    tpu.vector_store %arg5[%swap3A_1210, %swap3A_1211, %swap3A_1212], %swap3A_1215 {strides = array<i32>} : memref<2x1x4096xi32, #tpu.memory_space<vmem>>, vector<1x1x4096xi32>,
    %dma_start3A_1216 = arith.constant 1 : i32
    %dma_start3A_1217 = arith.constant 15 : i32
    %dma_start3A_1218 = arith.constant 1 : i32
    %dma_start3A_1219 = tpu.memref_slice %arg7[%dma_start3A_1218] : memref<2x!tpu.dma_semaphore, #tpu.memory_space<semaphore_mem>> -> memref<1x!tpu.dma_semaphore, #tpu.memory_space<semaphore_mem>>
    %dma_start3A_1220 = tpu.memref_squeeze %dma_start3A_1219 : memref<1x!tpu.dma_semaphore, #tpu.memory_space<semaphore_mem>> -> memref<!tpu.dma_semaphore, #tpu.memory_space<semaphore_mem>>
    %dma_start3A_1221 = arith.constant 0 : i32
    %dma_start3A_1222 = arith.constant 0 : i32
    %dma_start3A_1223 = tpu.memref_slice %arg2[%dma_start3A_1217, %dma_start3A_1221, %dma_start3A_1222] : memref<16x1x4096xi32, #tpu.memory_space<any>> -> memref<1x1x4096xi32, #tpu.memory_space<any>>
    %dma_start3A_1224 = tpu.memref_squeeze %dma_start3A_1223 : memref<1x1x4096xi32, #tpu.memory_space<any>> -> memref<1x4096xi32, #tpu.memory_space<any>>
    %dma_start3A_1225 = arith.constant 0 : i32
    %dma_start3A_1226 = arith.constant 0 : i32
    %dma_start3A_1227 = tpu.memref_slice %arg5[%dma_start3A_1216, %dma_start3A_1225, %dma_start3A_1226] : memref<2x1x4096xi32, #tpu.memory_space<vmem>> -> memref<1x1x4096xi32, #tpu.memory_space<vmem>>
    %dma_start3A_1228 = tpu.memref_squeeze %dma_start3A_1227 : memref<1x1x4096xi32, #tpu.memory_space<vmem>> -> memref<1x4096xi32, #tpu.memory_space<vmem>>
    tpu.enqueue_dma source(%dma_start3A_1228 : memref<1x4096xi32, #tpu.memory_space<vmem>>) target(%dma_start3A_1224 : memref<1x4096xi32, #tpu.memory_space<any>>) target_semaphore(%dma_start3A_1220 : memref<!tpu.dma_semaphore, #tpu.memory_space<semaphore_mem>>)
    %mul3A_1229 = arith.mulf %get3A_1188, %get3A_1188 : vector<64x4096xf32>
    %reduce_sum3A_1230 = arith.constant dense<0.000000e+00> : vector<4096xf32>
    %reduce_sum3A_1231 = vector.multi_reduction <add>, %mul3A_1229, %reduce_sum3A_1230 [0] : vector<64x4096xf32> to vector<4096xf32>
    %mul3A_1232 = arith.constant 2.000000e+00 : f32
    %mul3A_1233 = vector.broadcast %mul3A_1232 : f32 to vector<4096xf32>
    %mul3A_1234 = arith.mulf %mul3A_1233, %reduce_max3A_1196 : vector<4096xf32>
    %sub3A_1235 = arith.subf %reduce_sum3A_1231, %mul3A_1234 : vector<4096xf32>
    %add3A_1236 = arith.addf %add3A_1170, %sub3A_1235 : vector<4096xf32>
    %dma_wait3A_1237 = arith.constant 0 : i32
    %dma_wait3A_1238 = arith.constant 14 : i32
    %dma_wait3A_1239 = arith.constant 0 : i32
    %dma_wait3A_1240 = tpu.memref_slice %arg7[%dma_wait3A_1239] : memref<2x!tpu.dma_semaphore, #tpu.memory_space<semaphore_mem>> -> memref<1x!tpu.dma_semaphore, #tpu.memory_space<semaphore_mem>>
    %dma_wait3A_1241 = tpu.memref_squeeze %dma_wait3A_1240 : memref<1x!tpu.dma_semaphore, #tpu.memory_space<semaphore_mem>> -> memref<!tpu.dma_semaphore, #tpu.memory_space<semaphore_mem>>
    %dma_wait3A_1242 = arith.constant 0 : i32
    %dma_wait3A_1243 = arith.constant 0 : i32
    %dma_wait3A_1244 = tpu.memref_slice %arg2[%dma_wait3A_1238, %dma_wait3A_1242, %dma_wait3A_1243] : memref<16x1x4096xi32, #tpu.memory_space<any>> -> memref<1x1x4096xi32, #tpu.memory_space<any>>
    %dma_wait3A_1245 = tpu.memref_squeeze %dma_wait3A_1244 : memref<1x1x4096xi32, #tpu.memory_space<any>> -> memref<1x4096xi32, #tpu.memory_space<any>>
    %dma_wait3A_1246 = arith.constant 0 : i32
    %dma_wait3A_1247 = arith.constant 0 : i32
    %dma_wait3A_1248 = tpu.memref_slice %arg5[%dma_wait3A_1237, %dma_wait3A_1246, %dma_wait3A_1247] : memref<2x1x4096xi32, #tpu.memory_space<vmem>> -> memref<1x1x4096xi32, #tpu.memory_space<vmem>>
    %dma_wait3A_1249 = tpu.memref_squeeze %dma_wait3A_1248 : memref<1x1x4096xi32, #tpu.memory_space<vmem>> -> memref<1x4096xi32, #tpu.memory_space<vmem>>
    tpu.wait_dma2 semaphore(%dma_wait3A_1241 : memref<!tpu.dma_semaphore, #tpu.memory_space<semaphore_mem>>) src(%dma_wait3A_1249 : memref<1x4096xi32, #tpu.memory_space<vmem>>) dst(%dma_wait3A_1245 : memref<1x4096xi32, #tpu.memory_space<any>>)
    %dma_wait3A_1250 = arith.constant 1 : i32
    %dma_wait3A_1251 = arith.constant 15 : i32
    %dma_wait3A_1252 = arith.constant 1 : i32
    %dma_wait3A_1253 = tpu.memref_slice %arg7[%dma_wait3A_1252] : memref<2x!tpu.dma_semaphore, #tpu.memory_space<semaphore_mem>> -> memref<1x!tpu.dma_semaphore, #tpu.memory_space<semaphore_mem>>
    %dma_wait3A_1254 = tpu.memref_squeeze %dma_wait3A_1253 : memref<1x!tpu.dma_semaphore, #tpu.memory_space<semaphore_mem>> -> memref<!tpu.dma_semaphore, #tpu.memory_space<semaphore_mem>>
    %dma_wait3A_1255 = arith.constant 0 : i32
    %dma_wait3A_1256 = arith.constant 0 : i32
    %dma_wait3A_1257 = tpu.memref_slice %arg2[%dma_wait3A_1251, %dma_wait3A_1255, %dma_wait3A_1256] : memref<16x1x4096xi32, #tpu.memory_space<any>> -> memref<1x1x4096xi32, #tpu.memory_space<any>>
    %dma_wait3A_1258 = tpu.memref_squeeze %dma_wait3A_1257 : memref<1x1x4096xi32, #tpu.memory_space<any>> -> memref<1x4096xi32, #tpu.memory_space<any>>
    %dma_wait3A_1259 = arith.constant 0 : i32
    %dma_wait3A_1260 = arith.constant 0 : i32
    %dma_wait3A_1261 = tpu.memref_slice %arg5[%dma_wait3A_1250, %dma_wait3A_1259, %dma_wait3A_1260] : memref<2x1x4096xi32, #tpu.memory_space<vmem>> -> memref<1x1x4096xi32, #tpu.memory_space<vmem>>
    %dma_wait3A_1262 = tpu.memref_squeeze %dma_wait3A_1261 : memref<1x1x4096xi32, #tpu.memory_space<vmem>> -> memref<1x4096xi32, #tpu.memory_space<vmem>>
    tpu.wait_dma2 semaphore(%dma_wait3A_1254 : memref<!tpu.dma_semaphore, #tpu.memory_space<semaphore_mem>>) src(%dma_wait3A_1262 : memref<1x4096xi32, #tpu.memory_space<vmem>>) dst(%dma_wait3A_1258 : memref<1x4096xi32, #tpu.memory_space<any>>)
    %swap3A_1263 = arith.constant 0 : index
    %swap3A_1264 = arith.constant 0 : index
    %swap3A_1265 = vector.load %arg3[%swap3A_1263, %swap3A_1264] : memref<1x4096xf32, #tpu.memory_space<vmem>>, vector<1x4096xf32>
    %swap3A_1266 = vector.shape_cast %swap3A_1265 : vector<1x4096xf32> to vector<4096xf32>
    %swap3A_1267 = vector.shape_cast %add3A_1236 : vector<4096xf32> to vector<1x4096xf32>
    tpu.vector_store %arg3[%swap3A_1263, %swap3A_1264], %swap3A_1267 {strides = array<i32>} : memref<1x4096xf32, #tpu.memory_space<vmem>>, vector<1x4096xf32>,
    return
  }
}

</mosaic_0001>

<sc_bundles>
// kernel: kernel.4.cloned.1.call-start
scs
__scs_entry_jumppad:
0x0: {  	(pc) =	sbr.rel $0x88, $3  }
0x1: {  	(tag) =	ssettag $0x0;
	lr =	simm.s32 $0x1  }
0x2: {  	[smem:$0x3F9F] =	sst lr;
	_ =	strace $0xD0000000  }
0x3: {  	_ = 	snop  }
0x4: {  	_ = 	snop  }
0x5: {  	_ = 	snop  }
0x6: {  	_ = 	snop  }
0x7: {  	_ = 	snop  }
__scs_overlays_trampoline_lowered:
0x8: {  	[smem:$0x3FAE] =	sst s0  }
0x9: {  	[smem:$0x3FAF] =	sst s1  }
0xa: {  	[smem:$0x3FB0] =	sst s2  }
0xb: {  	[smem:$0x3FB1] =	sst s3  }
0xc: {  	[smem:$0x3FB2] =	sst s4  }
0xd: {  	[smem:$0x3FB3] =	sst s5  }
0xe: {  	[smem:$0x3FB4] =	sst s6  }
0xf: {  	[smem:$0x3FB5] =	sst s7  }
0x10: {  	[smem:$0x3FB6] =	sst s8  }
0x11: {  	[smem:$0x3FB7] =	sst s9;
	s0 =	simm.s32 @!p0 $0x0  }
0x12: {  	s1 =	sld [smem:$0x3F9D];
	s0 =	simm.s32 @p0 $0x1  }
0x13: {  	[smem:$0x3FB8] =	sst s0;
	s0 =	simm.s32 @!p1 $0x0  }
0x14: {  	s2 =	sld [smem:$0x3F9C];
	s0 =	simm.s32 @p1 $0x1  }
0x15: {  	[smem:$0x3FB9] =	sst s0;
	s0 =	simm.s32 @!p2 $0x0  }
0x16: {  	s3 =	sld [smem:$0x3FDB];
	s0 =	simm.s32 @p2 $0x1  }
0x17: {  	s4 =	simm.s32 $0x1BF5;
	[smem:$0x3FBB] =	sst s0  }
0x18: {  	s0 =	sld [smem:$0x3F9E];
	_ =	swait.ge [sflag:s4], $0x0  }
0x19: {  	s7 =	sld [smem:$0x3F9F]  }
0x1a: {  	s8 =	sadd.s32 $0xFFFFE003, lr  }
0x1b: {  	s9 =	sadd.s32 $0xFFFFFEF7, lr;
	s5 =	simm.s32 $0xFFFFFFFF;
	p2 =	slt.u32 s8, $0xFFFFF086  }
0x1c: {  	p1 =	slt.u32 s9, $0xF7A;
	s5 =	simm.s32 @!p2 $0x0  }
0x1d: {  	s5 =	simm.s32 @p1 $0x1;
	p0 =	seq.s32 s7, s2  }
0x1e: {  	s7 =	smul.u32 @!p0 $0xF7A, s2;
	p2 =	seq.s32 @!p0 s5, $0x0  }
0x1f: {  	s9 =	smul.u32 $0xF7A, s1;
	s8 =	simm.s32 @!p0 $0x1BF5;
	p2 =	por !p2, p0  }
0x20: {  	[sflag:s8] =	ssyncset.s32 @!p0 $0xFFFFF086;
	s6 =	sadd.s32 @!p0 s3, s7;
	s7 =	simm.s32 @!p0 $0x108  }
0x21: {  	s3 =	sadd.s32 s3, s9;
	s6 =	sadd.s32 @!p0 $0x88, s6;
	s7 =	simm.s32 @p2 $0x1082  }
0x22: {  	[simem:s7], [sflag:s8] =	dma.local @!p0 [hbm:s6], $0xF7A  }
0x23: {  	s9 =	sor.u32 $0xD0000000, s2;
	s6 =	simm.s32 $0x108;
	_ =	swait.ge @!p0 [sflag:s8], $0x0  }
0x24: {  	s3 =	sadd.s32 $0x88, s3;
	s6 =	simm.s32 @!p1 $0x1082;
	[sflag:s4] =	ssyncset.s32 $0xFFFFF086  }
0x25: {  	[simem:s6], [sflag:s4] =	dma.local [hbm:s3], $0xF7A  }
0x26: {  	[smem:$0x3F9F] =	sst s1;
	(tag) =	ssettag s2;
	_ =	strace s9  }
0x27: {  	s1 =	sld [smem:$0x3FAF]  }
0x28: {  	s2 =	sld [smem:$0x3FB0]  }
0x29: {  	s4 =	sld [smem:$0x3FB2]  }
0x2a: {  	p0 =	seq.s32 s5, $0x0;
	s5 =	sld [smem:$0x3FB3]  }
0x2b: {  	s6 =	sld [smem:$0x3FB4]  }
0x2c: {  	s7 =	sld [smem:$0x3FB5]  }
0x2d: {  	s3 =	simm.s32 $0x108;
	s8 =	sld [smem:$0x3FB6]  }
0x2e: {  	s3 =	simm.s32 @!p0 $0x1082;
	s9 =	sld [smem:$0x3FB7]  }
0x2f: {  	lr =	sadd.s32 s0, s3;
	s0 =	sld [smem:$0x3FAE]  }
0x30: {  	s3 =	sld [smem:$0x3FB1]  }
0x31: {  	[smem:$0x3FBA] =	sst s10  }
0x32: {  	s10 =	sld [smem:$0x3FB8];
	_ =	sdelay $0x3  }
0x33: {  	p0 =	seq.s32 s10, $0x1;
	s10 =	sld [smem:$0x3FBA];
	_ =	sdelay $0x3  }
0x34: {  	[smem:$0x3FBA] =	sst s10  }
0x35: {  	s10 =	sld [smem:$0x3FB9];
	_ =	sdelay $0x3  }
0x36: {  	p1 =	seq.s32 s10, $0x1;
	s10 =	sld [smem:$0x3FBA];
	_ =	sdelay $0x3  }
0x37: {  	[smem:$0x3FBA] =	sst s10  }
0x38: {  	s10 =	sld [smem:$0x3FBB]  }
0x39: {  	_ = 	snop;
	(pc) =	sbr.ind lr, $3  }
0x3a: {  	_ = 	snop  }
0x3b: {  	_ = 	snop  }
0x3c: {  	p2 =	seq.s32 s10, $0x1;
	s10 =	sld [smem:$0x3FBA]  }
0x3d: {  	_ =	shalt  }
0x3e: {  	_ =	shalt  }
0x3f: {  	_ =	shalt  }
0x40: {  	_ =	shalt  }
0x41: {  	_ =	shalt  }
0x42: {  	_ =	shalt  }
0x43: {  	_ =	shalt  }
0x44: {  	_ =	shalt  }
0x45: {  	_ =	shalt  }
0x46: {  	_ =	shalt  }
0x47: {  	_ =	shalt  }
0x48: {  	_ =	shalt  }
0x49: {  	_ =	shalt  }
0x4a: {  	_ =	shalt  }
0x4b: {  	_ =	shalt  }
0x4c: {  	_ =	shalt  }
0x4d: {  	_ =	shalt  }
0x4e: {  	_ =	shalt  }
0x4f: {  	_ =	shalt  }
0x50: {  	_ =	shalt  }
0x51: {  	_ =	shalt  }
0x52: {  	_ =	shalt  }
0x53: {  	_ =	shalt  }
0x54: {  	_ =	shalt  }
0x55: {  	_ =	shalt  }
0x56: {  	_ =	shalt  }
0x57: {  	_ =	shalt  }
0x58: {  	_ =	shalt  }
0x59: {  	_ =	shalt  }
0x5a: {  	_ =	shalt  }
0x5b: {  	_ =	shalt  }
0x5c: {  	_ =	shalt  }
0x5d: {  	_ =	shalt  }
0x5e: {  	_ =	shalt  }
0x5f: {  	_ =	shalt  }
0x60: {  	_ =	shalt  }
0x61: {  	_ =	shalt  }
0x62: {  	_ =	shalt  }
0x63: {  	_ =	shalt  }
0x64: {  	_ =	shalt  }
0x65: {  	_ =	shalt  }
0x66: {  	_ =	shalt  }
0x67: {  	_ =	shalt  }
0x68: {  	_ =	shalt  }
0x69: {  	_ =	shalt  }
0x6a: {  	_ =	shalt  }
0x6b: {  	_ =	shalt  }
0x6c: {  	_ =	shalt  }
0x6d: {  	_ =	shalt  }
0x6e: {  	_ =	shalt  }
0x6f: {  	_ =	shalt  }
0x70: {  	_ =	shalt  }
0x71: {  	_ =	shalt  }
0x72: {  	_ =	shalt  }
0x73: {  	_ =	shalt  }
0x74: {  	_ =	shalt  }
0x75: {  	_ =	shalt  }
0x76: {  	_ =	shalt  }
0x77: {  	_ =	shalt  }
0x78: {  	_ =	shalt  }
0x79: {  	_ =	shalt  }
0x7a: {  	_ =	shalt  }
0x7b: {  	_ =	shalt  }
0x7c: {  	_ =	shalt  }
0x7d: {  	_ =	shalt  }
0x7e: {  	_ =	shalt  }
0x7f: {  	_ =	shalt  }
0x80: {  	_ =	shalt  }
0x81: {  	_ =	shalt  }
0x82: {  	_ =	shalt  }
0x83: {  	_ =	shalt  }
0x84: {  	_ =	shalt  }
0x85: {  	_ =	shalt  }
0x86: {  	_ =	shalt  }
0x87: {  	_ =	shalt  }
.Lfunc_end0:
.L_simem_size_0:
called_computation_lowered:
.L_overlay_start_0:
0x88: {  	s2 =	sld [smem:$0x3FD9]  }
0x89: {  	s3 =	sld [smem:$0x3FFE];
	_ =	sdelay $0x1  }
0x8a: {  	s1 =	srdreg.scid  }
0x8b: {  	s0 =	sand.u32 $0x1, s1  }
0x8c: {  	s14 =	sshll.u32 s0, $0xA;
	s2 =	sadd.s32 s3, s2  }
0x8d: {  	s2 =	sadd.s32 s2, s14  }
0x8e: {  	[smem:$0x3FC6] =	sst s2  }
0x8f: {  	_ = 	snop  }
0x90: {  	s2 =	sld [smem:$0x3FD0];
	_ =	sdelay $0x2  }
0x91: {  	s15 =	simm.s32 $0xA;
	s4 =	simm.s32 $0x10  }
0x92: {  	[smem:s4], [sflag:s15] =	dma.local [hbm:s2], $0x1  }
0x93: {  	_ =	swait.eq [sflag:s15], $0x1  }
0x94: {  	[sflag:s15] =	ssyncset.done $0x0  }
0x95: {  	[sflag:s15] =	ssyncadd.s32 $0xFFFFFFFF  }
0x96: {  	s16 =	sld [smem:$0x10];
	(tm) =	ssettm $0x1  }
0x97: {  	s17 =	sld [smem:$0x3FFB];
	_ =	sdelay $0x3  }
0x98: {  	_ =	strace s17  }
0x99: {  	s3 =	sld [smem:$0x3FFC];
	_ =	sdelay $0x3  }
0x9a: {  	_ =	strace s3  }
0x9b: {  	s3 =	sld [smem:$0x3FFD];
	_ =	sdelay $0x3  }
0x9c: {  	_ =	strace s3  }
0x9d: {  	_ =	strace $0x8FFFFFFF  }
0x9e: {  	s18 =	sld [smem:$0x3FDB];
	_ =	sdelay $0x1  }
0x9f: {  	s19 =	simm.s32 $_scs_section_size  }
0xa0: {  	s5 =	simm.s32 $_size__tile_overlayer_lowered;
	s6 =	simm.s32 $_tile_overlayer_lowered  }
0xa1: {  	s22 =	simm.s32 $0x1BFF;
	s21 =	sshll.u32 s6, $0x1;
	s3 =	sadd.s32 s19, s18  }
0xa2: {  	s7 =	simm.s32 $0x0;
	s20 =	sshll.u32 s5, $0x1;
	s5 =	sadd.s32 s21, s3  }
0xa3: {  	[timem:s7], [sflag:s22] =	dma.local [hbm:s5], s20  }
0xa4: {  	_ =	swait.ge [sflag:s22], s20  }
0xa5: {  	s4 =	ssub.s32 $0x0, s20;
	[sflag:s22] =	ssyncset.done $0x0  }
0xa6: {  	[sflag:s22] =	ssyncadd.s32 s4;
	_ =	sdelay $0x1  }
0xa7: {  	s23 =	simm.s32 $0x1B8B  }
0xa8: {  	_ =	swait.ge [sflag:s23], $0x1  }
0xa9: {  	[sflag:s23] =	ssyncset.done $0x0  }
0xaa: {  	s25 =	simm.s32 $0x1B8E;
	s24 =	sld [smem:$0x3FFE];
	[sflag:s23] =	ssyncadd.s32 $0xFFFFFFFF  }
0xab: {  	s26 =	simm.s32 $execute0_lowered;
	[smem:$0x3FD2] =	sst s25  }
0xac: {  	s5 =	sshll.u32 s26, $0x1;
	_ =	strace $0x80000046;
	[dreg:$0x1] =	wrdreg $0xFFFFFFFF  }
0xad: {  	s28 =	simm.s32 $_size_execute0_lowered;
	s3 =	sadd.s32 s3, s5;
	[dreg:$0x0] =	wrdreg $0x0  }
0xae: {  	s5 =	sshll.u32 s28, $0x1;
	[dreg:$0x2] =	wrdreg s3  }
0xaf: {  	[dreg:$0x3] =	wrdreg s5  }
0xb0: {  	[dreg:$0x4] =	wrdreg $0xC0  }
0xb1: {  	_ =	task [dreg:s7], $0x5FFFF  }
0xb2: {  	[dreg:$0x1] =	wrdreg $0xFFFFFFFF  }
0xb3: {  	[dreg:$0x0] =	wrdreg $0x60  }
0xb4: {  	[dreg:$0x2] =	wrdreg s24  }
0xb5: {  	[dreg:$0x3] =	wrdreg s16  }
0xb6: {  	[dreg:$0x4] =	wrdreg $0x9  }
0xb7: {  	_ =	task.clear_ibuf [dreg:s7], $0x5FFFF;
	_ =	strace $0x90000046  }
0xb8: {  	s29 =	simm.s32 $0x9;
	_ =	strace $0x80000048  }
0xb9: {  	_ =	swait.ge [sflag:s29], $0x1  }
0xba: {  	[sflag:s29] =	ssyncadd.s32 $0xFFFFFFFF  }
0xbb: {  	_ =	strace $0x90000048  }
0xbc: {  	_ =	sfence  }
0xbd: {  	s30 =	sld [smem:$0x0];
	_ =	sdelay $0x2  }
0xbe: {  	s31 =	sshll.u32 s1, $0xD;
	s1 =	sshrl.u32 s1, $0x2  }
0xbf: {  	s3 =	sand.u32 $0x4000, s31;
	s1 =	sadd.s32 s1, s30  }
0xc0: {  	s0 =	sor.u32 s3, s0;
	s1 =	sshll.u32 s1, $0x11  }
0xc1: {  	s0 =	sor.u32 s1, s0  }
0xc2: {  	s0 =	sadd.s32 $0x8F2B, s0  }
0xc3: {  	[sflag:s0] =	ssyncadd.remote.s32 $0x1  }
0xc4: {  	_ =	sfence.sel $0xFFFF  }
0xc5: {  	[dreg:$0x0] =	wrdreg $0xFFFFFFFF;
	(pc) =	sbr.abs _section_cstart, $3  }
0xc6: {  	[dreg:$0x1] =	wrdreg $0xFFFFFFFF  }
0xc7: {  	_ =	task.clear_ibuf [dreg:s7], $0x2FFFF;
	_ =	strace $0x9FFFFFFF  }
0xc8: {  	(tm) =	ssettm $0x7FFFFFFF  }
0xc9: {  	_ =	shalt  }
tec
execute0_lowered:
.L_overlay_start_1:
0x0: {  	(tag) =	ssettag $0x1  }
0x1: {  	s1 =	srdreg.scid  }
0x2: {  	s5 =	rddreg [dreg:$0x0];
	s0 =	stileid.u32;
	s23 =	sand.u32 $0x1, s1  }
0x3: {  	s22 =	rddreg [dreg:$0x1];
	s3 =	sshll.u32 s0, $0xC;
	s4 =	sshll.u32 s23, $0xB  }
0x4: {  	s2 =	simm.s32 $0x0;
	s1 =	rddreg [dreg:$0x2];
	s24 =	sor.u32 s4, s3  }
0x5: {  	[smem:$0x7FF] =	sst s2;
	s21 =	sadd.s32 $0x200, s5;
	s3 =	sshrl.u32 s24, $0x3  }
0x6: {  	_ =	strace $0x80000047;
	s4 =	sadd.s32 s21, s3;
	s3 =	simm.s32 $0x2  }
0x7: {  	[tilespmem:s2], [sflag:$0x2] =	stream.linear.gather [hbm4b:s4+s2], $0x100, $0x38;
	[tilespmem:$0x4100] =	vst v63  }
0x8: {  	_ =	swait.ge [sflag:s3], $0x100  }
0x9: {  	s6 =	simm.s32 $0x100;
	[sflag:s3] =	ssyncset.done $0x0  }
0xa: {  	s7 =	simm.s32 $0x1;
	s5 =	sadd.s32 $0x2200, s5;
	[sflag:s3] =	ssyncadd.s32 $0xFFFFFF00  }
0xb: {  	[tilespmem:s6], [sflag:$0x1] =	stream.indirect.gather [hbm4b:s5+s6], $0x40, s2, s6, $0xb8;
	[tilespmem:$0x4100] =	vst v63  }
0xc: {  	_ =	swait.ge [sflag:s7], $0x4000  }
0xd: {  	s8 =	sshll.u32 s24, $0x3;
	[sflag:s7] =	ssyncset.done $0x0  }
0xe: {  	s8 =	sadd.s32 s22, s8;
	[sflag:s7] =	ssyncadd.s32 $0xFFFFC000  }
0xf: {  	[hbm4b:s8+s2] =	stream.linear.scatter [tilespmem:s6], [sflag:$0x2], $0x4000, $0x38;
	[tilespmem:$0x4100] =	vst v63  }
0x10: {  	s10 =	sor.u32 $0x100, s24;
	_ =	swait.ge [sflag:s3], $0x4000  }
0x11: {  	s9 =	sshrl.u32 s10, $0x3;
	[sflag:s3] =	ssyncset.done $0x0  }
0x12: {  	s9 =	sadd.s32 s21, s9;
	[sflag:s3] =	ssyncadd.s32 $0xFFFFC000  }
0x13: {  	[tilespmem:s2], [sflag:$0x2] =	stream.linear.gather [hbm4b:s9+s2], $0x100, $0x38;
	[tilespmem:$0x4100] =	vst v63  }
0x14: {  	_ =	swait.ge [sflag:s3], $0x100  }
0x15: {  	[sflag:s3] =	ssyncset.done $0x0  }
0x16: {  	[sflag:s3] =	ssyncadd.s32 $0xFFFFFF00  }
0x17: {  	[tilespmem:s6], [sflag:$0x1] =	stream.indirect.gather [hbm4b:s5+s6], $0x40, s2, s6, $0xb8;
	[tilespmem:$0x4100] =	vst v63  }
0x18: {  	_ =	swait.ge [sflag:s7], $0x4000  }
0x19: {  	s10 =	sshll.u32 s10, $0x3;
	[sflag:s7] =	ssyncset.done $0x0  }
0x1a: {  	s10 =	sadd.s32 s22, s10;
	[sflag:s7] =	ssyncadd.s32 $0xFFFFC000  }
0x1b: {  	[hbm4b:s10+s2] =	stream.linear.scatter [tilespmem:s6], [sflag:$0x2], $0x4000, $0x38;
	[tilespmem:$0x4100] =	vst v63  }
0x1c: {  	s12 =	sor.u32 $0x200, s24;
	_ =	swait.ge [sflag:s3], $0x4000  }
0x1d: {  	s11 =	sshrl.u32 s12, $0x3;
	[sflag:s3] =	ssyncset.done $0x0  }
0x1e: {  	s11 =	sadd.s32 s21, s11;
	[sflag:s3] =	ssyncadd.s32 $0xFFFFC000  }
0x1f: {  	[tilespmem:s2], [sflag:$0x2] =	stream.linear.gather [hbm4b:s11+s2], $0x100, $0x38;
	[tilespmem:$0x4100] =	vst v63  }
0x20: {  	_ =	swait.ge [sflag:s3], $0x100  }
0x21: {  	[sflag:s3] =	ssyncset.done $0x0  }
0x22: {  	[sflag:s3] =	ssyncadd.s32 $0xFFFFFF00  }
0x23: {  	[tilespmem:s6], [sflag:$0x1] =	stream.indirect.gather [hbm4b:s5+s6], $0x40, s2, s6, $0xb8;
	[tilespmem:$0x4100] =	vst v63  }
0x24: {  	_ =	swait.ge [sflag:s7], $0x4000  }
0x25: {  	s12 =	sshll.u32 s12, $0x3;
	[sflag:s7] =	ssyncset.done $0x0  }
0x26: {  	s12 =	sadd.s32 s22, s12;
	[sflag:s7] =	ssyncadd.s32 $0xFFFFC000  }
0x27: {  	[hbm4b:s12+s2] =	stream.linear.scatter [tilespmem:s6], [sflag:$0x2], $0x4000, $0x38;
	[tilespmem:$0x4100] =	vst v63  }
0x28: {  	s14 =	sor.u32 $0x300, s24;
	_ =	swait.ge [sflag:s3], $0x4000  }
0x29: {  	s13 =	sshrl.u32 s14, $0x3;
	[sflag:s3] =	ssyncset.done $0x0  }
0x2a: {  	s13 =	sadd.s32 s21, s13;
	[sflag:s3] =	ssyncadd.s32 $0xFFFFC000  }
0x2b: {  	[tilespmem:s2], [sflag:$0x2] =	stream.linear.gather [hbm4b:s13+s2], $0x100, $0x38;
	[tilespmem:$0x4100] =	vst v63  }
0x2c: {  	_ =	swait.ge [sflag:s3], $0x100  }
0x2d: {  	[sflag:s3] =	ssyncset.done $0x0  }
0x2e: {  	[sflag:s3] =	ssyncadd.s32 $0xFFFFFF00  }
0x2f: {  	[tilespmem:s6], [sflag:$0x1] =	stream.indirect.gather [hbm4b:s5+s6], $0x40, s2, s6, $0xb8;
	[tilespmem:$0x4100] =	vst v63  }
0x30: {  	_ =	swait.ge [sflag:s7], $0x4000  }
0x31: {  	s14 =	sshll.u32 s14, $0x3;
	[sflag:s7] =	ssyncset.done $0x0  }
0x32: {  	s14 =	sadd.s32 s22, s14;
	[sflag:s7] =	ssyncadd.s32 $0xFFFFC000  }
0x33: {  	[hbm4b:s14+s2] =	stream.linear.scatter [tilespmem:s6], [sflag:$0x2], $0x4000, $0x38;
	[tilespmem:$0x4100] =	vst v63  }
0x34: {  	s16 =	sor.u32 $0x400, s24;
	_ =	swait.ge [sflag:s3], $0x4000  }
0x35: {  	s15 =	sshrl.u32 s16, $0x3;
	[sflag:s3] =	ssyncset.done $0x0  }
0x36: {  	s15 =	sadd.s32 s21, s15;
	[sflag:s3] =	ssyncadd.s32 $0xFFFFC000  }
0x37: {  	[tilespmem:s2], [sflag:$0x2] =	stream.linear.gather [hbm4b:s15+s2], $0x100, $0x38;
	[tilespmem:$0x4100] =	vst v63  }
0x38: {  	_ =	swait.ge [sflag:s3], $0x100  }
0x39: {  	[sflag:s3] =	ssyncset.done $0x0  }
0x3a: {  	[sflag:s3] =	ssyncadd.s32 $0xFFFFFF00  }
0x3b: {  	[tilespmem:s6], [sflag:$0x1] =	stream.indirect.gather [hbm4b:s5+s6], $0x40, s2, s6, $0xb8;
	[tilespmem:$0x4100] =	vst v63  }
0x3c: {  	_ =	swait.ge [sflag:s7], $0x4000  }
0x3d: {  	s16 =	sshll.u32 s16, $0x3;
	[sflag:s7] =	ssyncset.done $0x0  }
0x3e: {  	s16 =	sadd.s32 s22, s16;
	[sflag:s7] =	ssyncadd.s32 $0xFFFFC000  }
0x3f: {  	[hbm4b:s16+s2] =	stream.linear.scatter [tilespmem:s6], [sflag:$0x2], $0x4000, $0x38;
	[tilespmem:$0x4100] =	vst v63  }
0x40: {  	s18 =	sor.u32 $0x500, s24;
	_ =	swait.ge [sflag:s3], $0x4000  }
0x41: {  	s17 =	sshrl.u32 s18, $0x3;
	[sflag:s3] =	ssyncset.done $0x0  }
0x42: {  	s17 =	sadd.s32 s21, s17;
	[sflag:s3] =	ssyncadd.s32 $0xFFFFC000  }
0x43: {  	[tilespmem:s2], [sflag:$0x2] =	stream.linear.gather [hbm4b:s17+s2], $0x100, $0x38;
	[tilespmem:$0x4100] =	vst v63  }
0x44: {  	_ =	swait.ge [sflag:s3], $0x100  }
0x45: {  	[sflag:s3] =	ssyncset.done $0x0  }
0x46: {  	[sflag:s3] =	ssyncadd.s32 $0xFFFFFF00  }
0x47: {  	[tilespmem:s6], [sflag:$0x1] =	stream.indirect.gather [hbm4b:s5+s6], $0x40, s2, s6, $0xb8;
	[tilespmem:$0x4100] =	vst v63  }
0x48: {  	_ =	swait.ge [sflag:s7], $0x4000  }
0x49: {  	s18 =	sshll.u32 s18, $0x3;
	[sflag:s7] =	ssyncset.done $0x0  }
0x4a: {  	s18 =	sadd.s32 s22, s18;
	[sflag:s7] =	ssyncadd.s32 $0xFFFFC000  }
0x4b: {  	[hbm4b:s18+s2] =	stream.linear.scatter [tilespmem:s6], [sflag:$0x2], $0x4000, $0x38;
	[tilespmem:$0x4100] =	vst v63  }
0x4c: {  	s20 =	sor.u32 $0x600, s24;
	_ =	swait.ge [sflag:s3], $0x4000  }
0x4d: {  	s19 =	sshrl.u32 s20, $0x3;
	[sflag:s3] =	ssyncset.done $0x0  }
0x4e: {  	s19 =	sadd.s32 s21, s19;
	[sflag:s3] =	ssyncadd.s32 $0xFFFFC000  }
0x4f: {  	[tilespmem:s2], [sflag:$0x2] =	stream.linear.gather [hbm4b:s19+s2], $0x100, $0x38;
	[tilespmem:$0x4100] =	vst v63  }
0x50: {  	_ =	swait.ge [sflag:s3], $0x100  }
0x51: {  	[sflag:s3] =	ssyncset.done $0x0  }
0x52: {  	[sflag:s3] =	ssyncadd.s32 $0xFFFFFF00  }
0x53: {  	[tilespmem:s6], [sflag:$0x1] =	stream.indirect.gather [hbm4b:s5+s6], $0x40, s2, s6, $0xb8;
	[tilespmem:$0x4100] =	vst v63  }
0x54: {  	_ =	swait.ge [sflag:s7], $0x4000  }
0x55: {  	s20 =	sshll.u32 s20, $0x3;
	[sflag:s7] =	ssyncset.done $0x0  }
0x56: {  	s20 =	sadd.s32 s22, s20;
	[sflag:s7] =	ssyncadd.s32 $0xFFFFC000  }
0x57: {  	[hbm4b:s20+s2] =	stream.linear.scatter [tilespmem:s6], [sflag:$0x2], $0x4000, $0x38;
	[tilespmem:$0x4100] =	vst v63  }
0x58: {  	s24 =	sor.u32 $0x700, s24;
	_ =	swait.ge [sflag:s3], $0x4000  }
0x59: {  	s25 =	sshrl.u32 s24, $0x3;
	[sflag:s3] =	ssyncset.done $0x0  }
0x5a: {  	s23 =	ssub.s32 $0x2, s23;
	s21 =	sadd.s32 s21, s25;
	[sflag:s3] =	ssyncadd.s32 $0xFFFFC000  }
0x5b: {  	[tilespmem:s2], [sflag:$0x2] =	stream.linear.gather [hbm4b:s21+s2], $0x100, $0x38;
	[tilespmem:$0x4100] =	vst v63  }
0x5c: {  	s31 =	sshrl.u32 s23, $0x1;
	_ =	swait.ge [sflag:s3], $0x100  }
0x5d: {  	s23 =	ssub.s32 s23, s31;
	[sflag:s3] =	ssyncset.done $0x0  }
0x5e: {  	s23 =	smax.u32 s23, $0x1;
	[sflag:s3] =	ssyncadd.s32 $0xFFFFFF00  }
0x5f: {  	[tilespmem:s6], [sflag:$0x1] =	stream.indirect.gather [hbm4b:s5+s6], $0x40, s2, s6, $0xb8;
	[tilespmem:$0x4100] =	vst v63  }
0x60: {  	p0 =	sne.s32 s23, $0x1;
	_ =	swait.ge [sflag:s7], $0x4000  }
.Ltmp0:
0x61: {  	s24 =	sshll.u32 s24, $0x3;
	[sflag:s7] =	ssyncset.done $0x0;
	(pc) =	sbr.rel @!p0 .LBB2_2-.Ltmp0, $4  }
0x62: {  	s22 =	sadd.s32 s22, s24;
	[sflag:s7] =	ssyncadd.s32 $0xFFFFC000  }
0x63: {  	[hbm4b:s22+s2] =	stream.linear.scatter [tilespmem:s6], [sflag:$0x2], $0x4000, $0x38;
	[tilespmem:$0x4100] =	vst v63  }
0x64: {  	_ =	swait.ge [sflag:s3], $0x4000  }
0x65: {  	s23 =	sadd.s32 $0xFFFFFFFF, s23;
	[sflag:s3] =	ssyncset.done $0x0  }
.LBB2_1:
0x66: {  	p0 =	sne.s32 s23, $0x1;
	s23 =	sadd.s32 $0xFFFFFFFF, s23;
	[sflag:s3] =	ssyncadd.s32 $0xFFFFC000  }
0x67: {  	[tilespmem:s2], [sflag:$0x2] =	stream.linear.gather [hbm4b:s4+s2], $0x100, $0x38;
	[tilespmem:$0x4100] =	vst v63  }
0x68: {  	_ =	swait.ge [sflag:s3], $0x100  }
0x69: {  	[sflag:s3] =	ssyncset.done $0x0  }
0x6a: {  	[sflag:s3] =	ssyncadd.s32 $0xFFFFFF00  }
0x6b: {  	[tilespmem:s6], [sflag:$0x1] =	stream.indirect.gather [hbm4b:s5+s6], $0x40, s2, s6, $0xb8;
	[tilespmem:$0x4100] =	vst v63  }
0x6c: {  	_ =	swait.ge [sflag:s7], $0x4000  }
0x6d: {  	[sflag:s7] =	ssyncset.done $0x0  }
0x6e: {  	[sflag:s7] =	ssyncadd.s32 $0xFFFFC000  }
0x6f: {  	[hbm4b:s8+s2] =	stream.linear.scatter [tilespmem:s6], [sflag:$0x2], $0x4000, $0x38;
	[tilespmem:$0x4100] =	vst v63  }
0x70: {  	_ =	swait.ge [sflag:s3], $0x4000  }
0x71: {  	[sflag:s3] =	ssyncset.done $0x0  }
0x72: {  	[sflag:s3] =	ssyncadd.s32 $0xFFFFC000  }
0x73: {  	[tilespmem:s2], [sflag:$0x2] =	stream.linear.gather [hbm4b:s9+s2], $0x100, $0x38;
	[tilespmem:$0x4100] =	vst v63  }
0x74: {  	_ =	swait.ge [sflag:s3], $0x100  }
0x75: {  	[sflag:s3] =	ssyncset.done $0x0  }
0x76: {  	[sflag:s3] =	ssyncadd.s32 $0xFFFFFF00  }
0x77: {  	[tilespmem:s6], [sflag:$0x1] =	stream.indirect.gather [hbm4b:s5+s6], $0x40, s2, s6, $0xb8;
	[tilespmem:$0x4100] =	vst v63  }
0x78: {  	_ =	swait.ge [sflag:s7], $0x4000  }
0x79: {  	[sflag:s7] =	ssyncset.done $0x0  }
0x7a: {  	[sflag:s7] =	ssyncadd.s32 $0xFFFFC000  }
0x7b: {  	[hbm4b:s10+s2] =	stream.linear.scatter [tilespmem:s6], [sflag:$0x2], $0x4000, $0x38;
	[tilespmem:$0x4100] =	vst v63  }
0x7c: {  	_ =	swait.ge [sflag:s3], $0x4000  }
0x7d: {  	[sflag:s3] =	ssyncset.done $0x0  }
0x7e: {  	[sflag:s3] =	ssyncadd.s32 $0xFFFFC000  }
0x7f: {  	[tilespmem:s2], [sflag:$0x2] =	stream.linear.gather [hbm4b:s11+s2], $0x100, $0x38;
	[tilespmem:$0x4100] =	vst v63  }
0x80: {  	_ =	swait.ge [sflag:s3], $0x100  }
0x81: {  	[sflag:s3] =	ssyncset.done $0x0  }
0x82: {  	[sflag:s3] =	ssyncadd.s32 $0xFFFFFF00  }
0x83: {  	[tilespmem:s6], [sflag:$0x1] =	stream.indirect.gather [hbm4b:s5+s6], $0x40, s2, s6, $0xb8;
	[tilespmem:$0x4100] =	vst v63  }
0x84: {  	_ =	swait.ge [sflag:s7], $0x4000  }
0x85: {  	[sflag:s7] =	ssyncset.done $0x0  }
0x86: {  	[sflag:s7] =	ssyncadd.s32 $0xFFFFC000  }
0x87: {  	[hbm4b:s12+s2] =	stream.linear.scatter [tilespmem:s6], [sflag:$0x2], $0x4000, $0x38;
	[tilespmem:$0x4100] =	vst v63  }
0x88: {  	_ =	swait.ge [sflag:s3], $0x4000  }
0x89: {  	[sflag:s3] =	ssyncset.done $0x0  }
0x8a: {  	[sflag:s3] =	ssyncadd.s32 $0xFFFFC000  }
0x8b: {  	[tilespmem:s2], [sflag:$0x2] =	stream.linear.gather [hbm4b:s13+s2], $0x100, $0x38;
	[tilespmem:$0x4100] =	vst v63  }
0x8c: {  	_ =	swait.ge [sflag:s3], $0x100  }
0x8d: {  	[sflag:s3] =	ssyncset.done $0x0  }
0x8e: {  	[sflag:s3] =	ssyncadd.s32 $0xFFFFFF00  }
0x8f: {  	[tilespmem:s6], [sflag:$0x1] =	stream.indirect.gather [hbm4b:s5+s6], $0x40, s2, s6, $0xb8;
	[tilespmem:$0x4100] =	vst v63  }
0x90: {  	_ =	swait.ge [sflag:s7], $0x4000  }
0x91: {  	[sflag:s7] =	ssyncset.done $0x0  }
0x92: {  	[sflag:s7] =	ssyncadd.s32 $0xFFFFC000  }
0x93: {  	[hbm4b:s14+s2] =	stream.linear.scatter [tilespmem:s6], [sflag:$0x2], $0x4000, $0x38;
	[tilespmem:$0x4100] =	vst v63  }
0x94: {  	_ =	swait.ge [sflag:s3], $0x4000  }
0x95: {  	[sflag:s3] =	ssyncset.done $0x0  }
0x96: {  	[sflag:s3] =	ssyncadd.s32 $0xFFFFC000  }
0x97: {  	[tilespmem:s2], [sflag:$0x2] =	stream.linear.gather [hbm4b:s15+s2], $0x100, $0x38;
	[tilespmem:$0x4100] =	vst v63  }
0x98: {  	_ =	swait.ge [sflag:s3], $0x100  }
0x99: {  	[sflag:s3] =	ssyncset.done $0x0  }
0x9a: {  	[sflag:s3] =	ssyncadd.s32 $0xFFFFFF00  }
0x9b: {  	[tilespmem:s6], [sflag:$0x1] =	stream.indirect.gather [hbm4b:s5+s6], $0x40, s2, s6, $0xb8;
	[tilespmem:$0x4100] =	vst v63  }
0x9c: {  	_ =	swait.ge [sflag:s7], $0x4000  }
0x9d: {  	[sflag:s7] =	ssyncset.done $0x0  }
0x9e: {  	[sflag:s7] =	ssyncadd.s32 $0xFFFFC000  }
0x9f: {  	[hbm4b:s16+s2] =	stream.linear.scatter [tilespmem:s6], [sflag:$0x2], $0x4000, $0x38;
	[tilespmem:$0x4100] =	vst v63  }
0xa0: {  	_ =	swait.ge [sflag:s3], $0x4000  }
0xa1: {  	[sflag:s3] =	ssyncset.done $0x0  }
0xa2: {  	[sflag:s3] =	ssyncadd.s32 $0xFFFFC000  }
0xa3: {  	[tilespmem:s2], [sflag:$0x2] =	stream.linear.gather [hbm4b:s17+s2], $0x100, $0x38;
	[tilespmem:$0x4100] =	vst v63  }
0xa4: {  	_ =	swait.ge [sflag:s3], $0x100  }
0xa5: {  	[sflag:s3] =	ssyncset.done $0x0  }
0xa6: {  	[sflag:s3] =	ssyncadd.s32 $0xFFFFFF00  }
0xa7: {  	[tilespmem:s6], [sflag:$0x1] =	stream.indirect.gather [hbm4b:s5+s6], $0x40, s2, s6, $0xb8;
	[tilespmem:$0x4100] =	vst v63  }
0xa8: {  	_ =	swait.ge [sflag:s7], $0x4000  }
0xa9: {  	[sflag:s7] =	ssyncset.done $0x0  }
0xaa: {  	[sflag:s7] =	ssyncadd.s32 $0xFFFFC000  }
0xab: {  	[hbm4b:s18+s2] =	stream.linear.scatter [tilespmem:s6], [sflag:$0x2], $0x4000, $0x38;
	[tilespmem:$0x4100] =	vst v63  }
0xac: {  	_ =	swait.ge [sflag:s3], $0x4000  }
0xad: {  	[sflag:s3] =	ssyncset.done $0x0  }
0xae: {  	[sflag:s3] =	ssyncadd.s32 $0xFFFFC000  }
0xaf: {  	[tilespmem:s2], [sflag:$0x2] =	stream.linear.gather [hbm4b:s19+s2], $0x100, $0x38;
	[tilespmem:$0x4100] =	vst v63  }
0xb0: {  	_ =	swait.ge [sflag:s3], $0x100  }
0xb1: {  	[sflag:s3] =	ssyncset.done $0x0  }
0xb2: {  	[sflag:s3] =	ssyncadd.s32 $0xFFFFFF00  }
0xb3: {  	[tilespmem:s6], [sflag:$0x1] =	stream.indirect.gather [hbm4b:s5+s6], $0x40, s2, s6, $0xb8;
	[tilespmem:$0x4100] =	vst v63  }
0xb4: {  	_ =	swait.ge [sflag:s7], $0x4000  }
0xb5: {  	[sflag:s7] =	ssyncset.done $0x0  }
0xb6: {  	[sflag:s7] =	ssyncadd.s32 $0xFFFFC000  }
0xb7: {  	[hbm4b:s20+s2] =	stream.linear.scatter [tilespmem:s6], [sflag:$0x2], $0x4000, $0x38;
	[tilespmem:$0x4100] =	vst v63  }
0xb8: {  	_ =	swait.ge [sflag:s3], $0x4000  }
0xb9: {  	[sflag:s3] =	ssyncset.done $0x0  }
0xba: {  	[sflag:s3] =	ssyncadd.s32 $0xFFFFC000  }
0xbb: {  	[tilespmem:s2], [sflag:$0x2] =	stream.linear.gather [hbm4b:s21+s2], $0x100, $0x38;
	[tilespmem:$0x4100] =	vst v63  }
0xbc: {  	_ =	swait.ge [sflag:s3], $0x100  }
0xbd: {  	[sflag:s3] =	ssyncset.done $0x0  }
0xbe: {  	[sflag:s3] =	ssyncadd.s32 $0xFFFFFF00  }
0xbf: {  	[tilespmem:s6], [sflag:$0x1] =	stream.indirect.gather [hbm4b:s5+s6], $0x40, s2, s6, $0xb8;
	[tilespmem:$0x4100] =	vst v63  }
0xc0: {  	_ =	swait.ge [sflag:s7], $0x4000  }
.Ltmp1:
0xc1: {  	[sflag:s7] =	ssyncset.done $0x0;
	(pc) =	sbr.rel @p0 .LBB2_1-.Ltmp1, $4  }
0xc2: {  	[sflag:s7] =	ssyncadd.s32 $0xFFFFC000  }
0xc3: {  	[hbm4b:s22+s2] =	stream.linear.scatter [tilespmem:s6], [sflag:$0x2], $0x4000, $0x38;
	[tilespmem:$0x4100] =	vst v63  }
0xc4: {  	_ =	swait.ge [sflag:s3], $0x4000  }
0xc5: {  	[sflag:s3] =	ssyncset.done $0x0  }
.LBB2_2:
0xc6: {  	[sflag:s3] =	ssyncadd.s32 $0xFFFFC000  }
0xc7: {  	_ =	sfence.sel $0x180000  }
0xc8: {  	[bflag:$0x0] =	sbarrier.arrive $0xFFFF  }
0xc9: {  	p0 =	sne.s32 s0, $0x0;
	_ =	strace $0x90000047  }
0xca: {  	s0 =	sadd.s32 @!p0 $0x100000, s1;
	[bflag:$0x2] =	sbarrier.arrive $0xFFFF  }
0xcb: {  	[sflag:s0] =	ssyncadd.tile.s32 @!p0 $0x1;
	_ =	shalt  }
.Lfunc_end2:
_tile_overlayer_lowered:
.L_overlay_start_2:
0xcc: {  	(tag) =	ssettag $0x2  }
0xcd: {  	s0 =	rddreg [dreg:$0x0];
	s2 =	stileid.u32  }
0xce: {  	s1 =	rddreg [dreg:$0x1];
	p0 =	sne.s32 s2, $0x0  }
0xcf: {  	s3 =	rddreg [dreg:$0x2];
	[bflag:$0x3] =	sbarrier.arrive $0xFFFF;
	s2 =	simm.s32 @!p0 $0x1C02  }
0xd0: {  	[timem:s3], [sflag:s2] =	dma.local @!p0 [hbm:s0], s1  }
0xd1: {  	s0 =	simm.s32 @!p0 $0x2  }
0xd2: {  	_ =	swait.ge @!p0 [sflag:s0], s1  }
0xd3: {  	s1 =	ssub.s32 @!p0 $0x0, s1;
	[sflag:s0] =	ssyncset.done @!p0 $0x0  }
0xd4: {  	[sflag:s0] =	ssyncadd.s32 @!p0 s1  }
0xd5: {  	[bflag:$0x3] =	sbarrier.arrive $0xFFFF  }
0xd6: {  	_ =	shalt  }

</sc_bundles>
